<compile_context>
chip_gen: v7x
topology: tpu7x:2x2x1
jax: 0.10.2.dev20260603
libtpu: 0.0.44.dev20260713+nightly
codegen_flags: <defaults>
</compile_context>

<pallas_src>
import functools

import jax
import jax.numpy as jnp
from jax import lax
from jax.experimental import pallas as pl
from jax.experimental.pallas import tpu as pltpu, tpu_sc as plsc

N = 1600000
NMOL = 50000
NELEM = 119
NC = 2
NS = 16
NW = NC * NS
MPW = 1568
LASTW = NMOL - (NW - 1) * MPW
CH = 4096
NB = N // 16


def _refine(mol_idx_hbm, blk_v, lo, target):
    bm1 = jnp.maximum(lo - 1, 0)
    off = pl.multiple_of(bm1 * 16, 16)
    pltpu.sync_copy(mol_idx_hbm.at[pl.ds(off, 16)], blk_v)
    blk = blk_v[...]
    cnt = jnp.int32(0)
    for k in range(16):
        cnt = cnt + jnp.where(blk[k] < target, 1, 0).astype(jnp.int32)
    return jnp.where(lo == 0, 0, bm1 * 16 + cnt)


def _dual_lower_bound(mol_idx_hbm, blkA_v, blkB_v, semA, semB, tgt1, tgt2):

    def body(_, st):
        lo1, hi1, lo2, hi2 = st
        mid1 = (lo1 + hi1) // 2
        mid2 = (lo2 + hi2) // 2
        d1 = pltpu.make_async_copy(
            mol_idx_hbm.at[pl.ds(pl.multiple_of(mid1 * 16, 16), 16)], blkA_v, semA)
        d2 = pltpu.make_async_copy(
            mol_idx_hbm.at[pl.ds(pl.multiple_of(mid2 * 16, 16), 16)], blkB_v, semB)
        d1.start()
        d2.start()
        d1.wait()
        d2.wait()
        ge1 = blkA_v[...][0] >= tgt1
        ge2 = blkB_v[...][0] >= tgt2
        return (jnp.where(ge1, lo1, mid1 + 1), jnp.where(ge1, mid1, hi1),
                jnp.where(ge2, lo2, mid2 + 1), jnp.where(ge2, mid2, hi2))

    z = jnp.int32(0)
    nb = jnp.int32(NB)
    lo1, _, lo2, _ = lax.fori_loop(0, 17, body, (z, nb, z, nb))
    return (_refine(mol_idx_hbm, blkA_v, lo1, tgt1),
            _refine(mol_idx_hbm, blkB_v, lo2, tgt2))


def _body(charges_hbm, xyz_hbm, numbers_hbm, mol_idx_hbm,
          mass_hbm, ox_hbm, oy_hbm, oz_hbm,
          mass_v, q_v, c_v, n_v, i_v, acc_v, obx_v, oby_v, obz_v,
          blk_v, blk2_v, semA, semB):
    wid = lax.axis_index("s") * NC + lax.axis_index("c")
    lo_mol = wid * MPW
    hi_mol = jnp.minimum(lo_mol + MPW, NMOL)

    pltpu.sync_copy(mass_hbm, mass_v)

    start, end = _dual_lower_bound(mol_idx_hbm, blk_v, blk2_v, semA, semB,
                                   lo_mol, hi_mol)
    start_al = (start // 128) * 128
    end_al = ((end + 127) // 128) * 128

    iota = lax.iota(jnp.int32, 16)
    zeros = jnp.zeros((16,), jnp.float32)
    first_lane = iota == 0
    last_lane = iota == 15

    def zero_body(i, _):
        acc_v[pl.ds(i * 16, 16)] = zeros
        return 0

    lax.fori_loop(0, MPW * 8 // 16, zero_body, 0)

    nchunks = (end_al - start_al + CH - 1) // CH

    def _chunk_base(ci):
        logical = start_al + ci * CH
        return pl.multiple_of(jnp.minimum(logical, N - CH), 128), logical

    def _descs(ci, o, oi, sem):
        b, _ = _chunk_base(ci)
        yield pltpu.make_async_copy(charges_hbm.at[pl.ds(b, CH)],
                                    q_v.at[pl.ds(o, CH)], sem)
        yield pltpu.make_async_copy(xyz_hbm.at[pl.ds(b * 3, CH * 3)],
                                    c_v.at[pl.ds(o * 3, CH * 3)], sem)
        yield pltpu.make_async_copy(numbers_hbm.at[pl.ds(b, CH)],
                                    n_v.at[pl.ds(o, CH)], sem)
        yield pltpu.make_async_copy(mol_idx_hbm.at[pl.ds(b, CH)],
                                    i_v.at[pl.ds(oi, CH)], sem)

    def _fire(ci, o, oi, sem):
        for d in _descs(ci, o, oi, sem):
            d.start()

    def _drain(ci, o, oi, sem):
        for d in _descs(ci, o, oi, sem):
            d.wait()

    @pl.when(nchunks > 0)
    def _():
        _fire(0, 0, 16, semA)

    def chunk_body(ci, _):
        par0 = lax.rem(ci, 2) == 0
        more = ci + 1 < nchunks

        @pl.when(par0)
        def _():
            _drain(ci, 0, 16, semA)

        @pl.when(~par0)
        def _():
            _drain(ci, CH, CH + 48, semB)

        @pl.when(more & par0)
        def _():
            _fire(ci + 1, CH, CH + 48, semB)

        @pl.when(more & ~par0)
        def _():
            _fire(ci + 1, 0, 16, semA)

        o = jnp.where(par0, 0, CH)
        oi = jnp.where(par0, 16, CH + 48)
        b, logical = _chunk_base(ci)
        c_lo = jnp.maximum(start, logical)
        c_hi = jnp.minimum(end, logical + CH)

        @plsc.parallel_loop(0, CH // 16, 1, unroll=2)
        def grp_body(g):
            p = g * 16
            a = b + p + iota
            mask = (a >= c_lo) & (a < c_hi)
            ids = i_v[pl.ds(oi + p, 16)]
            prv = i_v[pl.ds(oi - 1 + p, 16)]
            nxt = i_v[pl.ds(oi + 1 + p, 16)]
            is_first = (ids != prv) | first_lane
            is_last = (ids != nxt) | last_lane
            emit = is_first | is_last
            rel = jnp.clip(ids - lo_mol, 0, MPW - 1)
            q = q_v[pl.ds(o + p, 16)]
            nums = n_v[pl.ds(o + p, 16)]
            m = plsc.load_gather(mass_v, [nums])
            base3 = o * 3 + (g // 8) * 384 + lax.rem(g, 8) * 16
            x = c_v[pl.ds(base3, 16)]
            y = c_v[pl.ds(base3 + 128, 16)]
            z = c_v[pl.ds(base3 + 256, 16)]
            m = jnp.where(mask, m, 0.0)
            q = jnp.where(mask, q, 0.0)
            b8 = rel * 8

            def emit_runsum(off, v):
                c = plsc.cumsum(v)
                val = jnp.where(is_last, c, 0.0) - jnp.where(is_first, c - v, 0.0)
                plsc.addupdate_scatter(acc_v, [b8 + off], val, mask=emit)

            emit_runsum(0, m)
            emit_runsum(1, m * x)
            emit_runsum(2, m * y)
            emit_runsum(3, m * z)
            emit_runsum(4, q)
            emit_runsum(5, q * x)
            emit_runsum(6, q * y)
            emit_runsum(7, q * z)

        return 0

    lax.fori_loop(0, nchunks, chunk_body, 0)

    def fin_body(j, _):
        r8 = (j * 16 + iota) * 8
        ms = plsc.load_gather(acc_v, [r8])
        mx = plsc.load_gather(acc_v, [r8 + 1])
        my = plsc.load_gather(acc_v, [r8 + 2])
        mz = plsc.load_gather(acc_v, [r8 + 3])
        qs = plsc.load_gather(acc_v, [r8 + 4])
        qx = plsc.load_gather(acc_v, [r8 + 5])
        qy = plsc.load_gather(acc_v, [r8 + 6])
        qz = plsc.load_gather(acc_v, [r8 + 7])
        inv = qs / jnp.where(ms > 0, ms, 1.0)
        p = j * 16
        obx_v[pl.ds(p, 16)] = qx - inv * mx
        oby_v[pl.ds(p, 16)] = qy - inv * my
        obz_v[pl.ds(p, 16)] = qz - inv * mz
        return 0

    lax.fori_loop(0, MPW // 16, fin_body, 0)
    row_lo = pl.multiple_of(wid * MPW, 8)

    @pl.when(wid < NW - 1)
    def _():
        pltpu.sync_copy(obx_v, ox_hbm.at[pl.ds(row_lo, MPW)])
        pltpu.sync_copy(oby_v, oy_hbm.at[pl.ds(row_lo, MPW)])
        pltpu.sync_copy(obz_v, oz_hbm.at[pl.ds(row_lo, MPW)])

    @pl.when(wid == NW - 1)
    def _():
        pltpu.sync_copy(obx_v.at[pl.ds(0, LASTW)], ox_hbm.at[pl.ds(row_lo, LASTW)])
        pltpu.sync_copy(oby_v.at[pl.ds(0, LASTW)], oy_hbm.at[pl.ds(row_lo, LASTW)])
        pltpu.sync_copy(obz_v.at[pl.ds(0, LASTW)], oz_hbm.at[pl.ds(row_lo, LASTW)])


@jax.jit
def kernel(charges, coord, numbers, mol_idx, mass):
    mesh = plsc.VectorSubcoreMesh(core_axis_name="c", subcore_axis_name="s",
                                  num_cores=NC, num_subcores=NS)
    run = pl.kernel(
        _body,
        out_type=(jax.ShapeDtypeStruct((NMOL,), jnp.float32),
                  jax.ShapeDtypeStruct((NMOL,), jnp.float32),
                  jax.ShapeDtypeStruct((NMOL,), jnp.float32)),
        mesh=mesh,
        compiler_params=pltpu.CompilerParams(needs_layout_passes=False,
                                             use_tc_tiling_on_sc=False),
        scratch_types=[
            pltpu.VMEM((128,), jnp.float32),
            pltpu.VMEM((2 * CH,), jnp.float32),
            pltpu.VMEM((2 * CH * 3,), jnp.float32),
            pltpu.VMEM((2 * CH,), jnp.int32),
            pltpu.VMEM((2 * CH + 64,), jnp.int32),
            pltpu.VMEM((MPW * 8,), jnp.float32),
            pltpu.VMEM((MPW,), jnp.float32),
            pltpu.VMEM((MPW,), jnp.float32),
            pltpu.VMEM((MPW,), jnp.float32),
            pltpu.VMEM((16,), jnp.int32),
            pltpu.VMEM((16,), jnp.int32),
            pltpu.SemaphoreType.DMA,
            pltpu.SemaphoreType.DMA,
        ],
    )
    mass_pad = jnp.pad(mass, (0, 128 - NELEM))
    xyz = coord.reshape(N // 128, 128, 3).transpose(0, 2, 1).reshape(-1)
    dx, dy, dz = run(charges, xyz,
                     numbers.astype(jnp.int32), mol_idx.astype(jnp.int32),
                     mass_pad)
    return jnp.stack([dx, dy, dz], axis=1)

# --- scband reference (transcript-rebuilt; emitter-appended) ---
"""Pipeline reference for scband-dipole-3324304687727 (READ-ONLY COPY).

The authoritative reference and input builder live on the scoring server;
editing this copy changes nothing except your own understanding.
"""

import jax, jax.numpy as jnp
import numpy as np

N = 1600000
N_MOL = 50000
N_ELEM = 119

def setup_inputs(seed: int = 0) -> dict:
    key = jax.random.key(seed)
    k1, k2, k3, k4, k5 = jax.random.split(key, 5)
    charges = jax.random.normal(k1, (N,), dtype=jnp.float32) * 0.3
    coord = jax.random.normal(k2, (N, 3), dtype=jnp.float32) * 5.0
    numbers = jax.random.randint(k3, (N,), 0, 100)
    mol_idx = jnp.sort(jax.random.randint(k4, (N,), 0, N_MOL))
    # learned/buffer parameter: atomic mass table (registered buffer in the torch module)
    mass = jax.random.uniform(k5, (N_ELEM,), minval=1.0, maxval=250.0, dtype=jnp.float32)
    return {"charges": charges, "coord": coord, "numbers": numbers, "mol_idx": mol_idx, "mass": mass}

def reference(charges, coord, numbers, mol_idx, mass):
    # center_coord=True: subtract per-molecule center of mass from coordinates
    m = jnp.take(mass, numbers)  # gather atomic masses
    msum = jax.ops.segment_sum(m, mol_idx, num_segments=N_MOL)
    com_num = jax.ops.segment_sum(m[:, None] * coord, mol_idx, num_segments=N_MOL)
    safe_msum = jnp.where(msum > 0, msum, 1.0)
    com = com_num / safe_msum[:, None]
    r = coord - jnp.take(com, mol_idx, axis=0)
    # dipole = mol_sum(q * r) : per-molecule segment sum
    dipole = jax.ops.segment_sum(charges[:, None] * r, mol_idx, num_segments=N_MOL)
    return dipole

if __name__ == "__main__":
    import jax
    _d = setup_inputs()
    print(jax.jit(kernel)(*tuple(_d.values())))

</pallas_src>

<mosaic_0001>
#map = affine_map<(d0, d1) -> (0)>
module attributes {stable_mosaic.version = 14 : i64} {
  func.func @_body(%arg0: i32, %arg1: i32, %arg2: memref<1600000xf32, #tpu.memory_space<hbm>>, %arg3: memref<4800000xf32, #tpu.memory_space<hbm>>, %arg4: memref<1600000xi32, #tpu.memory_space<hbm>>, %arg5: memref<1600000xi32, #tpu.memory_space<hbm>>, %arg6: memref<128xf32, #tpu.memory_space<hbm>>, %arg7: memref<50000xf32, #tpu.memory_space<hbm>>, %arg8: memref<50000xf32, #tpu.memory_space<hbm>>, %arg9: memref<50000xf32, #tpu.memory_space<hbm>>, %arg10: memref<128xf32, #tpu.memory_space<vmem>>, %arg11: memref<8192xf32, #tpu.memory_space<vmem>>, %arg12: memref<24576xf32, #tpu.memory_space<vmem>>, %arg13: memref<8192xi32, #tpu.memory_space<vmem>>, %arg14: memref<8256xi32, #tpu.memory_space<vmem>>, %arg15: memref<12544xf32, #tpu.memory_space<vmem>>, %arg16: memref<1568xf32, #tpu.memory_space<vmem>>, %arg17: memref<1568xf32, #tpu.memory_space<vmem>>, %arg18: memref<1568xf32, #tpu.memory_space<vmem>>, %arg19: memref<16xi32, #tpu.memory_space<vmem>>, %arg20: memref<16xi32, #tpu.memory_space<vmem>>, %arg21: memref<!tpu.dma_semaphore, #tpu.memory_space<semaphore_mem>>, %arg22: memref<!tpu.dma_semaphore, #tpu.memory_space<semaphore_mem>>) attributes {dimension_semantics = [#tpu.dimension_semantics<core_parallel>, #tpu.dimension_semantics<subcore_parallel>], iteration_bounds = array<i64: 2, 16>, scalar_prefetch = 0 : i64, scratch_operands = 13 : i64, tpu.core_type = #tpu.core_type<sc_vector_subcore>, window_params = [{transform_indices = #map}, {transform_indices = #map}, {transform_indices = #map}, {transform_indices = #map}, {transform_indices = #map}, {transform_indices = #map}, {transform_indices = #map}, {transform_indices = #map}]} {
    %mul3A = arith.constant 2 : i32
    %mul3A_0 = arith.muli %arg1, %mul3A : i32
    %add3A = arith.addi %mul3A_0, %arg0 : i32
    %mul3A_1 = arith.constant 1568 : i32
    %mul3A_2 = arith.muli %add3A, %mul3A_1 : i32
    %add3A_3 = arith.constant 1568 : i32
    %add3A_4 = arith.addi %mul3A_2, %add3A_3 : i32
    %min3A = arith.constant 50000 : i32
    %min3A_5 = arith.minsi %add3A_4, %min3A : i32
    "tpu.region"() ({
      %run_scoped3A = tpu.sem_alloc : memref<!tpu.dma_semaphore, #tpu.memory_space<semaphore_mem>>
      tpu.enqueue_dma source(%arg6 : memref<128xf32, #tpu.memory_space<hbm>>) target(%arg10 : memref<128xf32, #tpu.memory_space<vmem>>) target_semaphore(%run_scoped3A : memref<!tpu.dma_semaphore, #tpu.memory_space<semaphore_mem>>)
      tpu.wait_dma2 semaphore(%run_scoped3A : memref<!tpu.dma_semaphore, #tpu.memory_space<semaphore_mem>>) src(%arg6 : memref<128xf32, #tpu.memory_space<hbm>>) dst(%arg10 : memref<128xf32, #tpu.memory_space<vmem>>)
      tpu.yield
    }) : () -> ()
    %scan3A = arith.constant 0 : i32
    %scan3A_6 = arith.constant 100000 : i32
    %scan3A_7 = arith.constant 0 : i32
    %scan3A_8 = arith.constant 100000 : i32
    %scan3A_9 = arith.constant 0 : i32
    %scan3A_10 = arith.constant 17 : i32
    %scan3A_11 = arith.addi %scan3A_9, %scan3A_10 : i32
    %scan3A_12 = arith.constant 1 : i32
    %scan3A_13:4 = scf.for %scan3A_388 = %scan3A_9 to %scan3A_11 step %scan3A_12 iter_args(%scan3A_389 = %scan3A, %scan3A_390 = %scan3A_6, %scan3A_391 = %scan3A_7, %scan3A_392 = %scan3A_8) -> (i32, i32, i32, i32)  : i32 {
      %add3A_393 = arith.addi %scan3A_389, %scan3A_390 : i32
      %jit3A_394 = arith.constant 2 : i32
      %div3A_395 = arith.divsi %add3A_393, %jit3A_394 : i32
      %sign3A_396 = arith.constant 0 : i32
      %sign3A_397 = arith.cmpi sgt, %add3A_393, %sign3A_396 : i32
      %sign3A_398 = arith.extui %sign3A_397 : i1 to i32
      %sign3A_399 = arith.constant 0 : i32
      %sign3A_400 = arith.cmpi slt, %add3A_393, %sign3A_399 : i32
      %sign3A_401 = arith.extui %sign3A_400 : i1 to i32
      %sign3A_402 = arith.subi %sign3A_398, %sign3A_401 : i32
      %sign3A_403 = arith.constant 0 : i32
      %sign3A_404 = arith.cmpi sgt, %jit3A_394, %sign3A_403 : i32
      %sign3A_405 = arith.extui %sign3A_404 : i1 to i32
      %sign3A_406 = arith.constant 0 : i32
      %sign3A_407 = arith.cmpi slt, %jit3A_394, %sign3A_406 : i32
      %sign3A_408 = arith.extui %sign3A_407 : i1 to i32
      %sign3A_409 = arith.subi %sign3A_405, %sign3A_408 : i32
      %ne3A_410 = arith.cmpi ne, %sign3A_402, %sign3A_409 : i32
      %rem3A_411 = arith.remsi %add3A_393, %jit3A_394 : i32
      %ne3A_412 = arith.constant 0 : i32
      %ne3A_413 = arith.cmpi ne, %rem3A_411, %ne3A_412 : i32
      %and3A_414 = arith.andi %ne3A_410, %ne3A_413 : i1
      %sub3A_415 = arith.constant 1 : i32
      %sub3A_416 = arith.subi %div3A_395, %sub3A_415 : i32
      %select_n3A_417 = arith.select %and3A_414, %sub3A_416, %div3A_395 : i32
      %add3A_418 = arith.addi %scan3A_391, %scan3A_392 : i32
      %jit3A_419 = arith.constant 2 : i32
      %div3A_420 = arith.divsi %add3A_418, %jit3A_419 : i32
      %sign3A_421 = arith.constant 0 : i32
      %sign3A_422 = arith.cmpi sgt, %add3A_418, %sign3A_421 : i32
      %sign3A_423 = arith.extui %sign3A_422 : i1 to i32
      %sign3A_424 = arith.constant 0 : i32
      %sign3A_425 = arith.cmpi slt, %add3A_418, %sign3A_424 : i32
      %sign3A_426 = arith.extui %sign3A_425 : i1 to i32
      %sign3A_427 = arith.subi %sign3A_423, %sign3A_426 : i32
      %sign3A_428 = arith.constant 0 : i32
      %sign3A_429 = arith.cmpi sgt, %jit3A_419, %sign3A_428 : i32
      %sign3A_430 = arith.extui %sign3A_429 : i1 to i32
      %sign3A_431 = arith.constant 0 : i32
      %sign3A_432 = arith.cmpi slt, %jit3A_419, %sign3A_431 : i32
      %sign3A_433 = arith.extui %sign3A_432 : i1 to i32
      %sign3A_434 = arith.subi %sign3A_430, %sign3A_433 : i32
      %ne3A_435 = arith.cmpi ne, %sign3A_427, %sign3A_434 : i32
      %rem3A_436 = arith.remsi %add3A_418, %jit3A_419 : i32
      %ne3A_437 = arith.constant 0 : i32
      %ne3A_438 = arith.cmpi ne, %rem3A_436, %ne3A_437 : i32
      %and3A_439 = arith.andi %ne3A_435, %ne3A_438 : i1
      %sub3A_440 = arith.constant 1 : i32
      %sub3A_441 = arith.subi %div3A_420, %sub3A_440 : i32
      %select_n3A_442 = arith.select %and3A_439, %sub3A_441, %div3A_420 : i32
      %mul3A_443 = arith.constant 16 : i32
      %mul3A_444 = arith.muli %select_n3A_417, %mul3A_443 : i32
      %multiple_of3A_445 = tpu.assume_multiple %mul3A_444, 16 : i32
      %mul3A_446 = arith.constant 16 : i32
      %mul3A_447 = arith.muli %select_n3A_442, %mul3A_446 : i32
      %multiple_of3A_448 = tpu.assume_multiple %mul3A_447, 16 : i32
      %dma_start3A = tpu.memref_slice %arg5[%multiple_of3A_445] : memref<1600000xi32, #tpu.memory_space<hbm>> -> memref<16xi32, #tpu.memory_space<hbm>>
      %dma_start3A_449 = tpu.memref_slice %arg5[%multiple_of3A_445] : memref<1600000xi32, #tpu.memory_space<hbm>> -> memref<16xi32, #tpu.memory_space<hbm>>
      tpu.enqueue_dma source(%dma_start3A_449 : memref<16xi32, #tpu.memory_space<hbm>>) target(%arg19 : memref<16xi32, #tpu.memory_space<vmem>>) target_semaphore(%arg21 : memref<!tpu.dma_semaphore, #tpu.memory_space<semaphore_mem>>)
      %dma_start3A_450 = tpu.memref_slice %arg5[%multiple_of3A_448] : memref<1600000xi32, #tpu.memory_space<hbm>> -> memref<16xi32, #tpu.memory_space<hbm>>
      %dma_start3A_451 = tpu.memref_slice %arg5[%multiple_of3A_448] : memref<1600000xi32, #tpu.memory_space<hbm>> -> memref<16xi32, #tpu.memory_space<hbm>>
      tpu.enqueue_dma source(%dma_start3A_451 : memref<16xi32, #tpu.memory_space<hbm>>) target(%arg20 : memref<16xi32, #tpu.memory_space<vmem>>) target_semaphore(%arg22 : memref<!tpu.dma_semaphore, #tpu.memory_space<semaphore_mem>>)
      %dma_wait3A = tpu.memref_slice %arg5[%multiple_of3A_445] : memref<1600000xi32, #tpu.memory_space<hbm>> -> memref<16xi32, #tpu.memory_space<hbm>>
      %dma_wait3A_452 = tpu.memref_slice %arg5[%multiple_of3A_445] : memref<1600000xi32, #tpu.memory_space<hbm>> -> memref<16xi32, #tpu.memory_space<hbm>>
      tpu.wait_dma2 semaphore(%arg21 : memref<!tpu.dma_semaphore, #tpu.memory_space<semaphore_mem>>) src(%dma_wait3A_452 : memref<16xi32, #tpu.memory_space<hbm>>) dst(%arg19 : memref<16xi32, #tpu.memory_space<vmem>>)
      %dma_wait3A_453 = tpu.memref_slice %arg5[%multiple_of3A_448] : memref<1600000xi32, #tpu.memory_space<hbm>> -> memref<16xi32, #tpu.memory_space<hbm>>
      %dma_wait3A_454 = tpu.memref_slice %arg5[%multiple_of3A_448] : memref<1600000xi32, #tpu.memory_space<hbm>> -> memref<16xi32, #tpu.memory_space<hbm>>
      tpu.wait_dma2 semaphore(%arg22 : memref<!tpu.dma_semaphore, #tpu.memory_space<semaphore_mem>>) src(%dma_wait3A_454 : memref<16xi32, #tpu.memory_space<hbm>>) dst(%arg20 : memref<16xi32, #tpu.memory_space<vmem>>)
      %get3A_455 = arith.constant 0 : index
      %get3A_456 = tpu.vector_load %arg19[%get3A_455] {strides = array<i32>} : memref<16xi32, #tpu.memory_space<vmem>>, vector<16xi32>,
      %slice3A_457 = vector.extract_strided_slice %get3A_456 {offsets = [0], sizes = [1], strides = [1]} : vector<16xi32> to vector<1xi32>
      %squeeze3A_458 = vector.extract %slice3A_457[0] : i32 from vector<1xi32>
      %ge3A = arith.cmpi sge, %squeeze3A_458, %mul3A_2 : i32
      %get3A_459 = arith.constant 0 : index
      %get3A_460 = tpu.vector_load %arg20[%get3A_459] {strides = array<i32>} : memref<16xi32, #tpu.memory_space<vmem>>, vector<16xi32>,
      %slice3A_461 = vector.extract_strided_slice %get3A_460 {offsets = [0], sizes = [1], strides = [1]} : vector<16xi32> to vector<1xi32>
      %squeeze3A_462 = vector.extract %slice3A_461[0] : i32 from vector<1xi32>
      %ge3A_463 = arith.cmpi sge, %squeeze3A_462, %min3A_5 : i32
      %add3A_464 = arith.constant 1 : i32
      %add3A_465 = arith.addi %select_n3A_417, %add3A_464 : i32
      %select_n3A_466 = arith.select %ge3A, %scan3A_389, %add3A_465 : i32
      %select_n3A_467 = arith.select %ge3A, %select_n3A_417, %scan3A_390 : i32
      %add3A_468 = arith.constant 1 : i32
      %add3A_469 = arith.addi %select_n3A_442, %add3A_468 : i32
      %select_n3A_470 = arith.select %ge3A_463, %scan3A_391, %add3A_469 : i32
      %select_n3A_471 = arith.select %ge3A_463, %select_n3A_442, %scan3A_392 : i32
      scf.yield %select_n3A_466, %select_n3A_467, %select_n3A_470, %select_n3A_471 : i32, i32, i32, i32
    }
    %scan3A_14 = arith.constant 17 : i32
    %sub3A = arith.constant 1 : i32
    %sub3A_15 = arith.subi %scan3A_13#0, %sub3A : i32
    %max3A = arith.constant 0 : i32
    %max3A_16 = arith.maxsi %sub3A_15, %max3A : i32
    %mul3A_17 = arith.constant 16 : i32
    %mul3A_18 = arith.muli %max3A_16, %mul3A_17 : i32
    %multiple_of3A = tpu.assume_multiple %mul3A_18, 16 : i32
    "tpu.region"() ({
      %run_scoped3A = tpu.sem_alloc : memref<!tpu.dma_semaphore, #tpu.memory_space<semaphore_mem>>
      %dma_start3A = tpu.memref_slice %arg5[%multiple_of3A] : memref<1600000xi32, #tpu.memory_space<hbm>> -> memref<16xi32, #tpu.memory_space<hbm>>
      %dma_start3A_388 = tpu.memref_slice %arg5[%multiple_of3A] : memref<1600000xi32, #tpu.memory_space<hbm>> -> memref<16xi32, #tpu.memory_space<hbm>>
      tpu.enqueue_dma source(%dma_start3A_388 : memref<16xi32, #tpu.memory_space<hbm>>) target(%arg19 : memref<16xi32, #tpu.memory_space<vmem>>) target_semaphore(%run_scoped3A : memref<!tpu.dma_semaphore, #tpu.memory_space<semaphore_mem>>)
      %dma_wait3A = tpu.memref_slice %arg5[%multiple_of3A] : memref<1600000xi32, #tpu.memory_space<hbm>> -> memref<16xi32, #tpu.memory_space<hbm>>
      %dma_wait3A_389 = tpu.memref_slice %arg5[%multiple_of3A] : memref<1600000xi32, #tpu.memory_space<hbm>> -> memref<16xi32, #tpu.memory_space<hbm>>
      tpu.wait_dma2 semaphore(%run_scoped3A : memref<!tpu.dma_semaphore, #tpu.memory_space<semaphore_mem>>) src(%dma_wait3A_389 : memref<16xi32, #tpu.memory_space<hbm>>) dst(%arg19 : memref<16xi32, #tpu.memory_space<vmem>>)
      tpu.yield
    }) : () -> ()
    %get3A = arith.constant 0 : index
    %get3A_19 = tpu.vector_load %arg19[%get3A] {strides = array<i32>} : memref<16xi32, #tpu.memory_space<vmem>>, vector<16xi32>,
    %slice3A = vector.extract_strided_slice %get3A_19 {offsets = [0], sizes = [1], strides = [1]} : vector<16xi32> to vector<1xi32>
    %squeeze3A = vector.extract %slice3A[0] : i32 from vector<1xi32>
    %lt3A = arith.cmpi slt, %squeeze3A, %mul3A_2 : i32
    %jit3A = arith.constant 1 : i32
    %jit3A_20 = arith.constant 0 : i32
    %select_n3A = arith.select %lt3A, %jit3A, %jit3A_20 : i32
    %add3A_21 = arith.constant 0 : i32
    %add3A_22 = arith.addi %add3A_21, %select_n3A : i32
    %slice3A_23 = vector.extract_strided_slice %get3A_19 {offsets = [1], sizes = [1], strides = [1]} : vector<16xi32> to vector<1xi32>
    %squeeze3A_24 = vector.extract %slice3A_23[0] : i32 from vector<1xi32>
    %lt3A_25 = arith.cmpi slt, %squeeze3A_24, %mul3A_2 : i32
    %jit3A_26 = arith.constant 1 : i32
    %jit3A_27 = arith.constant 0 : i32
    %select_n3A_28 = arith.select %lt3A_25, %jit3A_26, %jit3A_27 : i32
    %add3A_29 = arith.addi %add3A_22, %select_n3A_28 : i32
    %slice3A_30 = vector.extract_strided_slice %get3A_19 {offsets = [2], sizes = [1], strides = [1]} : vector<16xi32> to vector<1xi32>
    %squeeze3A_31 = vector.extract %slice3A_30[0] : i32 from vector<1xi32>
    %lt3A_32 = arith.cmpi slt, %squeeze3A_31, %mul3A_2 : i32
    %jit3A_33 = arith.constant 1 : i32
    %jit3A_34 = arith.constant 0 : i32
    %select_n3A_35 = arith.select %lt3A_32, %jit3A_33, %jit3A_34 : i32
    %add3A_36 = arith.addi %add3A_29, %select_n3A_35 : i32
    %slice3A_37 = vector.extract_strided_slice %get3A_19 {offsets = [3], sizes = [1], strides = [1]} : vector<16xi32> to vector<1xi32>
    %squeeze3A_38 = vector.extract %slice3A_37[0] : i32 from vector<1xi32>
    %lt3A_39 = arith.cmpi slt, %squeeze3A_38, %mul3A_2 : i32
    %jit3A_40 = arith.constant 1 : i32
    %jit3A_41 = arith.constant 0 : i32
    %select_n3A_42 = arith.select %lt3A_39, %jit3A_40, %jit3A_41 : i32
    %add3A_43 = arith.addi %add3A_36, %select_n3A_42 : i32
    %slice3A_44 = vector.extract_strided_slice %get3A_19 {offsets = [4], sizes = [1], strides = [1]} : vector<16xi32> to vector<1xi32>
    %squeeze3A_45 = vector.extract %slice3A_44[0] : i32 from vector<1xi32>
    %lt3A_46 = arith.cmpi slt, %squeeze3A_45, %mul3A_2 : i32
    %jit3A_47 = arith.constant 1 : i32
    %jit3A_48 = arith.constant 0 : i32
    %select_n3A_49 = arith.select %lt3A_46, %jit3A_47, %jit3A_48 : i32
    %add3A_50 = arith.addi %add3A_43, %select_n3A_49 : i32
    %slice3A_51 = vector.extract_strided_slice %get3A_19 {offsets = [5], sizes = [1], strides = [1]} : vector<16xi32> to vector<1xi32>
    %squeeze3A_52 = vector.extract %slice3A_51[0] : i32 from vector<1xi32>
    %lt3A_53 = arith.cmpi slt, %squeeze3A_52, %mul3A_2 : i32
    %jit3A_54 = arith.constant 1 : i32
    %jit3A_55 = arith.constant 0 : i32
    %select_n3A_56 = arith.select %lt3A_53, %jit3A_54, %jit3A_55 : i32
    %add3A_57 = arith.addi %add3A_50, %select_n3A_56 : i32
    %slice3A_58 = vector.extract_strided_slice %get3A_19 {offsets = [6], sizes = [1], strides = [1]} : vector<16xi32> to vector<1xi32>
    %squeeze3A_59 = vector.extract %slice3A_58[0] : i32 from vector<1xi32>
    %lt3A_60 = arith.cmpi slt, %squeeze3A_59, %mul3A_2 : i32
    %jit3A_61 = arith.constant 1 : i32
    %jit3A_62 = arith.constant 0 : i32
    %select_n3A_63 = arith.select %lt3A_60, %jit3A_61, %jit3A_62 : i32
    %add3A_64 = arith.addi %add3A_57, %select_n3A_63 : i32
    %slice3A_65 = vector.extract_strided_slice %get3A_19 {offsets = [7], sizes = [1], strides = [1]} : vector<16xi32> to vector<1xi32>
    %squeeze3A_66 = vector.extract %slice3A_65[0] : i32 from vector<1xi32>
    %lt3A_67 = arith.cmpi slt, %squeeze3A_66, %mul3A_2 : i32
    %jit3A_68 = arith.constant 1 : i32
    %jit3A_69 = arith.constant 0 : i32
    %select_n3A_70 = arith.select %lt3A_67, %jit3A_68, %jit3A_69 : i32
    %add3A_71 = arith.addi %add3A_64, %select_n3A_70 : i32
    %slice3A_72 = vector.extract_strided_slice %get3A_19 {offsets = [8], sizes = [1], strides = [1]} : vector<16xi32> to vector<1xi32>
    %squeeze3A_73 = vector.extract %slice3A_72[0] : i32 from vector<1xi32>
    %lt3A_74 = arith.cmpi slt, %squeeze3A_73, %mul3A_2 : i32
    %jit3A_75 = arith.constant 1 : i32
    %jit3A_76 = arith.constant 0 : i32
    %select_n3A_77 = arith.select %lt3A_74, %jit3A_75, %jit3A_76 : i32
    %add3A_78 = arith.addi %add3A_71, %select_n3A_77 : i32
    %slice3A_79 = vector.extract_strided_slice %get3A_19 {offsets = [9], sizes = [1], strides = [1]} : vector<16xi32> to vector<1xi32>
    %squeeze3A_80 = vector.extract %slice3A_79[0] : i32 from vector<1xi32>
    %lt3A_81 = arith.cmpi slt, %squeeze3A_80, %mul3A_2 : i32
    %jit3A_82 = arith.constant 1 : i32
    %jit3A_83 = arith.constant 0 : i32
    %select_n3A_84 = arith.select %lt3A_81, %jit3A_82, %jit3A_83 : i32
    %add3A_85 = arith.addi %add3A_78, %select_n3A_84 : i32
    %slice3A_86 = vector.extract_strided_slice %get3A_19 {offsets = [10], sizes = [1], strides = [1]} : vector<16xi32> to vector<1xi32>
    %squeeze3A_87 = vector.extract %slice3A_86[0] : i32 from vector<1xi32>
    %lt3A_88 = arith.cmpi slt, %squeeze3A_87, %mul3A_2 : i32
    %jit3A_89 = arith.constant 1 : i32
    %jit3A_90 = arith.constant 0 : i32
    %select_n3A_91 = arith.select %lt3A_88, %jit3A_89, %jit3A_90 : i32
    %add3A_92 = arith.addi %add3A_85, %select_n3A_91 : i32
    %slice3A_93 = vector.extract_strided_slice %get3A_19 {offsets = [11], sizes = [1], strides = [1]} : vector<16xi32> to vector<1xi32>
    %squeeze3A_94 = vector.extract %slice3A_93[0] : i32 from vector<1xi32>
    %lt3A_95 = arith.cmpi slt, %squeeze3A_94, %mul3A_2 : i32
    %jit3A_96 = arith.constant 1 : i32
    %jit3A_97 = arith.constant 0 : i32
    %select_n3A_98 = arith.select %lt3A_95, %jit3A_96, %jit3A_97 : i32
    %add3A_99 = arith.addi %add3A_92, %select_n3A_98 : i32
    %slice3A_100 = vector.extract_strided_slice %get3A_19 {offsets = [12], sizes = [1], strides = [1]} : vector<16xi32> to vector<1xi32>
    %squeeze3A_101 = vector.extract %slice3A_100[0] : i32 from vector<1xi32>
    %lt3A_102 = arith.cmpi slt, %squeeze3A_101, %mul3A_2 : i32
    %jit3A_103 = arith.constant 1 : i32
    %jit3A_104 = arith.constant 0 : i32
    %select_n3A_105 = arith.select %lt3A_102, %jit3A_103, %jit3A_104 : i32
    %add3A_106 = arith.addi %add3A_99, %select_n3A_105 : i32
    %slice3A_107 = vector.extract_strided_slice %get3A_19 {offsets = [13], sizes = [1], strides = [1]} : vector<16xi32> to vector<1xi32>
    %squeeze3A_108 = vector.extract %slice3A_107[0] : i32 from vector<1xi32>
    %lt3A_109 = arith.cmpi slt, %squeeze3A_108, %mul3A_2 : i32
    %jit3A_110 = arith.constant 1 : i32
    %jit3A_111 = arith.constant 0 : i32
    %select_n3A_112 = arith.select %lt3A_109, %jit3A_110, %jit3A_111 : i32
    %add3A_113 = arith.addi %add3A_106, %select_n3A_112 : i32
    %slice3A_114 = vector.extract_strided_slice %get3A_19 {offsets = [14], sizes = [1], strides = [1]} : vector<16xi32> to vector<1xi32>
    %squeeze3A_115 = vector.extract %slice3A_114[0] : i32 from vector<1xi32>
    %lt3A_116 = arith.cmpi slt, %squeeze3A_115, %mul3A_2 : i32
    %jit3A_117 = arith.constant 1 : i32
    %jit3A_118 = arith.constant 0 : i32
    %select_n3A_119 = arith.select %lt3A_116, %jit3A_117, %jit3A_118 : i32
    %add3A_120 = arith.addi %add3A_113, %select_n3A_119 : i32
    %slice3A_121 = vector.extract_strided_slice %get3A_19 {offsets = [15], sizes = [1], strides = [1]} : vector<16xi32> to vector<1xi32>
    %squeeze3A_122 = vector.extract %slice3A_121[0] : i32 from vector<1xi32>
    %lt3A_123 = arith.cmpi slt, %squeeze3A_122, %mul3A_2 : i32
    %jit3A_124 = arith.constant 1 : i32
    %jit3A_125 = arith.constant 0 : i32
    %select_n3A_126 = arith.select %lt3A_123, %jit3A_124, %jit3A_125 : i32
    %add3A_127 = arith.addi %add3A_120, %select_n3A_126 : i32
    %eq3A = arith.constant 0 : i32
    %eq3A_128 = arith.cmpi eq, %scan3A_13#0, %eq3A : i32
    %mul3A_129 = arith.constant 16 : i32
    %mul3A_130 = arith.muli %max3A_16, %mul3A_129 : i32
    %add3A_131 = arith.addi %mul3A_130, %add3A_127 : i32
    %jit3A_132 = arith.constant 0 : i32
    %select_n3A_133 = arith.select %eq3A_128, %jit3A_132, %add3A_131 : i32
    %sub3A_134 = arith.constant 1 : i32
    %sub3A_135 = arith.subi %scan3A_13#2, %sub3A_134 : i32
    %max3A_136 = arith.constant 0 : i32
    %max3A_137 = arith.maxsi %sub3A_135, %max3A_136 : i32
    %mul3A_138 = arith.constant 16 : i32
    %mul3A_139 = arith.muli %max3A_137, %mul3A_138 : i32
    %multiple_of3A_140 = tpu.assume_multiple %mul3A_139, 16 : i32
    "tpu.region"() ({
      %run_scoped3A = tpu.sem_alloc : memref<!tpu.dma_semaphore, #tpu.memory_space<semaphore_mem>>
      %dma_start3A = tpu.memref_slice %arg5[%multiple_of3A_140] : memref<1600000xi32, #tpu.memory_space<hbm>> -> memref<16xi32, #tpu.memory_space<hbm>>
      %dma_start3A_388 = tpu.memref_slice %arg5[%multiple_of3A_140] : memref<1600000xi32, #tpu.memory_space<hbm>> -> memref<16xi32, #tpu.memory_space<hbm>>
      tpu.enqueue_dma source(%dma_start3A_388 : memref<16xi32, #tpu.memory_space<hbm>>) target(%arg20 : memref<16xi32, #tpu.memory_space<vmem>>) target_semaphore(%run_scoped3A : memref<!tpu.dma_semaphore, #tpu.memory_space<semaphore_mem>>)
      %dma_wait3A = tpu.memref_slice %arg5[%multiple_of3A_140] : memref<1600000xi32, #tpu.memory_space<hbm>> -> memref<16xi32, #tpu.memory_space<hbm>>
      %dma_wait3A_389 = tpu.memref_slice %arg5[%multiple_of3A_140] : memref<1600000xi32, #tpu.memory_space<hbm>> -> memref<16xi32, #tpu.memory_space<hbm>>
      tpu.wait_dma2 semaphore(%run_scoped3A : memref<!tpu.dma_semaphore, #tpu.memory_space<semaphore_mem>>) src(%dma_wait3A_389 : memref<16xi32, #tpu.memory_space<hbm>>) dst(%arg20 : memref<16xi32, #tpu.memory_space<vmem>>)
      tpu.yield
    }) : () -> ()
    %get3A_141 = arith.constant 0 : index
    %get3A_142 = tpu.vector_load %arg20[%get3A_141] {strides = array<i32>} : memref<16xi32, #tpu.memory_space<vmem>>, vector<16xi32>,
    %slice3A_143 = vector.extract_strided_slice %get3A_142 {offsets = [0], sizes = [1], strides = [1]} : vector<16xi32> to vector<1xi32>
    %squeeze3A_144 = vector.extract %slice3A_143[0] : i32 from vector<1xi32>
    %lt3A_145 = arith.cmpi slt, %squeeze3A_144, %min3A_5 : i32
    %jit3A_146 = arith.constant 1 : i32
    %jit3A_147 = arith.constant 0 : i32
    %select_n3A_148 = arith.select %lt3A_145, %jit3A_146, %jit3A_147 : i32
    %add3A_149 = arith.constant 0 : i32
    %add3A_150 = arith.addi %add3A_149, %select_n3A_148 : i32
    %slice3A_151 = vector.extract_strided_slice %get3A_142 {offsets = [1], sizes = [1], strides = [1]} : vector<16xi32> to vector<1xi32>
    %squeeze3A_152 = vector.extract %slice3A_151[0] : i32 from vector<1xi32>
    %lt3A_153 = arith.cmpi slt, %squeeze3A_152, %min3A_5 : i32
    %jit3A_154 = arith.constant 1 : i32
    %jit3A_155 = arith.constant 0 : i32
    %select_n3A_156 = arith.select %lt3A_153, %jit3A_154, %jit3A_155 : i32
    %add3A_157 = arith.addi %add3A_150, %select_n3A_156 : i32
    %slice3A_158 = vector.extract_strided_slice %get3A_142 {offsets = [2], sizes = [1], strides = [1]} : vector<16xi32> to vector<1xi32>
    %squeeze3A_159 = vector.extract %slice3A_158[0] : i32 from vector<1xi32>
    %lt3A_160 = arith.cmpi slt, %squeeze3A_159, %min3A_5 : i32
    %jit3A_161 = arith.constant 1 : i32
    %jit3A_162 = arith.constant 0 : i32
    %select_n3A_163 = arith.select %lt3A_160, %jit3A_161, %jit3A_162 : i32
    %add3A_164 = arith.addi %add3A_157, %select_n3A_163 : i32
    %slice3A_165 = vector.extract_strided_slice %get3A_142 {offsets = [3], sizes = [1], strides = [1]} : vector<16xi32> to vector<1xi32>
    %squeeze3A_166 = vector.extract %slice3A_165[0] : i32 from vector<1xi32>
    %lt3A_167 = arith.cmpi slt, %squeeze3A_166, %min3A_5 : i32
    %jit3A_168 = arith.constant 1 : i32
    %jit3A_169 = arith.constant 0 : i32
    %select_n3A_170 = arith.select %lt3A_167, %jit3A_168, %jit3A_169 : i32
    %add3A_171 = arith.addi %add3A_164, %select_n3A_170 : i32
    %slice3A_172 = vector.extract_strided_slice %get3A_142 {offsets = [4], sizes = [1], strides = [1]} : vector<16xi32> to vector<1xi32>
    %squeeze3A_173 = vector.extract %slice3A_172[0] : i32 from vector<1xi32>
    %lt3A_174 = arith.cmpi slt, %squeeze3A_173, %min3A_5 : i32
    %jit3A_175 = arith.constant 1 : i32
    %jit3A_176 = arith.constant 0 : i32
    %select_n3A_177 = arith.select %lt3A_174, %jit3A_175, %jit3A_176 : i32
    %add3A_178 = arith.addi %add3A_171, %select_n3A_177 : i32
    %slice3A_179 = vector.extract_strided_slice %get3A_142 {offsets = [5], sizes = [1], strides = [1]} : vector<16xi32> to vector<1xi32>
    %squeeze3A_180 = vector.extract %slice3A_179[0] : i32 from vector<1xi32>
    %lt3A_181 = arith.cmpi slt, %squeeze3A_180, %min3A_5 : i32
    %jit3A_182 = arith.constant 1 : i32
    %jit3A_183 = arith.constant 0 : i32
    %select_n3A_184 = arith.select %lt3A_181, %jit3A_182, %jit3A_183 : i32
    %add3A_185 = arith.addi %add3A_178, %select_n3A_184 : i32
    %slice3A_186 = vector.extract_strided_slice %get3A_142 {offsets = [6], sizes = [1], strides = [1]} : vector<16xi32> to vector<1xi32>
    %squeeze3A_187 = vector.extract %slice3A_186[0] : i32 from vector<1xi32>
    %lt3A_188 = arith.cmpi slt, %squeeze3A_187, %min3A_5 : i32
    %jit3A_189 = arith.constant 1 : i32
    %jit3A_190 = arith.constant 0 : i32
    %select_n3A_191 = arith.select %lt3A_188, %jit3A_189, %jit3A_190 : i32
    %add3A_192 = arith.addi %add3A_185, %select_n3A_191 : i32
    %slice3A_193 = vector.extract_strided_slice %get3A_142 {offsets = [7], sizes = [1], strides = [1]} : vector<16xi32> to vector<1xi32>
    %squeeze3A_194 = vector.extract %slice3A_193[0] : i32 from vector<1xi32>
    %lt3A_195 = arith.cmpi slt, %squeeze3A_194, %min3A_5 : i32
    %jit3A_196 = arith.constant 1 : i32
    %jit3A_197 = arith.constant 0 : i32
    %select_n3A_198 = arith.select %lt3A_195, %jit3A_196, %jit3A_197 : i32
    %add3A_199 = arith.addi %add3A_192, %select_n3A_198 : i32
    %slice3A_200 = vector.extract_strided_slice %get3A_142 {offsets = [8], sizes = [1], strides = [1]} : vector<16xi32> to vector<1xi32>
    %squeeze3A_201 = vector.extract %slice3A_200[0] : i32 from vector<1xi32>
    %lt3A_202 = arith.cmpi slt, %squeeze3A_201, %min3A_5 : i32
    %jit3A_203 = arith.constant 1 : i32
    %jit3A_204 = arith.constant 0 : i32
    %select_n3A_205 = arith.select %lt3A_202, %jit3A_203, %jit3A_204 : i32
    %add3A_206 = arith.addi %add3A_199, %select_n3A_205 : i32
    %slice3A_207 = vector.extract_strided_slice %get3A_142 {offsets = [9], sizes = [1], strides = [1]} : vector<16xi32> to vector<1xi32>
    %squeeze3A_208 = vector.extract %slice3A_207[0] : i32 from vector<1xi32>
    %lt3A_209 = arith.cmpi slt, %squeeze3A_208, %min3A_5 : i32
    %jit3A_210 = arith.constant 1 : i32
    %jit3A_211 = arith.constant 0 : i32
    %select_n3A_212 = arith.select %lt3A_209, %jit3A_210, %jit3A_211 : i32
    %add3A_213 = arith.addi %add3A_206, %select_n3A_212 : i32
    %slice3A_214 = vector.extract_strided_slice %get3A_142 {offsets = [10], sizes = [1], strides = [1]} : vector<16xi32> to vector<1xi32>
    %squeeze3A_215 = vector.extract %slice3A_214[0] : i32 from vector<1xi32>
    %lt3A_216 = arith.cmpi slt, %squeeze3A_215, %min3A_5 : i32
    %jit3A_217 = arith.constant 1 : i32
    %jit3A_218 = arith.constant 0 : i32
    %select_n3A_219 = arith.select %lt3A_216, %jit3A_217, %jit3A_218 : i32
    %add3A_220 = arith.addi %add3A_213, %select_n3A_219 : i32
    %slice3A_221 = vector.extract_strided_slice %get3A_142 {offsets = [11], sizes = [1], strides = [1]} : vector<16xi32> to vector<1xi32>
    %squeeze3A_222 = vector.extract %slice3A_221[0] : i32 from vector<1xi32>
    %lt3A_223 = arith.cmpi slt, %squeeze3A_222, %min3A_5 : i32
    %jit3A_224 = arith.constant 1 : i32
    %jit3A_225 = arith.constant 0 : i32
    %select_n3A_226 = arith.select %lt3A_223, %jit3A_224, %jit3A_225 : i32
    %add3A_227 = arith.addi %add3A_220, %select_n3A_226 : i32
    %slice3A_228 = vector.extract_strided_slice %get3A_142 {offsets = [12], sizes = [1], strides = [1]} : vector<16xi32> to vector<1xi32>
    %squeeze3A_229 = vector.extract %slice3A_228[0] : i32 from vector<1xi32>
    %lt3A_230 = arith.cmpi slt, %squeeze3A_229, %min3A_5 : i32
    %jit3A_231 = arith.constant 1 : i32
    %jit3A_232 = arith.constant 0 : i32
    %select_n3A_233 = arith.select %lt3A_230, %jit3A_231, %jit3A_232 : i32
    %add3A_234 = arith.addi %add3A_227, %select_n3A_233 : i32
    %slice3A_235 = vector.extract_strided_slice %get3A_142 {offsets = [13], sizes = [1], strides = [1]} : vector<16xi32> to vector<1xi32>
    %squeeze3A_236 = vector.extract %slice3A_235[0] : i32 from vector<1xi32>
    %lt3A_237 = arith.cmpi slt, %squeeze3A_236, %min3A_5 : i32
    %jit3A_238 = arith.constant 1 : i32
    %jit3A_239 = arith.constant 0 : i32
    %select_n3A_240 = arith.select %lt3A_237, %jit3A_238, %jit3A_239 : i32
    %add3A_241 = arith.addi %add3A_234, %select_n3A_240 : i32
    %slice3A_242 = vector.extract_strided_slice %get3A_142 {offsets = [14], sizes = [1], strides = [1]} : vector<16xi32> to vector<1xi32>
    %squeeze3A_243 = vector.extract %slice3A_242[0] : i32 from vector<1xi32>
    %lt3A_244 = arith.cmpi slt, %squeeze3A_243, %min3A_5 : i32
    %jit3A_245 = arith.constant 1 : i32
    %jit3A_246 = arith.constant 0 : i32
    %select_n3A_247 = arith.select %lt3A_244, %jit3A_245, %jit3A_246 : i32
    %add3A_248 = arith.addi %add3A_241, %select_n3A_247 : i32
    %slice3A_249 = vector.extract_strided_slice %get3A_142 {offsets = [15], sizes = [1], strides = [1]} : vector<16xi32> to vector<1xi32>
    %squeeze3A_250 = vector.extract %slice3A_249[0] : i32 from vector<1xi32>
    %lt3A_251 = arith.cmpi slt, %squeeze3A_250, %min3A_5 : i32
    %jit3A_252 = arith.constant 1 : i32
    %jit3A_253 = arith.constant 0 : i32
    %select_n3A_254 = arith.select %lt3A_251, %jit3A_252, %jit3A_253 : i32
    %add3A_255 = arith.addi %add3A_248, %select_n3A_254 : i32
    %eq3A_256 = arith.constant 0 : i32
    %eq3A_257 = arith.cmpi eq, %scan3A_13#2, %eq3A_256 : i32
    %mul3A_258 = arith.constant 16 : i32
    %mul3A_259 = arith.muli %max3A_137, %mul3A_258 : i32
    %add3A_260 = arith.addi %mul3A_259, %add3A_255 : i32
    %jit3A_261 = arith.constant 0 : i32
    %select_n3A_262 = arith.select %eq3A_257, %jit3A_261, %add3A_260 : i32
    %jit3A_263 = arith.constant 128 : i32
    %div3A = arith.divsi %select_n3A_133, %jit3A_263 : i32
    %sign3A = arith.constant 0 : i32
    %sign3A_264 = arith.cmpi sgt, %select_n3A_133, %sign3A : i32
    %sign3A_265 = arith.extui %sign3A_264 : i1 to i32
    %sign3A_266 = arith.constant 0 : i32
    %sign3A_267 = arith.cmpi slt, %select_n3A_133, %sign3A_266 : i32
    %sign3A_268 = arith.extui %sign3A_267 : i1 to i32
    %sign3A_269 = arith.subi %sign3A_265, %sign3A_268 : i32
    %sign3A_270 = arith.constant 0 : i32
    %sign3A_271 = arith.cmpi sgt, %jit3A_263, %sign3A_270 : i32
    %sign3A_272 = arith.extui %sign3A_271 : i1 to i32
    %sign3A_273 = arith.constant 0 : i32
    %sign3A_274 = arith.cmpi slt, %jit3A_263, %sign3A_273 : i32
    %sign3A_275 = arith.extui %sign3A_274 : i1 to i32
    %sign3A_276 = arith.subi %sign3A_272, %sign3A_275 : i32
    %ne3A = arith.cmpi ne, %sign3A_269, %sign3A_276 : i32
    %rem3A = arith.remsi %select_n3A_133, %jit3A_263 : i32
    %ne3A_277 = arith.constant 0 : i32
    %ne3A_278 = arith.cmpi ne, %rem3A, %ne3A_277 : i32
    %and3A = arith.andi %ne3A, %ne3A_278 : i1
    %sub3A_279 = arith.constant 1 : i32
    %sub3A_280 = arith.subi %div3A, %sub3A_279 : i32
    %select_n3A_281 = arith.select %and3A, %sub3A_280, %div3A : i32
    %mul3A_282 = arith.constant 128 : i32
    %mul3A_283 = arith.muli %select_n3A_281, %mul3A_282 : i32
    %add3A_284 = arith.constant 127 : i32
    %add3A_285 = arith.addi %select_n3A_262, %add3A_284 : i32
    %jit3A_286 = arith.constant 128 : i32
    %div3A_287 = arith.divsi %add3A_285, %jit3A_286 : i32
    %sign3A_288 = arith.constant 0 : i32
    %sign3A_289 = arith.cmpi sgt, %add3A_285, %sign3A_288 : i32
    %sign3A_290 = arith.extui %sign3A_289 : i1 to i32
    %sign3A_291 = arith.constant 0 : i32
    %sign3A_292 = arith.cmpi slt, %add3A_285, %sign3A_291 : i32
    %sign3A_293 = arith.extui %sign3A_292 : i1 to i32
    %sign3A_294 = arith.subi %sign3A_290, %sign3A_293 : i32
    %sign3A_295 = arith.constant 0 : i32
    %sign3A_296 = arith.cmpi sgt, %jit3A_286, %sign3A_295 : i32
    %sign3A_297 = arith.extui %sign3A_296 : i1 to i32
    %sign3A_298 = arith.constant 0 : i32
    %sign3A_299 = arith.cmpi slt, %jit3A_286, %sign3A_298 : i32
    %sign3A_300 = arith.extui %sign3A_299 : i1 to i32
    %sign3A_301 = arith.subi %sign3A_297, %sign3A_300 : i32
    %ne3A_302 = arith.cmpi ne, %sign3A_294, %sign3A_301 : i32
    %rem3A_303 = arith.remsi %add3A_285, %jit3A_286 : i32
    %ne3A_304 = arith.constant 0 : i32
    %ne3A_305 = arith.cmpi ne, %rem3A_303, %ne3A_304 : i32
    %and3A_306 = arith.andi %ne3A_302, %ne3A_305 : i1
    %sub3A_307 = arith.constant 1 : i32
    %sub3A_308 = arith.subi %div3A_287, %sub3A_307 : i32
    %select_n3A_309 = arith.select %and3A_306, %sub3A_308, %div3A_287 : i32
    %mul3A_310 = arith.constant 128 : i32
    %mul3A_311 = arith.muli %select_n3A_309, %mul3A_310 : i32
    %iota3A = tpu.iota {dimensions = array<i32: 0>} : vector<16xi32>
    %broadcast_in_dim3A = arith.constant 0.000000e+00 : f32
    %broadcast_in_dim3A_312 = vector.broadcast %broadcast_in_dim3A : f32 to vector<16xf32>
    %eq3A_313 = arith.constant 0 : i32
    %eq3A_314 = vector.broadcast %eq3A_313 : i32 to vector<16xi32>
    %eq3A_315 = arith.cmpi eq, %iota3A, %eq3A_314 : vector<16xi32>
    %eq3A_316 = arith.constant 15 : i32
    %eq3A_317 = vector.broadcast %eq3A_316 : i32 to vector<16xi32>
    %eq3A_318 = arith.cmpi eq, %iota3A, %eq3A_317 : vector<16xi32>
    %scan3A_319 = arith.constant 0 : i32
    %scan3A_320 = arith.constant 0 : i32
    %scan3A_321 = arith.constant 784 : i32
    %scan3A_322 = arith.addi %scan3A_320, %scan3A_321 : i32
    %scan3A_323 = arith.constant 1 : i32
    %scan3A_324 = scf.for %scan3A_388 = %scan3A_320 to %scan3A_322 step %scan3A_323 iter_args(%scan3A_389 = %scan3A_319) -> (i32)  : i32 {
      %mul3A_390 = arith.constant 16 : i32
      %mul3A_391 = arith.muli %scan3A_388, %mul3A_390 : i32
      %swap3A = arith.index_cast %mul3A_391 : i32 to index
      %swap3A_392 = tpu.vector_load %arg15[%swap3A] {strides = array<i32>} : memref<12544xf32, #tpu.memory_space<vmem>>, vector<16xf32>,
      tpu.vector_store %arg15[%swap3A], %broadcast_in_dim3A_312 {strides = array<i32>} : memref<12544xf32, #tpu.memory_space<vmem>>, vector<16xf32>,
      %scan3A_393 = arith.constant 0 : i32
      scf.yield %scan3A_393 : i32
    }
    %scan3A_325 = arith.constant 784 : i32
    %sub3A_326 = arith.subi %mul3A_311, %mul3A_283 : i32
    %add3A_327 = arith.constant 4096 : i32
    %add3A_328 = arith.addi %sub3A_326, %add3A_327 : i32
    %sub3A_329 = arith.constant 1 : i32
    %sub3A_330 = arith.subi %add3A_328, %sub3A_329 : i32
    %jit3A_331 = arith.constant 4096 : i32
    %div3A_332 = arith.divsi %sub3A_330, %jit3A_331 : i32
    %sign3A_333 = arith.constant 0 : i32
    %sign3A_334 = arith.cmpi sgt, %sub3A_330, %sign3A_333 : i32
    %sign3A_335 = arith.extui %sign3A_334 : i1 to i32
    %sign3A_336 = arith.constant 0 : i32
    %sign3A_337 = arith.cmpi slt, %sub3A_330, %sign3A_336 : i32
    %sign3A_338 = arith.extui %sign3A_337 : i1 to i32
    %sign3A_339 = arith.subi %sign3A_335, %sign3A_338 : i32
    %sign3A_340 = arith.constant 0 : i32
    %sign3A_341 = arith.cmpi sgt, %jit3A_331, %sign3A_340 : i32
    %sign3A_342 = arith.extui %sign3A_341 : i1 to i32
    %sign3A_343 = arith.constant 0 : i32
    %sign3A_344 = arith.cmpi slt, %jit3A_331, %sign3A_343 : i32
    %sign3A_345 = arith.extui %sign3A_344 : i1 to i32
    %sign3A_346 = arith.subi %sign3A_342, %sign3A_345 : i32
    %ne3A_347 = arith.cmpi ne, %sign3A_339, %sign3A_346 : i32
    %rem3A_348 = arith.remsi %sub3A_330, %jit3A_331 : i32
    %ne3A_349 = arith.constant 0 : i32
    %ne3A_350 = arith.cmpi ne, %rem3A_348, %ne3A_349 : i32
    %and3A_351 = arith.andi %ne3A_347, %ne3A_350 : i1
    %sub3A_352 = arith.constant 1 : i32
    %sub3A_353 = arith.subi %div3A_332, %sub3A_352 : i32
    %select_n3A_354 = arith.select %and3A_351, %sub3A_353, %div3A_332 : i32
    %gt3A = arith.constant 0 : i32
    %gt3A_355 = arith.cmpi sgt, %select_n3A_354, %gt3A : i32
    %convert_element_type3A = arith.extui %gt3A_355 : i1 to i32
    %cond3A = arith.constant 0 : i32
    %cond3A_356 = arith.cmpi ne, %convert_element_type3A, %cond3A : i32
    scf.if %cond3A_356 {
      %add3A_388 = arith.constant 0 : i32
      %add3A_389 = arith.addi %mul3A_283, %add3A_388 : i32
      %min3A_390 = arith.constant 1595904 : i32
      %min3A_391 = arith.minsi %add3A_389, %min3A_390 : i32
      %multiple_of3A_392 = tpu.assume_multiple %min3A_391, 128 : i32
      %dma_start3A = arith.constant 0 : i32
      %dma_start3A_393 = tpu.memref_slice %arg11[%dma_start3A] : memref<8192xf32, #tpu.memory_space<vmem>> -> memref<4096xf32, #tpu.memory_space<vmem>>
      %dma_start3A_394 = tpu.memref_slice %arg2[%multiple_of3A_392] : memref<1600000xf32, #tpu.memory_space<hbm>> -> memref<4096xf32, #tpu.memory_space<hbm>>
      %dma_start3A_395 = arith.constant 0 : i32
      %dma_start3A_396 = tpu.memref_slice %arg11[%dma_start3A_395] : memref<8192xf32, #tpu.memory_space<vmem>> -> memref<4096xf32, #tpu.memory_space<vmem>>
      %dma_start3A_397 = tpu.memref_slice %arg2[%multiple_of3A_392] : memref<1600000xf32, #tpu.memory_space<hbm>> -> memref<4096xf32, #tpu.memory_space<hbm>>
      tpu.enqueue_dma source(%dma_start3A_397 : memref<4096xf32, #tpu.memory_space<hbm>>) target(%dma_start3A_396 : memref<4096xf32, #tpu.memory_space<vmem>>) target_semaphore(%arg21 : memref<!tpu.dma_semaphore, #tpu.memory_space<semaphore_mem>>)
      %mul3A_398 = arith.constant 3 : i32
      %mul3A_399 = arith.muli %multiple_of3A_392, %mul3A_398 : i32
      %dma_start3A_400 = arith.constant 0 : i32
      %dma_start3A_401 = tpu.memref_slice %arg12[%dma_start3A_400] : memref<24576xf32, #tpu.memory_space<vmem>> -> memref<12288xf32, #tpu.memory_space<vmem>>
      %dma_start3A_402 = tpu.memref_slice %arg3[%mul3A_399] : memref<4800000xf32, #tpu.memory_space<hbm>> -> memref<12288xf32, #tpu.memory_space<hbm>>
      %dma_start3A_403 = arith.constant 0 : i32
      %dma_start3A_404 = tpu.memref_slice %arg12[%dma_start3A_403] : memref<24576xf32, #tpu.memory_space<vmem>> -> memref<12288xf32, #tpu.memory_space<vmem>>
      %dma_start3A_405 = tpu.memref_slice %arg3[%mul3A_399] : memref<4800000xf32, #tpu.memory_space<hbm>> -> memref<12288xf32, #tpu.memory_space<hbm>>
      tpu.enqueue_dma source(%dma_start3A_405 : memref<12288xf32, #tpu.memory_space<hbm>>) target(%dma_start3A_404 : memref<12288xf32, #tpu.memory_space<vmem>>) target_semaphore(%arg21 : memref<!tpu.dma_semaphore, #tpu.memory_space<semaphore_mem>>)
      %dma_start3A_406 = arith.constant 0 : i32
      %dma_start3A_407 = tpu.memref_slice %arg13[%dma_start3A_406] : memref<8192xi32, #tpu.memory_space<vmem>> -> memref<4096xi32, #tpu.memory_space<vmem>>
      %dma_start3A_408 = tpu.memref_slice %arg4[%multiple_of3A_392] : memref<1600000xi32, #tpu.memory_space<hbm>> -> memref<4096xi32, #tpu.memory_space<hbm>>
      %dma_start3A_409 = arith.constant 0 : i32
      %dma_start3A_410 = tpu.memref_slice %arg13[%dma_start3A_409] : memref<8192xi32, #tpu.memory_space<vmem>> -> memref<4096xi32, #tpu.memory_space<vmem>>
      %dma_start3A_411 = tpu.memref_slice %arg4[%multiple_of3A_392] : memref<1600000xi32, #tpu.memory_space<hbm>> -> memref<4096xi32, #tpu.memory_space<hbm>>
      tpu.enqueue_dma source(%dma_start3A_411 : memref<4096xi32, #tpu.memory_space<hbm>>) target(%dma_start3A_410 : memref<4096xi32, #tpu.memory_space<vmem>>) target_semaphore(%arg21 : memref<!tpu.dma_semaphore, #tpu.memory_space<semaphore_mem>>)
      %dma_start3A_412 = arith.constant 16 : i32
      %dma_start3A_413 = tpu.memref_slice %arg14[%dma_start3A_412] : memref<8256xi32, #tpu.memory_space<vmem>> -> memref<4096xi32, #tpu.memory_space<vmem>>
      %dma_start3A_414 = tpu.memref_slice %arg5[%multiple_of3A_392] : memref<1600000xi32, #tpu.memory_space<hbm>> -> memref<4096xi32, #tpu.memory_space<hbm>>
      %dma_start3A_415 = arith.constant 16 : i32
      %dma_start3A_416 = tpu.memref_slice %arg14[%dma_start3A_415] : memref<8256xi32, #tpu.memory_space<vmem>> -> memref<4096xi32, #tpu.memory_space<vmem>>
      %dma_start3A_417 = tpu.memref_slice %arg5[%multiple_of3A_392] : memref<1600000xi32, #tpu.memory_space<hbm>> -> memref<4096xi32, #tpu.memory_space<hbm>>
      tpu.enqueue_dma source(%dma_start3A_417 : memref<4096xi32, #tpu.memory_space<hbm>>) target(%dma_start3A_416 : memref<4096xi32, #tpu.memory_space<vmem>>) target_semaphore(%arg21 : memref<!tpu.dma_semaphore, #tpu.memory_space<semaphore_mem>>)
    } else {
    }
    %while3A = arith.constant 0 : i32
    %while3A_357 = arith.constant 0 : i32
    %while3A_358 = arith.subi %select_n3A_354, %while3A : i32
    %while3A_359 = arith.addi %while3A, %while3A_358 : i32
    %while3A_360 = arith.constant 1 : i32
    %while3A_361 = arith.divsi %while3A_358, %while3A_360 : i32
    %while3A_362 = arith.muli %while3A_361, %while3A_360 : i32
    %while3A_363 = arith.addi %while3A, %while3A_362 : i32
    %while3A_364 = arith.constant 1 : i32
    %while3A_365 = scf.for %while3A_388 = %while3A to %while3A_363 step %while3A_364 iter_args(%while3A_389 = %while3A_357) -> (i32)  : i32 {
      %rem3A_390 = arith.constant 2 : i32
      %rem3A_391 = arith.remsi %while3A_388, %rem3A_390 : i32
      %eq3A_392 = arith.constant 0 : i32
      %eq3A_393 = arith.cmpi eq, %rem3A_391, %eq3A_392 : i32
      %add3A_394 = arith.constant 1 : i32
      %add3A_395 = arith.addi %while3A_388, %add3A_394 : i32
      %lt3A_396 = arith.cmpi slt, %add3A_395, %select_n3A_354 : i32
      %convert_element_type3A_397 = arith.extui %eq3A_393 : i1 to i32
      %cond3A_398 = arith.constant 0 : i32
      %cond3A_399 = arith.cmpi ne, %convert_element_type3A_397, %cond3A_398 : i32
      scf.if %cond3A_399 {
        %mul3A_433 = arith.constant 4096 : i32
        %mul3A_434 = arith.muli %while3A_388, %mul3A_433 : i32
        %add3A_435 = arith.addi %mul3A_283, %mul3A_434 : i32
        %min3A_436 = arith.constant 1595904 : i32
        %min3A_437 = arith.minsi %add3A_435, %min3A_436 : i32
        %multiple_of3A_438 = tpu.assume_multiple %min3A_437, 128 : i32
        %dma_wait3A = arith.constant 0 : i32
        %dma_wait3A_439 = tpu.memref_slice %arg11[%dma_wait3A] : memref<8192xf32, #tpu.memory_space<vmem>> -> memref<4096xf32, #tpu.memory_space<vmem>>
        %dma_wait3A_440 = tpu.memref_slice %arg2[%multiple_of3A_438] : memref<1600000xf32, #tpu.memory_space<hbm>> -> memref<4096xf32, #tpu.memory_space<hbm>>
        %dma_wait3A_441 = arith.constant 0 : i32
        %dma_wait3A_442 = tpu.memref_slice %arg11[%dma_wait3A_441] : memref<8192xf32, #tpu.memory_space<vmem>> -> memref<4096xf32, #tpu.memory_space<vmem>>
        %dma_wait3A_443 = tpu.memref_slice %arg2[%multiple_of3A_438] : memref<1600000xf32, #tpu.memory_space<hbm>> -> memref<4096xf32, #tpu.memory_space<hbm>>
        tpu.wait_dma2 semaphore(%arg21 : memref<!tpu.dma_semaphore, #tpu.memory_space<semaphore_mem>>) src(%dma_wait3A_443 : memref<4096xf32, #tpu.memory_space<hbm>>) dst(%dma_wait3A_442 : memref<4096xf32, #tpu.memory_space<vmem>>)
        %mul3A_444 = arith.constant 3 : i32
        %mul3A_445 = arith.muli %multiple_of3A_438, %mul3A_444 : i32
        %dma_wait3A_446 = arith.constant 0 : i32
        %dma_wait3A_447 = tpu.memref_slice %arg12[%dma_wait3A_446] : memref<24576xf32, #tpu.memory_space<vmem>> -> memref<12288xf32, #tpu.memory_space<vmem>>
        %dma_wait3A_448 = tpu.memref_slice %arg3[%mul3A_445] : memref<4800000xf32, #tpu.memory_space<hbm>> -> memref<12288xf32, #tpu.memory_space<hbm>>
        %dma_wait3A_449 = arith.constant 0 : i32
        %dma_wait3A_450 = tpu.memref_slice %arg12[%dma_wait3A_449] : memref<24576xf32, #tpu.memory_space<vmem>> -> memref<12288xf32, #tpu.memory_space<vmem>>
        %dma_wait3A_451 = tpu.memref_slice %arg3[%mul3A_445] : memref<4800000xf32, #tpu.memory_space<hbm>> -> memref<12288xf32, #tpu.memory_space<hbm>>
        tpu.wait_dma2 semaphore(%arg21 : memref<!tpu.dma_semaphore, #tpu.memory_space<semaphore_mem>>) src(%dma_wait3A_451 : memref<12288xf32, #tpu.memory_space<hbm>>) dst(%dma_wait3A_450 : memref<12288xf32, #tpu.memory_space<vmem>>)
        %dma_wait3A_452 = arith.constant 0 : i32
        %dma_wait3A_453 = tpu.memref_slice %arg13[%dma_wait3A_452] : memref<8192xi32, #tpu.memory_space<vmem>> -> memref<4096xi32, #tpu.memory_space<vmem>>
        %dma_wait3A_454 = tpu.memref_slice %arg4[%multiple_of3A_438] : memref<1600000xi32, #tpu.memory_space<hbm>> -> memref<4096xi32, #tpu.memory_space<hbm>>
        %dma_wait3A_455 = arith.constant 0 : i32
        %dma_wait3A_456 = tpu.memref_slice %arg13[%dma_wait3A_455] : memref<8192xi32, #tpu.memory_space<vmem>> -> memref<4096xi32, #tpu.memory_space<vmem>>
        %dma_wait3A_457 = tpu.memref_slice %arg4[%multiple_of3A_438] : memref<1600000xi32, #tpu.memory_space<hbm>> -> memref<4096xi32, #tpu.memory_space<hbm>>
        tpu.wait_dma2 semaphore(%arg21 : memref<!tpu.dma_semaphore, #tpu.memory_space<semaphore_mem>>) src(%dma_wait3A_457 : memref<4096xi32, #tpu.memory_space<hbm>>) dst(%dma_wait3A_456 : memref<4096xi32, #tpu.memory_space<vmem>>)
        %dma_wait3A_458 = arith.constant 16 : i32
        %dma_wait3A_459 = tpu.memref_slice %arg14[%dma_wait3A_458] : memref<8256xi32, #tpu.memory_space<vmem>> -> memref<4096xi32, #tpu.memory_space<vmem>>
        %dma_wait3A_460 = tpu.memref_slice %arg5[%multiple_of3A_438] : memref<1600000xi32, #tpu.memory_space<hbm>> -> memref<4096xi32, #tpu.memory_space<hbm>>
        %dma_wait3A_461 = arith.constant 16 : i32
        %dma_wait3A_462 = tpu.memref_slice %arg14[%dma_wait3A_461] : memref<8256xi32, #tpu.memory_space<vmem>> -> memref<4096xi32, #tpu.memory_space<vmem>>
        %dma_wait3A_463 = tpu.memref_slice %arg5[%multiple_of3A_438] : memref<1600000xi32, #tpu.memory_space<hbm>> -> memref<4096xi32, #tpu.memory_space<hbm>>
        tpu.wait_dma2 semaphore(%arg21 : memref<!tpu.dma_semaphore, #tpu.memory_space<semaphore_mem>>) src(%dma_wait3A_463 : memref<4096xi32, #tpu.memory_space<hbm>>) dst(%dma_wait3A_462 : memref<4096xi32, #tpu.memory_space<vmem>>)
      } else {
      }
      %not3A = arith.constant true
      %not3A_400 = arith.xori %eq3A_393, %not3A : i1
      %convert_element_type3A_401 = arith.extui %not3A_400 : i1 to i32
      %cond3A_402 = arith.constant 0 : i32
      %cond3A_403 = arith.cmpi ne, %convert_element_type3A_401, %cond3A_402 : i32
      scf.if %cond3A_403 {
        %mul3A_433 = arith.constant 4096 : i32
        %mul3A_434 = arith.muli %while3A_388, %mul3A_433 : i32
        %add3A_435 = arith.addi %mul3A_283, %mul3A_434 : i32
        %min3A_436 = arith.constant 1595904 : i32
        %min3A_437 = arith.minsi %add3A_435, %min3A_436 : i32
        %multiple_of3A_438 = tpu.assume_multiple %min3A_437, 128 : i32
        %dma_wait3A = arith.constant 4096 : i32
        %dma_wait3A_439 = tpu.memref_slice %arg11[%dma_wait3A] : memref<8192xf32, #tpu.memory_space<vmem>> -> memref<4096xf32, #tpu.memory_space<vmem>>
        %dma_wait3A_440 = tpu.memref_slice %arg2[%multiple_of3A_438] : memref<1600000xf32, #tpu.memory_space<hbm>> -> memref<4096xf32, #tpu.memory_space<hbm>>
        %dma_wait3A_441 = arith.constant 4096 : i32
        %dma_wait3A_442 = tpu.memref_slice %arg11[%dma_wait3A_441] : memref<8192xf32, #tpu.memory_space<vmem>> -> memref<4096xf32, #tpu.memory_space<vmem>>
        %dma_wait3A_443 = tpu.memref_slice %arg2[%multiple_of3A_438] : memref<1600000xf32, #tpu.memory_space<hbm>> -> memref<4096xf32, #tpu.memory_space<hbm>>
        tpu.wait_dma2 semaphore(%arg22 : memref<!tpu.dma_semaphore, #tpu.memory_space<semaphore_mem>>) src(%dma_wait3A_443 : memref<4096xf32, #tpu.memory_space<hbm>>) dst(%dma_wait3A_442 : memref<4096xf32, #tpu.memory_space<vmem>>)
        %mul3A_444 = arith.constant 3 : i32
        %mul3A_445 = arith.muli %multiple_of3A_438, %mul3A_444 : i32
        %dma_wait3A_446 = arith.constant 12288 : i32
        %dma_wait3A_447 = tpu.memref_slice %arg12[%dma_wait3A_446] : memref<24576xf32, #tpu.memory_space<vmem>> -> memref<12288xf32, #tpu.memory_space<vmem>>
        %dma_wait3A_448 = tpu.memref_slice %arg3[%mul3A_445] : memref<4800000xf32, #tpu.memory_space<hbm>> -> memref<12288xf32, #tpu.memory_space<hbm>>
        %dma_wait3A_449 = arith.constant 12288 : i32
        %dma_wait3A_450 = tpu.memref_slice %arg12[%dma_wait3A_449] : memref<24576xf32, #tpu.memory_space<vmem>> -> memref<12288xf32, #tpu.memory_space<vmem>>
        %dma_wait3A_451 = tpu.memref_slice %arg3[%mul3A_445] : memref<4800000xf32, #tpu.memory_space<hbm>> -> memref<12288xf32, #tpu.memory_space<hbm>>
        tpu.wait_dma2 semaphore(%arg22 : memref<!tpu.dma_semaphore, #tpu.memory_space<semaphore_mem>>) src(%dma_wait3A_451 : memref<12288xf32, #tpu.memory_space<hbm>>) dst(%dma_wait3A_450 : memref<12288xf32, #tpu.memory_space<vmem>>)
        %dma_wait3A_452 = arith.constant 4096 : i32
        %dma_wait3A_453 = tpu.memref_slice %arg13[%dma_wait3A_452] : memref<8192xi32, #tpu.memory_space<vmem>> -> memref<4096xi32, #tpu.memory_space<vmem>>
        %dma_wait3A_454 = tpu.memref_slice %arg4[%multiple_of3A_438] : memref<1600000xi32, #tpu.memory_space<hbm>> -> memref<4096xi32, #tpu.memory_space<hbm>>
        %dma_wait3A_455 = arith.constant 4096 : i32
        %dma_wait3A_456 = tpu.memref_slice %arg13[%dma_wait3A_455] : memref<8192xi32, #tpu.memory_space<vmem>> -> memref<4096xi32, #tpu.memory_space<vmem>>
        %dma_wait3A_457 = tpu.memref_slice %arg4[%multiple_of3A_438] : memref<1600000xi32, #tpu.memory_space<hbm>> -> memref<4096xi32, #tpu.memory_space<hbm>>
        tpu.wait_dma2 semaphore(%arg22 : memref<!tpu.dma_semaphore, #tpu.memory_space<semaphore_mem>>) src(%dma_wait3A_457 : memref<4096xi32, #tpu.memory_space<hbm>>) dst(%dma_wait3A_456 : memref<4096xi32, #tpu.memory_space<vmem>>)
        %dma_wait3A_458 = arith.constant 4144 : i32
        %dma_wait3A_459 = tpu.memref_slice %arg14[%dma_wait3A_458] : memref<8256xi32, #tpu.memory_space<vmem>> -> memref<4096xi32, #tpu.memory_space<vmem>>
        %dma_wait3A_460 = tpu.memref_slice %arg5[%multiple_of3A_438] : memref<1600000xi32, #tpu.memory_space<hbm>> -> memref<4096xi32, #tpu.memory_space<hbm>>
        %dma_wait3A_461 = arith.constant 4144 : i32
        %dma_wait3A_462 = tpu.memref_slice %arg14[%dma_wait3A_461] : memref<8256xi32, #tpu.memory_space<vmem>> -> memref<4096xi32, #tpu.memory_space<vmem>>
        %dma_wait3A_463 = tpu.memref_slice %arg5[%multiple_of3A_438] : memref<1600000xi32, #tpu.memory_space<hbm>> -> memref<4096xi32, #tpu.memory_space<hbm>>
        tpu.wait_dma2 semaphore(%arg22 : memref<!tpu.dma_semaphore, #tpu.memory_space<semaphore_mem>>) src(%dma_wait3A_463 : memref<4096xi32, #tpu.memory_space<hbm>>) dst(%dma_wait3A_462 : memref<4096xi32, #tpu.memory_space<vmem>>)
      } else {
      }
      %and3A_404 = arith.andi %lt3A_396, %eq3A_393 : i1
      %convert_element_type3A_405 = arith.extui %and3A_404 : i1 to i32
      %cond3A_406 = arith.constant 0 : i32
      %cond3A_407 = arith.cmpi ne, %convert_element_type3A_405, %cond3A_406 : i32
      scf.if %cond3A_407 {
        %add3A_433 = arith.constant 1 : i32
        %add3A_434 = arith.addi %while3A_388, %add3A_433 : i32
        %mul3A_435 = arith.constant 4096 : i32
        %mul3A_436 = arith.muli %add3A_434, %mul3A_435 : i32
        %add3A_437 = arith.addi %mul3A_283, %mul3A_436 : i32
        %min3A_438 = arith.constant 1595904 : i32
        %min3A_439 = arith.minsi %add3A_437, %min3A_438 : i32
        %multiple_of3A_440 = tpu.assume_multiple %min3A_439, 128 : i32
        %dma_start3A = arith.constant 4096 : i32
        %dma_start3A_441 = tpu.memref_slice %arg11[%dma_start3A] : memref<8192xf32, #tpu.memory_space<vmem>> -> memref<4096xf32, #tpu.memory_space<vmem>>
        %dma_start3A_442 = tpu.memref_slice %arg2[%multiple_of3A_440] : memref<1600000xf32, #tpu.memory_space<hbm>> -> memref<4096xf32, #tpu.memory_space<hbm>>
        %dma_start3A_443 = arith.constant 4096 : i32
        %dma_start3A_444 = tpu.memref_slice %arg11[%dma_start3A_443] : memref<8192xf32, #tpu.memory_space<vmem>> -> memref<4096xf32, #tpu.memory_space<vmem>>
        %dma_start3A_445 = tpu.memref_slice %arg2[%multiple_of3A_440] : memref<1600000xf32, #tpu.memory_space<hbm>> -> memref<4096xf32, #tpu.memory_space<hbm>>
        tpu.enqueue_dma source(%dma_start3A_445 : memref<4096xf32, #tpu.memory_space<hbm>>) target(%dma_start3A_444 : memref<4096xf32, #tpu.memory_space<vmem>>) target_semaphore(%arg22 : memref<!tpu.dma_semaphore, #tpu.memory_space<semaphore_mem>>)
        %mul3A_446 = arith.constant 3 : i32
        %mul3A_447 = arith.muli %multiple_of3A_440, %mul3A_446 : i32
        %dma_start3A_448 = arith.constant 12288 : i32
        %dma_start3A_449 = tpu.memref_slice %arg12[%dma_start3A_448] : memref<24576xf32, #tpu.memory_space<vmem>> -> memref<12288xf32, #tpu.memory_space<vmem>>
        %dma_start3A_450 = tpu.memref_slice %arg3[%mul3A_447] : memref<4800000xf32, #tpu.memory_space<hbm>> -> memref<12288xf32, #tpu.memory_space<hbm>>
        %dma_start3A_451 = arith.constant 12288 : i32
        %dma_start3A_452 = tpu.memref_slice %arg12[%dma_start3A_451] : memref<24576xf32, #tpu.memory_space<vmem>> -> memref<12288xf32, #tpu.memory_space<vmem>>
        %dma_start3A_453 = tpu.memref_slice %arg3[%mul3A_447] : memref<4800000xf32, #tpu.memory_space<hbm>> -> memref<12288xf32, #tpu.memory_space<hbm>>
        tpu.enqueue_dma source(%dma_start3A_453 : memref<12288xf32, #tpu.memory_space<hbm>>) target(%dma_start3A_452 : memref<12288xf32, #tpu.memory_space<vmem>>) target_semaphore(%arg22 : memref<!tpu.dma_semaphore, #tpu.memory_space<semaphore_mem>>)
        %dma_start3A_454 = arith.constant 4096 : i32
        %dma_start3A_455 = tpu.memref_slice %arg13[%dma_start3A_454] : memref<8192xi32, #tpu.memory_space<vmem>> -> memref<4096xi32, #tpu.memory_space<vmem>>
        %dma_start3A_456 = tpu.memref_slice %arg4[%multiple_of3A_440] : memref<1600000xi32, #tpu.memory_space<hbm>> -> memref<4096xi32, #tpu.memory_space<hbm>>
        %dma_start3A_457 = arith.constant 4096 : i32
        %dma_start3A_458 = tpu.memref_slice %arg13[%dma_start3A_457] : memref<8192xi32, #tpu.memory_space<vmem>> -> memref<4096xi32, #tpu.memory_space<vmem>>
        %dma_start3A_459 = tpu.memref_slice %arg4[%multiple_of3A_440] : memref<1600000xi32, #tpu.memory_space<hbm>> -> memref<4096xi32, #tpu.memory_space<hbm>>
        tpu.enqueue_dma source(%dma_start3A_459 : memref<4096xi32, #tpu.memory_space<hbm>>) target(%dma_start3A_458 : memref<4096xi32, #tpu.memory_space<vmem>>) target_semaphore(%arg22 : memref<!tpu.dma_semaphore, #tpu.memory_space<semaphore_mem>>)
        %dma_start3A_460 = arith.constant 4144 : i32
        %dma_start3A_461 = tpu.memref_slice %arg14[%dma_start3A_460] : memref<8256xi32, #tpu.memory_space<vmem>> -> memref<4096xi32, #tpu.memory_space<vmem>>
        %dma_start3A_462 = tpu.memref_slice %arg5[%multiple_of3A_440] : memref<1600000xi32, #tpu.memory_space<hbm>> -> memref<4096xi32, #tpu.memory_space<hbm>>
        %dma_start3A_463 = arith.constant 4144 : i32
        %dma_start3A_464 = tpu.memref_slice %arg14[%dma_start3A_463] : memref<8256xi32, #tpu.memory_space<vmem>> -> memref<4096xi32, #tpu.memory_space<vmem>>
        %dma_start3A_465 = tpu.memref_slice %arg5[%multiple_of3A_440] : memref<1600000xi32, #tpu.memory_space<hbm>> -> memref<4096xi32, #tpu.memory_space<hbm>>
        tpu.enqueue_dma source(%dma_start3A_465 : memref<4096xi32, #tpu.memory_space<hbm>>) target(%dma_start3A_464 : memref<4096xi32, #tpu.memory_space<vmem>>) target_semaphore(%arg22 : memref<!tpu.dma_semaphore, #tpu.memory_space<semaphore_mem>>)
      } else {
      }
      %not3A_408 = arith.constant true
      %not3A_409 = arith.xori %eq3A_393, %not3A_408 : i1
      %and3A_410 = arith.andi %lt3A_396, %not3A_409 : i1
      %convert_element_type3A_411 = arith.extui %and3A_410 : i1 to i32
      %cond3A_412 = arith.constant 0 : i32
      %cond3A_413 = arith.cmpi ne, %convert_element_type3A_411, %cond3A_412 : i32
      scf.if %cond3A_413 {
        %add3A_433 = arith.constant 1 : i32
        %add3A_434 = arith.addi %while3A_388, %add3A_433 : i32
        %mul3A_435 = arith.constant 4096 : i32
        %mul3A_436 = arith.muli %add3A_434, %mul3A_435 : i32
        %add3A_437 = arith.addi %mul3A_283, %mul3A_436 : i32
        %min3A_438 = arith.constant 1595904 : i32
        %min3A_439 = arith.minsi %add3A_437, %min3A_438 : i32
        %multiple_of3A_440 = tpu.assume_multiple %min3A_439, 128 : i32
        %dma_start3A = arith.constant 0 : i32
        %dma_start3A_441 = tpu.memref_slice %arg11[%dma_start3A] : memref<8192xf32, #tpu.memory_space<vmem>> -> memref<4096xf32, #tpu.memory_space<vmem>>
        %dma_start3A_442 = tpu.memref_slice %arg2[%multiple_of3A_440] : memref<1600000xf32, #tpu.memory_space<hbm>> -> memref<4096xf32, #tpu.memory_space<hbm>>
        %dma_start3A_443 = arith.constant 0 : i32
        %dma_start3A_444 = tpu.memref_slice %arg11[%dma_start3A_443] : memref<8192xf32, #tpu.memory_space<vmem>> -> memref<4096xf32, #tpu.memory_space<vmem>>
        %dma_start3A_445 = tpu.memref_slice %arg2[%multiple_of3A_440] : memref<1600000xf32, #tpu.memory_space<hbm>> -> memref<4096xf32, #tpu.memory_space<hbm>>
        tpu.enqueue_dma source(%dma_start3A_445 : memref<4096xf32, #tpu.memory_space<hbm>>) target(%dma_start3A_444 : memref<4096xf32, #tpu.memory_space<vmem>>) target_semaphore(%arg21 : memref<!tpu.dma_semaphore, #tpu.memory_space<semaphore_mem>>)
        %mul3A_446 = arith.constant 3 : i32
        %mul3A_447 = arith.muli %multiple_of3A_440, %mul3A_446 : i32
        %dma_start3A_448 = arith.constant 0 : i32
        %dma_start3A_449 = tpu.memref_slice %arg12[%dma_start3A_448] : memref<24576xf32, #tpu.memory_space<vmem>> -> memref<12288xf32, #tpu.memory_space<vmem>>
        %dma_start3A_450 = tpu.memref_slice %arg3[%mul3A_447] : memref<4800000xf32, #tpu.memory_space<hbm>> -> memref<12288xf32, #tpu.memory_space<hbm>>
        %dma_start3A_451 = arith.constant 0 : i32
        %dma_start3A_452 = tpu.memref_slice %arg12[%dma_start3A_451] : memref<24576xf32, #tpu.memory_space<vmem>> -> memref<12288xf32, #tpu.memory_space<vmem>>
        %dma_start3A_453 = tpu.memref_slice %arg3[%mul3A_447] : memref<4800000xf32, #tpu.memory_space<hbm>> -> memref<12288xf32, #tpu.memory_space<hbm>>
        tpu.enqueue_dma source(%dma_start3A_453 : memref<12288xf32, #tpu.memory_space<hbm>>) target(%dma_start3A_452 : memref<12288xf32, #tpu.memory_space<vmem>>) target_semaphore(%arg21 : memref<!tpu.dma_semaphore, #tpu.memory_space<semaphore_mem>>)
        %dma_start3A_454 = arith.constant 0 : i32
        %dma_start3A_455 = tpu.memref_slice %arg13[%dma_start3A_454] : memref<8192xi32, #tpu.memory_space<vmem>> -> memref<4096xi32, #tpu.memory_space<vmem>>
        %dma_start3A_456 = tpu.memref_slice %arg4[%multiple_of3A_440] : memref<1600000xi32, #tpu.memory_space<hbm>> -> memref<4096xi32, #tpu.memory_space<hbm>>
        %dma_start3A_457 = arith.constant 0 : i32
        %dma_start3A_458 = tpu.memref_slice %arg13[%dma_start3A_457] : memref<8192xi32, #tpu.memory_space<vmem>> -> memref<4096xi32, #tpu.memory_space<vmem>>
        %dma_start3A_459 = tpu.memref_slice %arg4[%multiple_of3A_440] : memref<1600000xi32, #tpu.memory_space<hbm>> -> memref<4096xi32, #tpu.memory_space<hbm>>
        tpu.enqueue_dma source(%dma_start3A_459 : memref<4096xi32, #tpu.memory_space<hbm>>) target(%dma_start3A_458 : memref<4096xi32, #tpu.memory_space<vmem>>) target_semaphore(%arg21 : memref<!tpu.dma_semaphore, #tpu.memory_space<semaphore_mem>>)
        %dma_start3A_460 = arith.constant 16 : i32
        %dma_start3A_461 = tpu.memref_slice %arg14[%dma_start3A_460] : memref<8256xi32, #tpu.memory_space<vmem>> -> memref<4096xi32, #tpu.memory_space<vmem>>
        %dma_start3A_462 = tpu.memref_slice %arg5[%multiple_of3A_440] : memref<1600000xi32, #tpu.memory_space<hbm>> -> memref<4096xi32, #tpu.memory_space<hbm>>
        %dma_start3A_463 = arith.constant 16 : i32
        %dma_start3A_464 = tpu.memref_slice %arg14[%dma_start3A_463] : memref<8256xi32, #tpu.memory_space<vmem>> -> memref<4096xi32, #tpu.memory_space<vmem>>
        %dma_start3A_465 = tpu.memref_slice %arg5[%multiple_of3A_440] : memref<1600000xi32, #tpu.memory_space<hbm>> -> memref<4096xi32, #tpu.memory_space<hbm>>
        tpu.enqueue_dma source(%dma_start3A_465 : memref<4096xi32, #tpu.memory_space<hbm>>) target(%dma_start3A_464 : memref<4096xi32, #tpu.memory_space<vmem>>) target_semaphore(%arg21 : memref<!tpu.dma_semaphore, #tpu.memory_space<semaphore_mem>>)
      } else {
      }
      %jit3A_414 = arith.constant 0 : i32
      %jit3A_415 = arith.constant 4096 : i32
      %select_n3A_416 = arith.select %eq3A_393, %jit3A_414, %jit3A_415 : i32
      %jit3A_417 = arith.constant 16 : i32
      %jit3A_418 = arith.constant 4144 : i32
      %select_n3A_419 = arith.select %eq3A_393, %jit3A_417, %jit3A_418 : i32
      %mul3A_420 = arith.constant 4096 : i32
      %mul3A_421 = arith.muli %while3A_388, %mul3A_420 : i32
      %add3A_422 = arith.addi %mul3A_283, %mul3A_421 : i32
      %min3A_423 = arith.constant 1595904 : i32
      %min3A_424 = arith.minsi %add3A_422, %min3A_423 : i32
      %multiple_of3A_425 = tpu.assume_multiple %min3A_424, 128 : i32
      %max3A_426 = arith.maxsi %select_n3A_133, %add3A_422 : i32
      %add3A_427 = arith.constant 4096 : i32
      %add3A_428 = arith.addi %add3A_422, %add3A_427 : i32
      %min3A_429 = arith.minsi %select_n3A_262, %add3A_428 : i32
      %parallel_loop3A = arith.constant 0 : i32
      %parallel_loop3A_430 = arith.constant 256 : i32
      %parallel_loop3A_431 = arith.constant 1 : i32
      scf.for %parallel_loop3A_433 = %parallel_loop3A to %parallel_loop3A_430 step %parallel_loop3A_431  : i32 {
        %parallel_loop3A_434 = arith.constant 16 : i32
        %parallel_loop3A_435 = arith.muli %parallel_loop3A_433, %parallel_loop3A_434 : i32
        %parallel_loop3A_436 = arith.addi %multiple_of3A_425, %parallel_loop3A_435 : i32
        %parallel_loop3A_437 = vector.broadcast %parallel_loop3A_436 : i32 to vector<16xi32>
        %parallel_loop3A_438 = arith.addi %parallel_loop3A_437, %iota3A : vector<16xi32>
        %parallel_loop3A_439 = vector.broadcast %max3A_426 : i32 to vector<16xi32>
        %parallel_loop3A_440 = arith.cmpi sge, %parallel_loop3A_438, %parallel_loop3A_439 : vector<16xi32>
        %parallel_loop3A_441 = vector.broadcast %min3A_429 : i32 to vector<16xi32>
        %parallel_loop3A_442 = arith.cmpi slt, %parallel_loop3A_438, %parallel_loop3A_441 : vector<16xi32>
        %parallel_loop3A_443 = arith.andi %parallel_loop3A_440, %parallel_loop3A_442 : vector<16xi1>
        %parallel_loop3A_444 = arith.addi %select_n3A_419, %parallel_loop3A_435 : i32
        %parallel_loop3A_445 = arith.index_cast %parallel_loop3A_444 : i32 to index
        %parallel_loop3A_446 = tpu.vector_load %arg14[%parallel_loop3A_445] {strides = array<i32>} : memref<8256xi32, #tpu.memory_space<vmem>>, vector<16xi32>,
        %parallel_loop3A_447 = arith.constant 1 : i32
        %parallel_loop3A_448 = arith.subi %select_n3A_419, %parallel_loop3A_447 : i32
        %parallel_loop3A_449 = arith.addi %parallel_loop3A_448, %parallel_loop3A_435 : i32
        %parallel_loop3A_450 = arith.index_cast %parallel_loop3A_449 : i32 to index
        %parallel_loop3A_451 = tpu.vector_load %arg14[%parallel_loop3A_450] {strides = array<i32>} : memref<8256xi32, #tpu.memory_space<vmem>>, vector<16xi32>,
        %parallel_loop3A_452 = arith.constant 1 : i32
        %parallel_loop3A_453 = arith.addi %select_n3A_419, %parallel_loop3A_452 : i32
        %parallel_loop3A_454 = arith.addi %parallel_loop3A_453, %parallel_loop3A_435 : i32
        %parallel_loop3A_455 = arith.index_cast %parallel_loop3A_454 : i32 to index
        %parallel_loop3A_456 = tpu.vector_load %arg14[%parallel_loop3A_455] {strides = array<i32>} : memref<8256xi32, #tpu.memory_space<vmem>>, vector<16xi32>,
        %parallel_loop3A_457 = arith.cmpi ne, %parallel_loop3A_446, %parallel_loop3A_451 : vector<16xi32>
        %parallel_loop3A_458 = arith.ori %parallel_loop3A_457, %eq3A_315 : vector<16xi1>
        %parallel_loop3A_459 = arith.cmpi ne, %parallel_loop3A_446, %parallel_loop3A_456 : vector<16xi32>
        %parallel_loop3A_460 = arith.ori %parallel_loop3A_459, %eq3A_318 : vector<16xi1>
        %parallel_loop3A_461 = arith.ori %parallel_loop3A_458, %parallel_loop3A_460 : vector<16xi1>
        %parallel_loop3A_462 = vector.broadcast %mul3A_2 : i32 to vector<16xi32>
        %parallel_loop3A_463 = arith.subi %parallel_loop3A_446, %parallel_loop3A_462 : vector<16xi32>
        %parallel_loop3A_464 = arith.constant 0 : i32
        %parallel_loop3A_465 = arith.constant 1567 : i32
        %parallel_loop3A_466 = vector.broadcast %parallel_loop3A_464 : i32 to vector<16xi32>
        %parallel_loop3A_467 = arith.maxsi %parallel_loop3A_466, %parallel_loop3A_463 : vector<16xi32>
        %parallel_loop3A_468 = vector.broadcast %parallel_loop3A_465 : i32 to vector<16xi32>
        %parallel_loop3A_469 = arith.minsi %parallel_loop3A_468, %parallel_loop3A_467 : vector<16xi32>
        %parallel_loop3A_470 = arith.addi %select_n3A_416, %parallel_loop3A_435 : i32
        %parallel_loop3A_471 = arith.index_cast %parallel_loop3A_470 : i32 to index
        %parallel_loop3A_472 = tpu.vector_load %arg11[%parallel_loop3A_471] {strides = array<i32>} : memref<8192xf32, #tpu.memory_space<vmem>>, vector<16xf32>,
        %parallel_loop3A_473 = arith.addi %select_n3A_416, %parallel_loop3A_435 : i32
        %parallel_loop3A_474 = arith.index_cast %parallel_loop3A_473 : i32 to index
        %parallel_loop3A_475 = tpu.vector_load %arg13[%parallel_loop3A_474] {strides = array<i32>} : memref<8192xi32, #tpu.memory_space<vmem>>, vector<16xi32>,
        %parallel_loop3A_476 = tpu.vector_load_idx %arg10[%parallel_loop3A_475] : memref<128xf32, #tpu.memory_space<vmem>>[vector<16xi32>], vector<16xf32>,
        %parallel_loop3A_477 = arith.constant 3 : i32
        %parallel_loop3A_478 = arith.muli %select_n3A_416, %parallel_loop3A_477 : i32
        %parallel_loop3A_479 = arith.constant 8 : i32
        %parallel_loop3A_480 = arith.divsi %parallel_loop3A_433, %parallel_loop3A_479 : i32
        %parallel_loop3A_481 = arith.constant 0 : i32
        %parallel_loop3A_482 = arith.cmpi sgt, %parallel_loop3A_433, %parallel_loop3A_481 : i32
        %parallel_loop3A_483 = arith.extui %parallel_loop3A_482 : i1 to i32
        %parallel_loop3A_484 = arith.constant 0 : i32
        %parallel_loop3A_485 = arith.cmpi slt, %parallel_loop3A_433, %parallel_loop3A_484 : i32
        %parallel_loop3A_486 = arith.extui %parallel_loop3A_485 : i1 to i32
        %parallel_loop3A_487 = arith.subi %parallel_loop3A_483, %parallel_loop3A_486 : i32
        %parallel_loop3A_488 = arith.constant 0 : i32
        %parallel_loop3A_489 = arith.cmpi sgt, %parallel_loop3A_479, %parallel_loop3A_488 : i32
        %parallel_loop3A_490 = arith.extui %parallel_loop3A_489 : i1 to i32
        %parallel_loop3A_491 = arith.constant 0 : i32
        %parallel_loop3A_492 = arith.cmpi slt, %parallel_loop3A_479, %parallel_loop3A_491 : i32
        %parallel_loop3A_493 = arith.extui %parallel_loop3A_492 : i1 to i32
        %parallel_loop3A_494 = arith.subi %parallel_loop3A_490, %parallel_loop3A_493 : i32
        %parallel_loop3A_495 = arith.cmpi ne, %parallel_loop3A_487, %parallel_loop3A_494 : i32
        %parallel_loop3A_496 = arith.remsi %parallel_loop3A_433, %parallel_loop3A_479 : i32
        %parallel_loop3A_497 = arith.constant 0 : i32
        %parallel_loop3A_498 = arith.cmpi ne, %parallel_loop3A_496, %parallel_loop3A_497 : i32
        %parallel_loop3A_499 = arith.andi %parallel_loop3A_495, %parallel_loop3A_498 : i1
        %parallel_loop3A_500 = arith.constant 1 : i32
        %parallel_loop3A_501 = arith.subi %parallel_loop3A_480, %parallel_loop3A_500 : i32
        %parallel_loop3A_502 = arith.select %parallel_loop3A_499, %parallel_loop3A_501, %parallel_loop3A_480 : i32
        %parallel_loop3A_503 = arith.constant 384 : i32
        %parallel_loop3A_504 = arith.muli %parallel_loop3A_502, %parallel_loop3A_503 : i32
        %parallel_loop3A_505 = arith.addi %parallel_loop3A_478, %parallel_loop3A_504 : i32
        %parallel_loop3A_506 = arith.constant 8 : i32
        %parallel_loop3A_507 = arith.remsi %parallel_loop3A_433, %parallel_loop3A_506 : i32
        %parallel_loop3A_508 = arith.constant 16 : i32
        %parallel_loop3A_509 = arith.muli %parallel_loop3A_507, %parallel_loop3A_508 : i32
        %parallel_loop3A_510 = arith.addi %parallel_loop3A_505, %parallel_loop3A_509 : i32
        %parallel_loop3A_511 = arith.index_cast %parallel_loop3A_510 : i32 to index
        %parallel_loop3A_512 = tpu.vector_load %arg12[%parallel_loop3A_511] {strides = array<i32>} : memref<24576xf32, #tpu.memory_space<vmem>>, vector<16xf32>,
        %parallel_loop3A_513 = arith.constant 128 : i32
        %parallel_loop3A_514 = arith.addi %parallel_loop3A_510, %parallel_loop3A_513 : i32
        %parallel_loop3A_515 = arith.index_cast %parallel_loop3A_514 : i32 to index
        %parallel_loop3A_516 = tpu.vector_load %arg12[%parallel_loop3A_515] {strides = array<i32>} : memref<24576xf32, #tpu.memory_space<vmem>>, vector<16xf32>,
        %parallel_loop3A_517 = arith.constant 256 : i32
        %parallel_loop3A_518 = arith.addi %parallel_loop3A_510, %parallel_loop3A_517 : i32
        %parallel_loop3A_519 = arith.index_cast %parallel_loop3A_518 : i32 to index
        %parallel_loop3A_520 = tpu.vector_load %arg12[%parallel_loop3A_519] {strides = array<i32>} : memref<24576xf32, #tpu.memory_space<vmem>>, vector<16xf32>,
        %parallel_loop3A_521 = arith.constant 0.000000e+00 : f32
        %parallel_loop3A_522 = vector.broadcast %parallel_loop3A_521 : f32 to vector<16xf32>
        %parallel_loop3A_523 = arith.select %parallel_loop3A_443, %parallel_loop3A_476, %parallel_loop3A_522 : vector<16xi1>, vector<16xf32>
        %parallel_loop3A_524 = arith.constant 0.000000e+00 : f32
        %parallel_loop3A_525 = vector.broadcast %parallel_loop3A_524 : f32 to vector<16xf32>
        %parallel_loop3A_526 = arith.select %parallel_loop3A_443, %parallel_loop3A_472, %parallel_loop3A_525 : vector<16xi1>, vector<16xf32>
        %parallel_loop3A_527 = arith.constant 8 : i32
        %parallel_loop3A_528 = vector.broadcast %parallel_loop3A_527 : i32 to vector<16xi32>
        %parallel_loop3A_529 = arith.muli %parallel_loop3A_469, %parallel_loop3A_528 : vector<16xi32>
        %parallel_loop3A_530 = arith.constant true
        %parallel_loop3A_531 = vector.broadcast %parallel_loop3A_530 : i1 to vector<16xi1>
        %parallel_loop3A_532 = tpu.scan <sum>, %parallel_loop3A_523 masked %parallel_loop3A_531 : vector<16xf32>, vector<16xi1> -> vector<16xf32>
        %parallel_loop3A_533 = arith.constant 0.000000e+00 : f32
        %parallel_loop3A_534 = vector.broadcast %parallel_loop3A_533 : f32 to vector<16xf32>
        %parallel_loop3A_535 = arith.select %parallel_loop3A_460, %parallel_loop3A_532, %parallel_loop3A_534 : vector<16xi1>, vector<16xf32>
        %parallel_loop3A_536 = arith.subf %parallel_loop3A_532, %parallel_loop3A_523 : vector<16xf32>
        %parallel_loop3A_537 = arith.constant 0.000000e+00 : f32
        %parallel_loop3A_538 = vector.broadcast %parallel_loop3A_537 : f32 to vector<16xf32>
        %parallel_loop3A_539 = arith.select %parallel_loop3A_458, %parallel_loop3A_536, %parallel_loop3A_538 : vector<16xi1>, vector<16xf32>
        %parallel_loop3A_540 = arith.subf %parallel_loop3A_535, %parallel_loop3A_539 : vector<16xf32>
        %parallel_loop3A_541 = arith.constant 0 : i32
        %parallel_loop3A_542 = vector.broadcast %parallel_loop3A_541 : i32 to vector<16xi32>
        %parallel_loop3A_543 = arith.addi %parallel_loop3A_529, %parallel_loop3A_542 : vector<16xi32>
        tpu.vector_store_idx %arg15[%parallel_loop3A_543], %parallel_loop3A_540 masked %parallel_loop3A_461 {add = true} : memref<12544xf32, #tpu.memory_space<vmem>>[vector<16xi32>], vector<16xf32>, vector<16xi1>
        %parallel_loop3A_544 = arith.mulf %parallel_loop3A_523, %parallel_loop3A_512 : vector<16xf32>
        %parallel_loop3A_545 = arith.constant true
        %parallel_loop3A_546 = vector.broadcast %parallel_loop3A_545 : i1 to vector<16xi1>
        %parallel_loop3A_547 = tpu.scan <sum>, %parallel_loop3A_544 masked %parallel_loop3A_546 : vector<16xf32>, vector<16xi1> -> vector<16xf32>
        %parallel_loop3A_548 = arith.constant 0.000000e+00 : f32
        %parallel_loop3A_549 = vector.broadcast %parallel_loop3A_548 : f32 to vector<16xf32>
        %parallel_loop3A_550 = arith.select %parallel_loop3A_460, %parallel_loop3A_547, %parallel_loop3A_549 : vector<16xi1>, vector<16xf32>
        %parallel_loop3A_551 = arith.subf %parallel_loop3A_547, %parallel_loop3A_544 : vector<16xf32>
        %parallel_loop3A_552 = arith.constant 0.000000e+00 : f32
        %parallel_loop3A_553 = vector.broadcast %parallel_loop3A_552 : f32 to vector<16xf32>
        %parallel_loop3A_554 = arith.select %parallel_loop3A_458, %parallel_loop3A_551, %parallel_loop3A_553 : vector<16xi1>, vector<16xf32>
        %parallel_loop3A_555 = arith.subf %parallel_loop3A_550, %parallel_loop3A_554 : vector<16xf32>
        %parallel_loop3A_556 = arith.constant 1 : i32
        %parallel_loop3A_557 = vector.broadcast %parallel_loop3A_556 : i32 to vector<16xi32>
        %parallel_loop3A_558 = arith.addi %parallel_loop3A_529, %parallel_loop3A_557 : vector<16xi32>
        tpu.vector_store_idx %arg15[%parallel_loop3A_558], %parallel_loop3A_555 masked %parallel_loop3A_461 {add = true} : memref<12544xf32, #tpu.memory_space<vmem>>[vector<16xi32>], vector<16xf32>, vector<16xi1>
        %parallel_loop3A_559 = arith.mulf %parallel_loop3A_523, %parallel_loop3A_516 : vector<16xf32>
        %parallel_loop3A_560 = arith.constant true
        %parallel_loop3A_561 = vector.broadcast %parallel_loop3A_560 : i1 to vector<16xi1>
        %parallel_loop3A_562 = tpu.scan <sum>, %parallel_loop3A_559 masked %parallel_loop3A_561 : vector<16xf32>, vector<16xi1> -> vector<16xf32>
        %parallel_loop3A_563 = arith.constant 0.000000e+00 : f32
        %parallel_loop3A_564 = vector.broadcast %parallel_loop3A_563 : f32 to vector<16xf32>
        %parallel_loop3A_565 = arith.select %parallel_loop3A_460, %parallel_loop3A_562, %parallel_loop3A_564 : vector<16xi1>, vector<16xf32>
        %parallel_loop3A_566 = arith.subf %parallel_loop3A_562, %parallel_loop3A_559 : vector<16xf32>
        %parallel_loop3A_567 = arith.constant 0.000000e+00 : f32
        %parallel_loop3A_568 = vector.broadcast %parallel_loop3A_567 : f32 to vector<16xf32>
        %parallel_loop3A_569 = arith.select %parallel_loop3A_458, %parallel_loop3A_566, %parallel_loop3A_568 : vector<16xi1>, vector<16xf32>
        %parallel_loop3A_570 = arith.subf %parallel_loop3A_565, %parallel_loop3A_569 : vector<16xf32>
        %parallel_loop3A_571 = arith.constant 2 : i32
        %parallel_loop3A_572 = vector.broadcast %parallel_loop3A_571 : i32 to vector<16xi32>
        %parallel_loop3A_573 = arith.addi %parallel_loop3A_529, %parallel_loop3A_572 : vector<16xi32>
        tpu.vector_store_idx %arg15[%parallel_loop3A_573], %parallel_loop3A_570 masked %parallel_loop3A_461 {add = true} : memref<12544xf32, #tpu.memory_space<vmem>>[vector<16xi32>], vector<16xf32>, vector<16xi1>
        %parallel_loop3A_574 = arith.mulf %parallel_loop3A_523, %parallel_loop3A_520 : vector<16xf32>
        %parallel_loop3A_575 = arith.constant true
        %parallel_loop3A_576 = vector.broadcast %parallel_loop3A_575 : i1 to vector<16xi1>
        %parallel_loop3A_577 = tpu.scan <sum>, %parallel_loop3A_574 masked %parallel_loop3A_576 : vector<16xf32>, vector<16xi1> -> vector<16xf32>
        %parallel_loop3A_578 = arith.constant 0.000000e+00 : f32
        %parallel_loop3A_579 = vector.broadcast %parallel_loop3A_578 : f32 to vector<16xf32>
        %parallel_loop3A_580 = arith.select %parallel_loop3A_460, %parallel_loop3A_577, %parallel_loop3A_579 : vector<16xi1>, vector<16xf32>
        %parallel_loop3A_581 = arith.subf %parallel_loop3A_577, %parallel_loop3A_574 : vector<16xf32>
        %parallel_loop3A_582 = arith.constant 0.000000e+00 : f32
        %parallel_loop3A_583 = vector.broadcast %parallel_loop3A_582 : f32 to vector<16xf32>
        %parallel_loop3A_584 = arith.select %parallel_loop3A_458, %parallel_loop3A_581, %parallel_loop3A_583 : vector<16xi1>, vector<16xf32>
        %parallel_loop3A_585 = arith.subf %parallel_loop3A_580, %parallel_loop3A_584 : vector<16xf32>
        %parallel_loop3A_586 = arith.constant 3 : i32
        %parallel_loop3A_587 = vector.broadcast %parallel_loop3A_586 : i32 to vector<16xi32>
        %parallel_loop3A_588 = arith.addi %parallel_loop3A_529, %parallel_loop3A_587 : vector<16xi32>
        tpu.vector_store_idx %arg15[%parallel_loop3A_588], %parallel_loop3A_585 masked %parallel_loop3A_461 {add = true} : memref<12544xf32, #tpu.memory_space<vmem>>[vector<16xi32>], vector<16xf32>, vector<16xi1>
        %parallel_loop3A_589 = arith.constant true
        %parallel_loop3A_590 = vector.broadcast %parallel_loop3A_589 : i1 to vector<16xi1>
        %parallel_loop3A_591 = tpu.scan <sum>, %parallel_loop3A_526 masked %parallel_loop3A_590 : vector<16xf32>, vector<16xi1> -> vector<16xf32>
        %parallel_loop3A_592 = arith.constant 0.000000e+00 : f32
        %parallel_loop3A_593 = vector.broadcast %parallel_loop3A_592 : f32 to vector<16xf32>
        %parallel_loop3A_594 = arith.select %parallel_loop3A_460, %parallel_loop3A_591, %parallel_loop3A_593 : vector<16xi1>, vector<16xf32>
        %parallel_loop3A_595 = arith.subf %parallel_loop3A_591, %parallel_loop3A_526 : vector<16xf32>
        %parallel_loop3A_596 = arith.constant 0.000000e+00 : f32
        %parallel_loop3A_597 = vector.broadcast %parallel_loop3A_596 : f32 to vector<16xf32>
        %parallel_loop3A_598 = arith.select %parallel_loop3A_458, %parallel_loop3A_595, %parallel_loop3A_597 : vector<16xi1>, vector<16xf32>
        %parallel_loop3A_599 = arith.subf %parallel_loop3A_594, %parallel_loop3A_598 : vector<16xf32>
        %parallel_loop3A_600 = arith.constant 4 : i32
        %parallel_loop3A_601 = vector.broadcast %parallel_loop3A_600 : i32 to vector<16xi32>
        %parallel_loop3A_602 = arith.addi %parallel_loop3A_529, %parallel_loop3A_601 : vector<16xi32>
        tpu.vector_store_idx %arg15[%parallel_loop3A_602], %parallel_loop3A_599 masked %parallel_loop3A_461 {add = true} : memref<12544xf32, #tpu.memory_space<vmem>>[vector<16xi32>], vector<16xf32>, vector<16xi1>
        %parallel_loop3A_603 = arith.mulf %parallel_loop3A_526, %parallel_loop3A_512 : vector<16xf32>
        %parallel_loop3A_604 = arith.constant true
        %parallel_loop3A_605 = vector.broadcast %parallel_loop3A_604 : i1 to vector<16xi1>
        %parallel_loop3A_606 = tpu.scan <sum>, %parallel_loop3A_603 masked %parallel_loop3A_605 : vector<16xf32>, vector<16xi1> -> vector<16xf32>
        %parallel_loop3A_607 = arith.constant 0.000000e+00 : f32
        %parallel_loop3A_608 = vector.broadcast %parallel_loop3A_607 : f32 to vector<16xf32>
        %parallel_loop3A_609 = arith.select %parallel_loop3A_460, %parallel_loop3A_606, %parallel_loop3A_608 : vector<16xi1>, vector<16xf32>
        %parallel_loop3A_610 = arith.subf %parallel_loop3A_606, %parallel_loop3A_603 : vector<16xf32>
        %parallel_loop3A_611 = arith.constant 0.000000e+00 : f32
        %parallel_loop3A_612 = vector.broadcast %parallel_loop3A_611 : f32 to vector<16xf32>
        %parallel_loop3A_613 = arith.select %parallel_loop3A_458, %parallel_loop3A_610, %parallel_loop3A_612 : vector<16xi1>, vector<16xf32>
        %parallel_loop3A_614 = arith.subf %parallel_loop3A_609, %parallel_loop3A_613 : vector<16xf32>
        %parallel_loop3A_615 = arith.constant 5 : i32
        %parallel_loop3A_616 = vector.broadcast %parallel_loop3A_615 : i32 to vector<16xi32>
        %parallel_loop3A_617 = arith.addi %parallel_loop3A_529, %parallel_loop3A_616 : vector<16xi32>
        tpu.vector_store_idx %arg15[%parallel_loop3A_617], %parallel_loop3A_614 masked %parallel_loop3A_461 {add = true} : memref<12544xf32, #tpu.memory_space<vmem>>[vector<16xi32>], vector<16xf32>, vector<16xi1>
        %parallel_loop3A_618 = arith.mulf %parallel_loop3A_526, %parallel_loop3A_516 : vector<16xf32>
        %parallel_loop3A_619 = arith.constant true
        %parallel_loop3A_620 = vector.broadcast %parallel_loop3A_619 : i1 to vector<16xi1>
        %parallel_loop3A_621 = tpu.scan <sum>, %parallel_loop3A_618 masked %parallel_loop3A_620 : vector<16xf32>, vector<16xi1> -> vector<16xf32>
        %parallel_loop3A_622 = arith.constant 0.000000e+00 : f32
        %parallel_loop3A_623 = vector.broadcast %parallel_loop3A_622 : f32 to vector<16xf32>
        %parallel_loop3A_624 = arith.select %parallel_loop3A_460, %parallel_loop3A_621, %parallel_loop3A_623 : vector<16xi1>, vector<16xf32>
        %parallel_loop3A_625 = arith.subf %parallel_loop3A_621, %parallel_loop3A_618 : vector<16xf32>
        %parallel_loop3A_626 = arith.constant 0.000000e+00 : f32
        %parallel_loop3A_627 = vector.broadcast %parallel_loop3A_626 : f32 to vector<16xf32>
        %parallel_loop3A_628 = arith.select %parallel_loop3A_458, %parallel_loop3A_625, %parallel_loop3A_627 : vector<16xi1>, vector<16xf32>
        %parallel_loop3A_629 = arith.subf %parallel_loop3A_624, %parallel_loop3A_628 : vector<16xf32>
        %parallel_loop3A_630 = arith.constant 6 : i32
        %parallel_loop3A_631 = vector.broadcast %parallel_loop3A_630 : i32 to vector<16xi32>
        %parallel_loop3A_632 = arith.addi %parallel_loop3A_529, %parallel_loop3A_631 : vector<16xi32>
        tpu.vector_store_idx %arg15[%parallel_loop3A_632], %parallel_loop3A_629 masked %parallel_loop3A_461 {add = true} : memref<12544xf32, #tpu.memory_space<vmem>>[vector<16xi32>], vector<16xf32>, vector<16xi1>
        %parallel_loop3A_633 = arith.mulf %parallel_loop3A_526, %parallel_loop3A_520 : vector<16xf32>
        %parallel_loop3A_634 = arith.constant true
        %parallel_loop3A_635 = vector.broadcast %parallel_loop3A_634 : i1 to vector<16xi1>
        %parallel_loop3A_636 = tpu.scan <sum>, %parallel_loop3A_633 masked %parallel_loop3A_635 : vector<16xf32>, vector<16xi1> -> vector<16xf32>
        %parallel_loop3A_637 = arith.constant 0.000000e+00 : f32
        %parallel_loop3A_638 = vector.broadcast %parallel_loop3A_637 : f32 to vector<16xf32>
        %parallel_loop3A_639 = arith.select %parallel_loop3A_460, %parallel_loop3A_636, %parallel_loop3A_638 : vector<16xi1>, vector<16xf32>
        %parallel_loop3A_640 = arith.subf %parallel_loop3A_636, %parallel_loop3A_633 : vector<16xf32>
        %parallel_loop3A_641 = arith.constant 0.000000e+00 : f32
        %parallel_loop3A_642 = vector.broadcast %parallel_loop3A_641 : f32 to vector<16xf32>
        %parallel_loop3A_643 = arith.select %parallel_loop3A_458, %parallel_loop3A_640, %parallel_loop3A_642 : vector<16xi1>, vector<16xf32>
        %parallel_loop3A_644 = arith.subf %parallel_loop3A_639, %parallel_loop3A_643 : vector<16xf32>
        %parallel_loop3A_645 = arith.constant 7 : i32
        %parallel_loop3A_646 = vector.broadcast %parallel_loop3A_645 : i32 to vector<16xi32>
        %parallel_loop3A_647 = arith.addi %parallel_loop3A_529, %parallel_loop3A_646 : vector<16xi32>
        tpu.vector_store_idx %arg15[%parallel_loop3A_647], %parallel_loop3A_644 masked %parallel_loop3A_461 {add = true} : memref<12544xf32, #tpu.memory_space<vmem>>[vector<16xi32>], vector<16xf32>, vector<16xi1>
      } {sc.loop_unroll_factor = 2 : i64, sc.parallel_access}
      %while3A_432 = arith.constant 0 : i32
      scf.yield %while3A_432 : i32
    }
    %while3A_366 = arith.constant 1 : i32
    %while3A_367 = scf.for %while3A_388 = %while3A_363 to %while3A_359 step %while3A_366 iter_args(%while3A_389 = %while3A_365) -> (i32)  : i32 {
      %rem3A_390 = arith.constant 2 : i32
      %rem3A_391 = arith.remsi %while3A_388, %rem3A_390 : i32
      %eq3A_392 = arith.constant 0 : i32
      %eq3A_393 = arith.cmpi eq, %rem3A_391, %eq3A_392 : i32
      %add3A_394 = arith.constant 1 : i32
      %add3A_395 = arith.addi %while3A_388, %add3A_394 : i32
      %lt3A_396 = arith.cmpi slt, %add3A_395, %select_n3A_354 : i32
      %convert_element_type3A_397 = arith.extui %eq3A_393 : i1 to i32
      %cond3A_398 = arith.constant 0 : i32
      %cond3A_399 = arith.cmpi ne, %convert_element_type3A_397, %cond3A_398 : i32
      scf.if %cond3A_399 {
        %mul3A_433 = arith.constant 4096 : i32
        %mul3A_434 = arith.muli %while3A_388, %mul3A_433 : i32
        %add3A_435 = arith.addi %mul3A_283, %mul3A_434 : i32
        %min3A_436 = arith.constant 1595904 : i32
        %min3A_437 = arith.minsi %add3A_435, %min3A_436 : i32
        %multiple_of3A_438 = tpu.assume_multiple %min3A_437, 128 : i32
        %dma_wait3A = arith.constant 0 : i32
        %dma_wait3A_439 = tpu.memref_slice %arg11[%dma_wait3A] : memref<8192xf32, #tpu.memory_space<vmem>> -> memref<4096xf32, #tpu.memory_space<vmem>>
        %dma_wait3A_440 = tpu.memref_slice %arg2[%multiple_of3A_438] : memref<1600000xf32, #tpu.memory_space<hbm>> -> memref<4096xf32, #tpu.memory_space<hbm>>
        %dma_wait3A_441 = arith.constant 0 : i32
        %dma_wait3A_442 = tpu.memref_slice %arg11[%dma_wait3A_441] : memref<8192xf32, #tpu.memory_space<vmem>> -> memref<4096xf32, #tpu.memory_space<vmem>>
        %dma_wait3A_443 = tpu.memref_slice %arg2[%multiple_of3A_438] : memref<1600000xf32, #tpu.memory_space<hbm>> -> memref<4096xf32, #tpu.memory_space<hbm>>
        tpu.wait_dma2 semaphore(%arg21 : memref<!tpu.dma_semaphore, #tpu.memory_space<semaphore_mem>>) src(%dma_wait3A_443 : memref<4096xf32, #tpu.memory_space<hbm>>) dst(%dma_wait3A_442 : memref<4096xf32, #tpu.memory_space<vmem>>)
        %mul3A_444 = arith.constant 3 : i32
        %mul3A_445 = arith.muli %multiple_of3A_438, %mul3A_444 : i32
        %dma_wait3A_446 = arith.constant 0 : i32
        %dma_wait3A_447 = tpu.memref_slice %arg12[%dma_wait3A_446] : memref<24576xf32, #tpu.memory_space<vmem>> -> memref<12288xf32, #tpu.memory_space<vmem>>
        %dma_wait3A_448 = tpu.memref_slice %arg3[%mul3A_445] : memref<4800000xf32, #tpu.memory_space<hbm>> -> memref<12288xf32, #tpu.memory_space<hbm>>
        %dma_wait3A_449 = arith.constant 0 : i32
        %dma_wait3A_450 = tpu.memref_slice %arg12[%dma_wait3A_449] : memref<24576xf32, #tpu.memory_space<vmem>> -> memref<12288xf32, #tpu.memory_space<vmem>>
        %dma_wait3A_451 = tpu.memref_slice %arg3[%mul3A_445] : memref<4800000xf32, #tpu.memory_space<hbm>> -> memref<12288xf32, #tpu.memory_space<hbm>>
        tpu.wait_dma2 semaphore(%arg21 : memref<!tpu.dma_semaphore, #tpu.memory_space<semaphore_mem>>) src(%dma_wait3A_451 : memref<12288xf32, #tpu.memory_space<hbm>>) dst(%dma_wait3A_450 : memref<12288xf32, #tpu.memory_space<vmem>>)
        %dma_wait3A_452 = arith.constant 0 : i32
        %dma_wait3A_453 = tpu.memref_slice %arg13[%dma_wait3A_452] : memref<8192xi32, #tpu.memory_space<vmem>> -> memref<4096xi32, #tpu.memory_space<vmem>>
        %dma_wait3A_454 = tpu.memref_slice %arg4[%multiple_of3A_438] : memref<1600000xi32, #tpu.memory_space<hbm>> -> memref<4096xi32, #tpu.memory_space<hbm>>
        %dma_wait3A_455 = arith.constant 0 : i32
        %dma_wait3A_456 = tpu.memref_slice %arg13[%dma_wait3A_455] : memref<8192xi32, #tpu.memory_space<vmem>> -> memref<4096xi32, #tpu.memory_space<vmem>>
        %dma_wait3A_457 = tpu.memref_slice %arg4[%multiple_of3A_438] : memref<1600000xi32, #tpu.memory_space<hbm>> -> memref<4096xi32, #tpu.memory_space<hbm>>
        tpu.wait_dma2 semaphore(%arg21 : memref<!tpu.dma_semaphore, #tpu.memory_space<semaphore_mem>>) src(%dma_wait3A_457 : memref<4096xi32, #tpu.memory_space<hbm>>) dst(%dma_wait3A_456 : memref<4096xi32, #tpu.memory_space<vmem>>)
        %dma_wait3A_458 = arith.constant 16 : i32
        %dma_wait3A_459 = tpu.memref_slice %arg14[%dma_wait3A_458] : memref<8256xi32, #tpu.memory_space<vmem>> -> memref<4096xi32, #tpu.memory_space<vmem>>
        %dma_wait3A_460 = tpu.memref_slice %arg5[%multiple_of3A_438] : memref<1600000xi32, #tpu.memory_space<hbm>> -> memref<4096xi32, #tpu.memory_space<hbm>>
        %dma_wait3A_461 = arith.constant 16 : i32
        %dma_wait3A_462 = tpu.memref_slice %arg14[%dma_wait3A_461] : memref<8256xi32, #tpu.memory_space<vmem>> -> memref<4096xi32, #tpu.memory_space<vmem>>
        %dma_wait3A_463 = tpu.memref_slice %arg5[%multiple_of3A_438] : memref<1600000xi32, #tpu.memory_space<hbm>> -> memref<4096xi32, #tpu.memory_space<hbm>>
        tpu.wait_dma2 semaphore(%arg21 : memref<!tpu.dma_semaphore, #tpu.memory_space<semaphore_mem>>) src(%dma_wait3A_463 : memref<4096xi32, #tpu.memory_space<hbm>>) dst(%dma_wait3A_462 : memref<4096xi32, #tpu.memory_space<vmem>>)
      } else {
      }
      %not3A = arith.constant true
      %not3A_400 = arith.xori %eq3A_393, %not3A : i1
      %convert_element_type3A_401 = arith.extui %not3A_400 : i1 to i32
      %cond3A_402 = arith.constant 0 : i32
      %cond3A_403 = arith.cmpi ne, %convert_element_type3A_401, %cond3A_402 : i32
      scf.if %cond3A_403 {
        %mul3A_433 = arith.constant 4096 : i32
        %mul3A_434 = arith.muli %while3A_388, %mul3A_433 : i32
        %add3A_435 = arith.addi %mul3A_283, %mul3A_434 : i32
        %min3A_436 = arith.constant 1595904 : i32
        %min3A_437 = arith.minsi %add3A_435, %min3A_436 : i32
        %multiple_of3A_438 = tpu.assume_multiple %min3A_437, 128 : i32
        %dma_wait3A = arith.constant 4096 : i32
        %dma_wait3A_439 = tpu.memref_slice %arg11[%dma_wait3A] : memref<8192xf32, #tpu.memory_space<vmem>> -> memref<4096xf32, #tpu.memory_space<vmem>>
        %dma_wait3A_440 = tpu.memref_slice %arg2[%multiple_of3A_438] : memref<1600000xf32, #tpu.memory_space<hbm>> -> memref<4096xf32, #tpu.memory_space<hbm>>
        %dma_wait3A_441 = arith.constant 4096 : i32
        %dma_wait3A_442 = tpu.memref_slice %arg11[%dma_wait3A_441] : memref<8192xf32, #tpu.memory_space<vmem>> -> memref<4096xf32, #tpu.memory_space<vmem>>
        %dma_wait3A_443 = tpu.memref_slice %arg2[%multiple_of3A_438] : memref<1600000xf32, #tpu.memory_space<hbm>> -> memref<4096xf32, #tpu.memory_space<hbm>>
        tpu.wait_dma2 semaphore(%arg22 : memref<!tpu.dma_semaphore, #tpu.memory_space<semaphore_mem>>) src(%dma_wait3A_443 : memref<4096xf32, #tpu.memory_space<hbm>>) dst(%dma_wait3A_442 : memref<4096xf32, #tpu.memory_space<vmem>>)
        %mul3A_444 = arith.constant 3 : i32
        %mul3A_445 = arith.muli %multiple_of3A_438, %mul3A_444 : i32
        %dma_wait3A_446 = arith.constant 12288 : i32
        %dma_wait3A_447 = tpu.memref_slice %arg12[%dma_wait3A_446] : memref<24576xf32, #tpu.memory_space<vmem>> -> memref<12288xf32, #tpu.memory_space<vmem>>
        %dma_wait3A_448 = tpu.memref_slice %arg3[%mul3A_445] : memref<4800000xf32, #tpu.memory_space<hbm>> -> memref<12288xf32, #tpu.memory_space<hbm>>
        %dma_wait3A_449 = arith.constant 12288 : i32
        %dma_wait3A_450 = tpu.memref_slice %arg12[%dma_wait3A_449] : memref<24576xf32, #tpu.memory_space<vmem>> -> memref<12288xf32, #tpu.memory_space<vmem>>
        %dma_wait3A_451 = tpu.memref_slice %arg3[%mul3A_445] : memref<4800000xf32, #tpu.memory_space<hbm>> -> memref<12288xf32, #tpu.memory_space<hbm>>
        tpu.wait_dma2 semaphore(%arg22 : memref<!tpu.dma_semaphore, #tpu.memory_space<semaphore_mem>>) src(%dma_wait3A_451 : memref<12288xf32, #tpu.memory_space<hbm>>) dst(%dma_wait3A_450 : memref<12288xf32, #tpu.memory_space<vmem>>)
        %dma_wait3A_452 = arith.constant 4096 : i32
        %dma_wait3A_453 = tpu.memref_slice %arg13[%dma_wait3A_452] : memref<8192xi32, #tpu.memory_space<vmem>> -> memref<4096xi32, #tpu.memory_space<vmem>>
        %dma_wait3A_454 = tpu.memref_slice %arg4[%multiple_of3A_438] : memref<1600000xi32, #tpu.memory_space<hbm>> -> memref<4096xi32, #tpu.memory_space<hbm>>
        %dma_wait3A_455 = arith.constant 4096 : i32
        %dma_wait3A_456 = tpu.memref_slice %arg13[%dma_wait3A_455] : memref<8192xi32, #tpu.memory_space<vmem>> -> memref<4096xi32, #tpu.memory_space<vmem>>
        %dma_wait3A_457 = tpu.memref_slice %arg4[%multiple_of3A_438] : memref<1600000xi32, #tpu.memory_space<hbm>> -> memref<4096xi32, #tpu.memory_space<hbm>>
        tpu.wait_dma2 semaphore(%arg22 : memref<!tpu.dma_semaphore, #tpu.memory_space<semaphore_mem>>) src(%dma_wait3A_457 : memref<4096xi32, #tpu.memory_space<hbm>>) dst(%dma_wait3A_456 : memref<4096xi32, #tpu.memory_space<vmem>>)
        %dma_wait3A_458 = arith.constant 4144 : i32
        %dma_wait3A_459 = tpu.memref_slice %arg14[%dma_wait3A_458] : memref<8256xi32, #tpu.memory_space<vmem>> -> memref<4096xi32, #tpu.memory_space<vmem>>
        %dma_wait3A_460 = tpu.memref_slice %arg5[%multiple_of3A_438] : memref<1600000xi32, #tpu.memory_space<hbm>> -> memref<4096xi32, #tpu.memory_space<hbm>>
        %dma_wait3A_461 = arith.constant 4144 : i32
        %dma_wait3A_462 = tpu.memref_slice %arg14[%dma_wait3A_461] : memref<8256xi32, #tpu.memory_space<vmem>> -> memref<4096xi32, #tpu.memory_space<vmem>>
        %dma_wait3A_463 = tpu.memref_slice %arg5[%multiple_of3A_438] : memref<1600000xi32, #tpu.memory_space<hbm>> -> memref<4096xi32, #tpu.memory_space<hbm>>
        tpu.wait_dma2 semaphore(%arg22 : memref<!tpu.dma_semaphore, #tpu.memory_space<semaphore_mem>>) src(%dma_wait3A_463 : memref<4096xi32, #tpu.memory_space<hbm>>) dst(%dma_wait3A_462 : memref<4096xi32, #tpu.memory_space<vmem>>)
      } else {
      }
      %and3A_404 = arith.andi %lt3A_396, %eq3A_393 : i1
      %convert_element_type3A_405 = arith.extui %and3A_404 : i1 to i32
      %cond3A_406 = arith.constant 0 : i32
      %cond3A_407 = arith.cmpi ne, %convert_element_type3A_405, %cond3A_406 : i32
      scf.if %cond3A_407 {
        %add3A_433 = arith.constant 1 : i32
        %add3A_434 = arith.addi %while3A_388, %add3A_433 : i32
        %mul3A_435 = arith.constant 4096 : i32
        %mul3A_436 = arith.muli %add3A_434, %mul3A_435 : i32
        %add3A_437 = arith.addi %mul3A_283, %mul3A_436 : i32
        %min3A_438 = arith.constant 1595904 : i32
        %min3A_439 = arith.minsi %add3A_437, %min3A_438 : i32
        %multiple_of3A_440 = tpu.assume_multiple %min3A_439, 128 : i32
        %dma_start3A = arith.constant 4096 : i32
        %dma_start3A_441 = tpu.memref_slice %arg11[%dma_start3A] : memref<8192xf32, #tpu.memory_space<vmem>> -> memref<4096xf32, #tpu.memory_space<vmem>>
        %dma_start3A_442 = tpu.memref_slice %arg2[%multiple_of3A_440] : memref<1600000xf32, #tpu.memory_space<hbm>> -> memref<4096xf32, #tpu.memory_space<hbm>>
        %dma_start3A_443 = arith.constant 4096 : i32
        %dma_start3A_444 = tpu.memref_slice %arg11[%dma_start3A_443] : memref<8192xf32, #tpu.memory_space<vmem>> -> memref<4096xf32, #tpu.memory_space<vmem>>
        %dma_start3A_445 = tpu.memref_slice %arg2[%multiple_of3A_440] : memref<1600000xf32, #tpu.memory_space<hbm>> -> memref<4096xf32, #tpu.memory_space<hbm>>
        tpu.enqueue_dma source(%dma_start3A_445 : memref<4096xf32, #tpu.memory_space<hbm>>) target(%dma_start3A_444 : memref<4096xf32, #tpu.memory_space<vmem>>) target_semaphore(%arg22 : memref<!tpu.dma_semaphore, #tpu.memory_space<semaphore_mem>>)
        %mul3A_446 = arith.constant 3 : i32
        %mul3A_447 = arith.muli %multiple_of3A_440, %mul3A_446 : i32
        %dma_start3A_448 = arith.constant 12288 : i32
        %dma_start3A_449 = tpu.memref_slice %arg12[%dma_start3A_448] : memref<24576xf32, #tpu.memory_space<vmem>> -> memref<12288xf32, #tpu.memory_space<vmem>>
        %dma_start3A_450 = tpu.memref_slice %arg3[%mul3A_447] : memref<4800000xf32, #tpu.memory_space<hbm>> -> memref<12288xf32, #tpu.memory_space<hbm>>
        %dma_start3A_451 = arith.constant 12288 : i32
        %dma_start3A_452 = tpu.memref_slice %arg12[%dma_start3A_451] : memref<24576xf32, #tpu.memory_space<vmem>> -> memref<12288xf32, #tpu.memory_space<vmem>>
        %dma_start3A_453 = tpu.memref_slice %arg3[%mul3A_447] : memref<4800000xf32, #tpu.memory_space<hbm>> -> memref<12288xf32, #tpu.memory_space<hbm>>
        tpu.enqueue_dma source(%dma_start3A_453 : memref<12288xf32, #tpu.memory_space<hbm>>) target(%dma_start3A_452 : memref<12288xf32, #tpu.memory_space<vmem>>) target_semaphore(%arg22 : memref<!tpu.dma_semaphore, #tpu.memory_space<semaphore_mem>>)
        %dma_start3A_454 = arith.constant 4096 : i32
        %dma_start3A_455 = tpu.memref_slice %arg13[%dma_start3A_454] : memref<8192xi32, #tpu.memory_space<vmem>> -> memref<4096xi32, #tpu.memory_space<vmem>>
        %dma_start3A_456 = tpu.memref_slice %arg4[%multiple_of3A_440] : memref<1600000xi32, #tpu.memory_space<hbm>> -> memref<4096xi32, #tpu.memory_space<hbm>>
        %dma_start3A_457 = arith.constant 4096 : i32
        %dma_start3A_458 = tpu.memref_slice %arg13[%dma_start3A_457] : memref<8192xi32, #tpu.memory_space<vmem>> -> memref<4096xi32, #tpu.memory_space<vmem>>
        %dma_start3A_459 = tpu.memref_slice %arg4[%multiple_of3A_440] : memref<1600000xi32, #tpu.memory_space<hbm>> -> memref<4096xi32, #tpu.memory_space<hbm>>
        tpu.enqueue_dma source(%dma_start3A_459 : memref<4096xi32, #tpu.memory_space<hbm>>) target(%dma_start3A_458 : memref<4096xi32, #tpu.memory_space<vmem>>) target_semaphore(%arg22 : memref<!tpu.dma_semaphore, #tpu.memory_space<semaphore_mem>>)
        %dma_start3A_460 = arith.constant 4144 : i32
        %dma_start3A_461 = tpu.memref_slice %arg14[%dma_start3A_460] : memref<8256xi32, #tpu.memory_space<vmem>> -> memref<4096xi32, #tpu.memory_space<vmem>>
        %dma_start3A_462 = tpu.memref_slice %arg5[%multiple_of3A_440] : memref<1600000xi32, #tpu.memory_space<hbm>> -> memref<4096xi32, #tpu.memory_space<hbm>>
        %dma_start3A_463 = arith.constant 4144 : i32
        %dma_start3A_464 = tpu.memref_slice %arg14[%dma_start3A_463] : memref<8256xi32, #tpu.memory_space<vmem>> -> memref<4096xi32, #tpu.memory_space<vmem>>
        %dma_start3A_465 = tpu.memref_slice %arg5[%multiple_of3A_440] : memref<1600000xi32, #tpu.memory_space<hbm>> -> memref<4096xi32, #tpu.memory_space<hbm>>
        tpu.enqueue_dma source(%dma_start3A_465 : memref<4096xi32, #tpu.memory_space<hbm>>) target(%dma_start3A_464 : memref<4096xi32, #tpu.memory_space<vmem>>) target_semaphore(%arg22 : memref<!tpu.dma_semaphore, #tpu.memory_space<semaphore_mem>>)
      } else {
      }
      %not3A_408 = arith.constant true
      %not3A_409 = arith.xori %eq3A_393, %not3A_408 : i1
      %and3A_410 = arith.andi %lt3A_396, %not3A_409 : i1
      %convert_element_type3A_411 = arith.extui %and3A_410 : i1 to i32
      %cond3A_412 = arith.constant 0 : i32
      %cond3A_413 = arith.cmpi ne, %convert_element_type3A_411, %cond3A_412 : i32
      scf.if %cond3A_413 {
        %add3A_433 = arith.constant 1 : i32
        %add3A_434 = arith.addi %while3A_388, %add3A_433 : i32
        %mul3A_435 = arith.constant 4096 : i32
        %mul3A_436 = arith.muli %add3A_434, %mul3A_435 : i32
        %add3A_437 = arith.addi %mul3A_283, %mul3A_436 : i32
        %min3A_438 = arith.constant 1595904 : i32
        %min3A_439 = arith.minsi %add3A_437, %min3A_438 : i32
        %multiple_of3A_440 = tpu.assume_multiple %min3A_439, 128 : i32
        %dma_start3A = arith.constant 0 : i32
        %dma_start3A_441 = tpu.memref_slice %arg11[%dma_start3A] : memref<8192xf32, #tpu.memory_space<vmem>> -> memref<4096xf32, #tpu.memory_space<vmem>>
        %dma_start3A_442 = tpu.memref_slice %arg2[%multiple_of3A_440] : memref<1600000xf32, #tpu.memory_space<hbm>> -> memref<4096xf32, #tpu.memory_space<hbm>>
        %dma_start3A_443 = arith.constant 0 : i32
        %dma_start3A_444 = tpu.memref_slice %arg11[%dma_start3A_443] : memref<8192xf32, #tpu.memory_space<vmem>> -> memref<4096xf32, #tpu.memory_space<vmem>>
        %dma_start3A_445 = tpu.memref_slice %arg2[%multiple_of3A_440] : memref<1600000xf32, #tpu.memory_space<hbm>> -> memref<4096xf32, #tpu.memory_space<hbm>>
        tpu.enqueue_dma source(%dma_start3A_445 : memref<4096xf32, #tpu.memory_space<hbm>>) target(%dma_start3A_444 : memref<4096xf32, #tpu.memory_space<vmem>>) target_semaphore(%arg21 : memref<!tpu.dma_semaphore, #tpu.memory_space<semaphore_mem>>)
        %mul3A_446 = arith.constant 3 : i32
        %mul3A_447 = arith.muli %multiple_of3A_440, %mul3A_446 : i32
        %dma_start3A_448 = arith.constant 0 : i32
        %dma_start3A_449 = tpu.memref_slice %arg12[%dma_start3A_448] : memref<24576xf32, #tpu.memory_space<vmem>> -> memref<12288xf32, #tpu.memory_space<vmem>>
        %dma_start3A_450 = tpu.memref_slice %arg3[%mul3A_447] : memref<4800000xf32, #tpu.memory_space<hbm>> -> memref<12288xf32, #tpu.memory_space<hbm>>
        %dma_start3A_451 = arith.constant 0 : i32
        %dma_start3A_452 = tpu.memref_slice %arg12[%dma_start3A_451] : memref<24576xf32, #tpu.memory_space<vmem>> -> memref<12288xf32, #tpu.memory_space<vmem>>
        %dma_start3A_453 = tpu.memref_slice %arg3[%mul3A_447] : memref<4800000xf32, #tpu.memory_space<hbm>> -> memref<12288xf32, #tpu.memory_space<hbm>>
        tpu.enqueue_dma source(%dma_start3A_453 : memref<12288xf32, #tpu.memory_space<hbm>>) target(%dma_start3A_452 : memref<12288xf32, #tpu.memory_space<vmem>>) target_semaphore(%arg21 : memref<!tpu.dma_semaphore, #tpu.memory_space<semaphore_mem>>)
        %dma_start3A_454 = arith.constant 0 : i32
        %dma_start3A_455 = tpu.memref_slice %arg13[%dma_start3A_454] : memref<8192xi32, #tpu.memory_space<vmem>> -> memref<4096xi32, #tpu.memory_space<vmem>>
        %dma_start3A_456 = tpu.memref_slice %arg4[%multiple_of3A_440] : memref<1600000xi32, #tpu.memory_space<hbm>> -> memref<4096xi32, #tpu.memory_space<hbm>>
        %dma_start3A_457 = arith.constant 0 : i32
        %dma_start3A_458 = tpu.memref_slice %arg13[%dma_start3A_457] : memref<8192xi32, #tpu.memory_space<vmem>> -> memref<4096xi32, #tpu.memory_space<vmem>>
        %dma_start3A_459 = tpu.memref_slice %arg4[%multiple_of3A_440] : memref<1600000xi32, #tpu.memory_space<hbm>> -> memref<4096xi32, #tpu.memory_space<hbm>>
        tpu.enqueue_dma source(%dma_start3A_459 : memref<4096xi32, #tpu.memory_space<hbm>>) target(%dma_start3A_458 : memref<4096xi32, #tpu.memory_space<vmem>>) target_semaphore(%arg21 : memref<!tpu.dma_semaphore, #tpu.memory_space<semaphore_mem>>)
        %dma_start3A_460 = arith.constant 16 : i32
        %dma_start3A_461 = tpu.memref_slice %arg14[%dma_start3A_460] : memref<8256xi32, #tpu.memory_space<vmem>> -> memref<4096xi32, #tpu.memory_space<vmem>>
        %dma_start3A_462 = tpu.memref_slice %arg5[%multiple_of3A_440] : memref<1600000xi32, #tpu.memory_space<hbm>> -> memref<4096xi32, #tpu.memory_space<hbm>>
        %dma_start3A_463 = arith.constant 16 : i32
        %dma_start3A_464 = tpu.memref_slice %arg14[%dma_start3A_463] : memref<8256xi32, #tpu.memory_space<vmem>> -> memref<4096xi32, #tpu.memory_space<vmem>>
        %dma_start3A_465 = tpu.memref_slice %arg5[%multiple_of3A_440] : memref<1600000xi32, #tpu.memory_space<hbm>> -> memref<4096xi32, #tpu.memory_space<hbm>>
        tpu.enqueue_dma source(%dma_start3A_465 : memref<4096xi32, #tpu.memory_space<hbm>>) target(%dma_start3A_464 : memref<4096xi32, #tpu.memory_space<vmem>>) target_semaphore(%arg21 : memref<!tpu.dma_semaphore, #tpu.memory_space<semaphore_mem>>)
      } else {
      }
      %jit3A_414 = arith.constant 0 : i32
      %jit3A_415 = arith.constant 4096 : i32
      %select_n3A_416 = arith.select %eq3A_393, %jit3A_414, %jit3A_415 : i32
      %jit3A_417 = arith.constant 16 : i32
      %jit3A_418 = arith.constant 4144 : i32
      %select_n3A_419 = arith.select %eq3A_393, %jit3A_417, %jit3A_418 : i32
      %mul3A_420 = arith.constant 4096 : i32
      %mul3A_421 = arith.muli %while3A_388, %mul3A_420 : i32
      %add3A_422 = arith.addi %mul3A_283, %mul3A_421 : i32
      %min3A_423 = arith.constant 1595904 : i32
      %min3A_424 = arith.minsi %add3A_422, %min3A_423 : i32
      %multiple_of3A_425 = tpu.assume_multiple %min3A_424, 128 : i32
      %max3A_426 = arith.maxsi %select_n3A_133, %add3A_422 : i32
      %add3A_427 = arith.constant 4096 : i32
      %add3A_428 = arith.addi %add3A_422, %add3A_427 : i32
      %min3A_429 = arith.minsi %select_n3A_262, %add3A_428 : i32
      %parallel_loop3A = arith.constant 0 : i32
      %parallel_loop3A_430 = arith.constant 256 : i32
      %parallel_loop3A_431 = arith.constant 1 : i32
      scf.for %parallel_loop3A_433 = %parallel_loop3A to %parallel_loop3A_430 step %parallel_loop3A_431  : i32 {
        %parallel_loop3A_434 = arith.constant 16 : i32
        %parallel_loop3A_435 = arith.muli %parallel_loop3A_433, %parallel_loop3A_434 : i32
        %parallel_loop3A_436 = arith.addi %multiple_of3A_425, %parallel_loop3A_435 : i32
        %parallel_loop3A_437 = vector.broadcast %parallel_loop3A_436 : i32 to vector<16xi32>
        %parallel_loop3A_438 = arith.addi %parallel_loop3A_437, %iota3A : vector<16xi32>
        %parallel_loop3A_439 = vector.broadcast %max3A_426 : i32 to vector<16xi32>
        %parallel_loop3A_440 = arith.cmpi sge, %parallel_loop3A_438, %parallel_loop3A_439 : vector<16xi32>
        %parallel_loop3A_441 = vector.broadcast %min3A_429 : i32 to vector<16xi32>
        %parallel_loop3A_442 = arith.cmpi slt, %parallel_loop3A_438, %parallel_loop3A_441 : vector<16xi32>
        %parallel_loop3A_443 = arith.andi %parallel_loop3A_440, %parallel_loop3A_442 : vector<16xi1>
        %parallel_loop3A_444 = arith.addi %select_n3A_419, %parallel_loop3A_435 : i32
        %parallel_loop3A_445 = arith.index_cast %parallel_loop3A_444 : i32 to index
        %parallel_loop3A_446 = tpu.vector_load %arg14[%parallel_loop3A_445] {strides = array<i32>} : memref<8256xi32, #tpu.memory_space<vmem>>, vector<16xi32>,
        %parallel_loop3A_447 = arith.constant 1 : i32
        %parallel_loop3A_448 = arith.subi %select_n3A_419, %parallel_loop3A_447 : i32
        %parallel_loop3A_449 = arith.addi %parallel_loop3A_448, %parallel_loop3A_435 : i32
        %parallel_loop3A_450 = arith.index_cast %parallel_loop3A_449 : i32 to index
        %parallel_loop3A_451 = tpu.vector_load %arg14[%parallel_loop3A_450] {strides = array<i32>} : memref<8256xi32, #tpu.memory_space<vmem>>, vector<16xi32>,
        %parallel_loop3A_452 = arith.constant 1 : i32
        %parallel_loop3A_453 = arith.addi %select_n3A_419, %parallel_loop3A_452 : i32
        %parallel_loop3A_454 = arith.addi %parallel_loop3A_453, %parallel_loop3A_435 : i32
        %parallel_loop3A_455 = arith.index_cast %parallel_loop3A_454 : i32 to index
        %parallel_loop3A_456 = tpu.vector_load %arg14[%parallel_loop3A_455] {strides = array<i32>} : memref<8256xi32, #tpu.memory_space<vmem>>, vector<16xi32>,
        %parallel_loop3A_457 = arith.cmpi ne, %parallel_loop3A_446, %parallel_loop3A_451 : vector<16xi32>
        %parallel_loop3A_458 = arith.ori %parallel_loop3A_457, %eq3A_315 : vector<16xi1>
        %parallel_loop3A_459 = arith.cmpi ne, %parallel_loop3A_446, %parallel_loop3A_456 : vector<16xi32>
        %parallel_loop3A_460 = arith.ori %parallel_loop3A_459, %eq3A_318 : vector<16xi1>
        %parallel_loop3A_461 = arith.ori %parallel_loop3A_458, %parallel_loop3A_460 : vector<16xi1>
        %parallel_loop3A_462 = vector.broadcast %mul3A_2 : i32 to vector<16xi32>
        %parallel_loop3A_463 = arith.subi %parallel_loop3A_446, %parallel_loop3A_462 : vector<16xi32>
        %parallel_loop3A_464 = arith.constant 0 : i32
        %parallel_loop3A_465 = arith.constant 1567 : i32
        %parallel_loop3A_466 = vector.broadcast %parallel_loop3A_464 : i32 to vector<16xi32>
        %parallel_loop3A_467 = arith.maxsi %parallel_loop3A_466, %parallel_loop3A_463 : vector<16xi32>
        %parallel_loop3A_468 = vector.broadcast %parallel_loop3A_465 : i32 to vector<16xi32>
        %parallel_loop3A_469 = arith.minsi %parallel_loop3A_468, %parallel_loop3A_467 : vector<16xi32>
        %parallel_loop3A_470 = arith.addi %select_n3A_416, %parallel_loop3A_435 : i32
        %parallel_loop3A_471 = arith.index_cast %parallel_loop3A_470 : i32 to index
        %parallel_loop3A_472 = tpu.vector_load %arg11[%parallel_loop3A_471] {strides = array<i32>} : memref<8192xf32, #tpu.memory_space<vmem>>, vector<16xf32>,
        %parallel_loop3A_473 = arith.addi %select_n3A_416, %parallel_loop3A_435 : i32
        %parallel_loop3A_474 = arith.index_cast %parallel_loop3A_473 : i32 to index
        %parallel_loop3A_475 = tpu.vector_load %arg13[%parallel_loop3A_474] {strides = array<i32>} : memref<8192xi32, #tpu.memory_space<vmem>>, vector<16xi32>,
        %parallel_loop3A_476 = tpu.vector_load_idx %arg10[%parallel_loop3A_475] : memref<128xf32, #tpu.memory_space<vmem>>[vector<16xi32>], vector<16xf32>,
        %parallel_loop3A_477 = arith.constant 3 : i32
        %parallel_loop3A_478 = arith.muli %select_n3A_416, %parallel_loop3A_477 : i32
        %parallel_loop3A_479 = arith.constant 8 : i32
        %parallel_loop3A_480 = arith.divsi %parallel_loop3A_433, %parallel_loop3A_479 : i32
        %parallel_loop3A_481 = arith.constant 0 : i32
        %parallel_loop3A_482 = arith.cmpi sgt, %parallel_loop3A_433, %parallel_loop3A_481 : i32
        %parallel_loop3A_483 = arith.extui %parallel_loop3A_482 : i1 to i32
        %parallel_loop3A_484 = arith.constant 0 : i32
        %parallel_loop3A_485 = arith.cmpi slt, %parallel_loop3A_433, %parallel_loop3A_484 : i32
        %parallel_loop3A_486 = arith.extui %parallel_loop3A_485 : i1 to i32
        %parallel_loop3A_487 = arith.subi %parallel_loop3A_483, %parallel_loop3A_486 : i32
        %parallel_loop3A_488 = arith.constant 0 : i32
        %parallel_loop3A_489 = arith.cmpi sgt, %parallel_loop3A_479, %parallel_loop3A_488 : i32
        %parallel_loop3A_490 = arith.extui %parallel_loop3A_489 : i1 to i32
        %parallel_loop3A_491 = arith.constant 0 : i32
        %parallel_loop3A_492 = arith.cmpi slt, %parallel_loop3A_479, %parallel_loop3A_491 : i32
        %parallel_loop3A_493 = arith.extui %parallel_loop3A_492 : i1 to i32
        %parallel_loop3A_494 = arith.subi %parallel_loop3A_490, %parallel_loop3A_493 : i32
        %parallel_loop3A_495 = arith.cmpi ne, %parallel_loop3A_487, %parallel_loop3A_494 : i32
        %parallel_loop3A_496 = arith.remsi %parallel_loop3A_433, %parallel_loop3A_479 : i32
        %parallel_loop3A_497 = arith.constant 0 : i32
        %parallel_loop3A_498 = arith.cmpi ne, %parallel_loop3A_496, %parallel_loop3A_497 : i32
        %parallel_loop3A_499 = arith.andi %parallel_loop3A_495, %parallel_loop3A_498 : i1
        %parallel_loop3A_500 = arith.constant 1 : i32
        %parallel_loop3A_501 = arith.subi %parallel_loop3A_480, %parallel_loop3A_500 : i32
        %parallel_loop3A_502 = arith.select %parallel_loop3A_499, %parallel_loop3A_501, %parallel_loop3A_480 : i32
        %parallel_loop3A_503 = arith.constant 384 : i32
        %parallel_loop3A_504 = arith.muli %parallel_loop3A_502, %parallel_loop3A_503 : i32
        %parallel_loop3A_505 = arith.addi %parallel_loop3A_478, %parallel_loop3A_504 : i32
        %parallel_loop3A_506 = arith.constant 8 : i32
        %parallel_loop3A_507 = arith.remsi %parallel_loop3A_433, %parallel_loop3A_506 : i32
        %parallel_loop3A_508 = arith.constant 16 : i32
        %parallel_loop3A_509 = arith.muli %parallel_loop3A_507, %parallel_loop3A_508 : i32
        %parallel_loop3A_510 = arith.addi %parallel_loop3A_505, %parallel_loop3A_509 : i32
        %parallel_loop3A_511 = arith.index_cast %parallel_loop3A_510 : i32 to index
        %parallel_loop3A_512 = tpu.vector_load %arg12[%parallel_loop3A_511] {strides = array<i32>} : memref<24576xf32, #tpu.memory_space<vmem>>, vector<16xf32>,
        %parallel_loop3A_513 = arith.constant 128 : i32
        %parallel_loop3A_514 = arith.addi %parallel_loop3A_510, %parallel_loop3A_513 : i32
        %parallel_loop3A_515 = arith.index_cast %parallel_loop3A_514 : i32 to index
        %parallel_loop3A_516 = tpu.vector_load %arg12[%parallel_loop3A_515] {strides = array<i32>} : memref<24576xf32, #tpu.memory_space<vmem>>, vector<16xf32>,
        %parallel_loop3A_517 = arith.constant 256 : i32
        %parallel_loop3A_518 = arith.addi %parallel_loop3A_510, %parallel_loop3A_517 : i32
        %parallel_loop3A_519 = arith.index_cast %parallel_loop3A_518 : i32 to index
        %parallel_loop3A_520 = tpu.vector_load %arg12[%parallel_loop3A_519] {strides = array<i32>} : memref<24576xf32, #tpu.memory_space<vmem>>, vector<16xf32>,
        %parallel_loop3A_521 = arith.constant 0.000000e+00 : f32
        %parallel_loop3A_522 = vector.broadcast %parallel_loop3A_521 : f32 to vector<16xf32>
        %parallel_loop3A_523 = arith.select %parallel_loop3A_443, %parallel_loop3A_476, %parallel_loop3A_522 : vector<16xi1>, vector<16xf32>
        %parallel_loop3A_524 = arith.constant 0.000000e+00 : f32
        %parallel_loop3A_525 = vector.broadcast %parallel_loop3A_524 : f32 to vector<16xf32>
        %parallel_loop3A_526 = arith.select %parallel_loop3A_443, %parallel_loop3A_472, %parallel_loop3A_525 : vector<16xi1>, vector<16xf32>
        %parallel_loop3A_527 = arith.constant 8 : i32
        %parallel_loop3A_528 = vector.broadcast %parallel_loop3A_527 : i32 to vector<16xi32>
        %parallel_loop3A_529 = arith.muli %parallel_loop3A_469, %parallel_loop3A_528 : vector<16xi32>
        %parallel_loop3A_530 = arith.constant true
        %parallel_loop3A_531 = vector.broadcast %parallel_loop3A_530 : i1 to vector<16xi1>
        %parallel_loop3A_532 = tpu.scan <sum>, %parallel_loop3A_523 masked %parallel_loop3A_531 : vector<16xf32>, vector<16xi1> -> vector<16xf32>
        %parallel_loop3A_533 = arith.constant 0.000000e+00 : f32
        %parallel_loop3A_534 = vector.broadcast %parallel_loop3A_533 : f32 to vector<16xf32>
        %parallel_loop3A_535 = arith.select %parallel_loop3A_460, %parallel_loop3A_532, %parallel_loop3A_534 : vector<16xi1>, vector<16xf32>
        %parallel_loop3A_536 = arith.subf %parallel_loop3A_532, %parallel_loop3A_523 : vector<16xf32>
        %parallel_loop3A_537 = arith.constant 0.000000e+00 : f32
        %parallel_loop3A_538 = vector.broadcast %parallel_loop3A_537 : f32 to vector<16xf32>
        %parallel_loop3A_539 = arith.select %parallel_loop3A_458, %parallel_loop3A_536, %parallel_loop3A_538 : vector<16xi1>, vector<16xf32>
        %parallel_loop3A_540 = arith.subf %parallel_loop3A_535, %parallel_loop3A_539 : vector<16xf32>
        %parallel_loop3A_541 = arith.constant 0 : i32
        %parallel_loop3A_542 = vector.broadcast %parallel_loop3A_541 : i32 to vector<16xi32>
        %parallel_loop3A_543 = arith.addi %parallel_loop3A_529, %parallel_loop3A_542 : vector<16xi32>
        tpu.vector_store_idx %arg15[%parallel_loop3A_543], %parallel_loop3A_540 masked %parallel_loop3A_461 {add = true} : memref<12544xf32, #tpu.memory_space<vmem>>[vector<16xi32>], vector<16xf32>, vector<16xi1>
        %parallel_loop3A_544 = arith.mulf %parallel_loop3A_523, %parallel_loop3A_512 : vector<16xf32>
        %parallel_loop3A_545 = arith.constant true
        %parallel_loop3A_546 = vector.broadcast %parallel_loop3A_545 : i1 to vector<16xi1>
        %parallel_loop3A_547 = tpu.scan <sum>, %parallel_loop3A_544 masked %parallel_loop3A_546 : vector<16xf32>, vector<16xi1> -> vector<16xf32>
        %parallel_loop3A_548 = arith.constant 0.000000e+00 : f32
        %parallel_loop3A_549 = vector.broadcast %parallel_loop3A_548 : f32 to vector<16xf32>
        %parallel_loop3A_550 = arith.select %parallel_loop3A_460, %parallel_loop3A_547, %parallel_loop3A_549 : vector<16xi1>, vector<16xf32>
        %parallel_loop3A_551 = arith.subf %parallel_loop3A_547, %parallel_loop3A_544 : vector<16xf32>
        %parallel_loop3A_552 = arith.constant 0.000000e+00 : f32
        %parallel_loop3A_553 = vector.broadcast %parallel_loop3A_552 : f32 to vector<16xf32>
        %parallel_loop3A_554 = arith.select %parallel_loop3A_458, %parallel_loop3A_551, %parallel_loop3A_553 : vector<16xi1>, vector<16xf32>
        %parallel_loop3A_555 = arith.subf %parallel_loop3A_550, %parallel_loop3A_554 : vector<16xf32>
        %parallel_loop3A_556 = arith.constant 1 : i32
        %parallel_loop3A_557 = vector.broadcast %parallel_loop3A_556 : i32 to vector<16xi32>
        %parallel_loop3A_558 = arith.addi %parallel_loop3A_529, %parallel_loop3A_557 : vector<16xi32>
        tpu.vector_store_idx %arg15[%parallel_loop3A_558], %parallel_loop3A_555 masked %parallel_loop3A_461 {add = true} : memref<12544xf32, #tpu.memory_space<vmem>>[vector<16xi32>], vector<16xf32>, vector<16xi1>
        %parallel_loop3A_559 = arith.mulf %parallel_loop3A_523, %parallel_loop3A_516 : vector<16xf32>
        %parallel_loop3A_560 = arith.constant true
        %parallel_loop3A_561 = vector.broadcast %parallel_loop3A_560 : i1 to vector<16xi1>
        %parallel_loop3A_562 = tpu.scan <sum>, %parallel_loop3A_559 masked %parallel_loop3A_561 : vector<16xf32>, vector<16xi1> -> vector<16xf32>
        %parallel_loop3A_563 = arith.constant 0.000000e+00 : f32
        %parallel_loop3A_564 = vector.broadcast %parallel_loop3A_563 : f32 to vector<16xf32>
        %parallel_loop3A_565 = arith.select %parallel_loop3A_460, %parallel_loop3A_562, %parallel_loop3A_564 : vector<16xi1>, vector<16xf32>
        %parallel_loop3A_566 = arith.subf %parallel_loop3A_562, %parallel_loop3A_559 : vector<16xf32>
        %parallel_loop3A_567 = arith.constant 0.000000e+00 : f32
        %parallel_loop3A_568 = vector.broadcast %parallel_loop3A_567 : f32 to vector<16xf32>
        %parallel_loop3A_569 = arith.select %parallel_loop3A_458, %parallel_loop3A_566, %parallel_loop3A_568 : vector<16xi1>, vector<16xf32>
        %parallel_loop3A_570 = arith.subf %parallel_loop3A_565, %parallel_loop3A_569 : vector<16xf32>
        %parallel_loop3A_571 = arith.constant 2 : i32
        %parallel_loop3A_572 = vector.broadcast %parallel_loop3A_571 : i32 to vector<16xi32>
        %parallel_loop3A_573 = arith.addi %parallel_loop3A_529, %parallel_loop3A_572 : vector<16xi32>
        tpu.vector_store_idx %arg15[%parallel_loop3A_573], %parallel_loop3A_570 masked %parallel_loop3A_461 {add = true} : memref<12544xf32, #tpu.memory_space<vmem>>[vector<16xi32>], vector<16xf32>, vector<16xi1>
        %parallel_loop3A_574 = arith.mulf %parallel_loop3A_523, %parallel_loop3A_520 : vector<16xf32>
        %parallel_loop3A_575 = arith.constant true
        %parallel_loop3A_576 = vector.broadcast %parallel_loop3A_575 : i1 to vector<16xi1>
        %parallel_loop3A_577 = tpu.scan <sum>, %parallel_loop3A_574 masked %parallel_loop3A_576 : vector<16xf32>, vector<16xi1> -> vector<16xf32>
        %parallel_loop3A_578 = arith.constant 0.000000e+00 : f32
        %parallel_loop3A_579 = vector.broadcast %parallel_loop3A_578 : f32 to vector<16xf32>
        %parallel_loop3A_580 = arith.select %parallel_loop3A_460, %parallel_loop3A_577, %parallel_loop3A_579 : vector<16xi1>, vector<16xf32>
        %parallel_loop3A_581 = arith.subf %parallel_loop3A_577, %parallel_loop3A_574 : vector<16xf32>
        %parallel_loop3A_582 = arith.constant 0.000000e+00 : f32
        %parallel_loop3A_583 = vector.broadcast %parallel_loop3A_582 : f32 to vector<16xf32>
        %parallel_loop3A_584 = arith.select %parallel_loop3A_458, %parallel_loop3A_581, %parallel_loop3A_583 : vector<16xi1>, vector<16xf32>
        %parallel_loop3A_585 = arith.subf %parallel_loop3A_580, %parallel_loop3A_584 : vector<16xf32>
        %parallel_loop3A_586 = arith.constant 3 : i32
        %parallel_loop3A_587 = vector.broadcast %parallel_loop3A_586 : i32 to vector<16xi32>
        %parallel_loop3A_588 = arith.addi %parallel_loop3A_529, %parallel_loop3A_587 : vector<16xi32>
        tpu.vector_store_idx %arg15[%parallel_loop3A_588], %parallel_loop3A_585 masked %parallel_loop3A_461 {add = true} : memref<12544xf32, #tpu.memory_space<vmem>>[vector<16xi32>], vector<16xf32>, vector<16xi1>
        %parallel_loop3A_589 = arith.constant true
        %parallel_loop3A_590 = vector.broadcast %parallel_loop3A_589 : i1 to vector<16xi1>
        %parallel_loop3A_591 = tpu.scan <sum>, %parallel_loop3A_526 masked %parallel_loop3A_590 : vector<16xf32>, vector<16xi1> -> vector<16xf32>
        %parallel_loop3A_592 = arith.constant 0.000000e+00 : f32
        %parallel_loop3A_593 = vector.broadcast %parallel_loop3A_592 : f32 to vector<16xf32>
        %parallel_loop3A_594 = arith.select %parallel_loop3A_460, %parallel_loop3A_591, %parallel_loop3A_593 : vector<16xi1>, vector<16xf32>
        %parallel_loop3A_595 = arith.subf %parallel_loop3A_591, %parallel_loop3A_526 : vector<16xf32>
        %parallel_loop3A_596 = arith.constant 0.000000e+00 : f32
        %parallel_loop3A_597 = vector.broadcast %parallel_loop3A_596 : f32 to vector<16xf32>
        %parallel_loop3A_598 = arith.select %parallel_loop3A_458, %parallel_loop3A_595, %parallel_loop3A_597 : vector<16xi1>, vector<16xf32>
        %parallel_loop3A_599 = arith.subf %parallel_loop3A_594, %parallel_loop3A_598 : vector<16xf32>
        %parallel_loop3A_600 = arith.constant 4 : i32
        %parallel_loop3A_601 = vector.broadcast %parallel_loop3A_600 : i32 to vector<16xi32>
        %parallel_loop3A_602 = arith.addi %parallel_loop3A_529, %parallel_loop3A_601 : vector<16xi32>
        tpu.vector_store_idx %arg15[%parallel_loop3A_602], %parallel_loop3A_599 masked %parallel_loop3A_461 {add = true} : memref<12544xf32, #tpu.memory_space<vmem>>[vector<16xi32>], vector<16xf32>, vector<16xi1>
        %parallel_loop3A_603 = arith.mulf %parallel_loop3A_526, %parallel_loop3A_512 : vector<16xf32>
        %parallel_loop3A_604 = arith.constant true
        %parallel_loop3A_605 = vector.broadcast %parallel_loop3A_604 : i1 to vector<16xi1>
        %parallel_loop3A_606 = tpu.scan <sum>, %parallel_loop3A_603 masked %parallel_loop3A_605 : vector<16xf32>, vector<16xi1> -> vector<16xf32>
        %parallel_loop3A_607 = arith.constant 0.000000e+00 : f32
        %parallel_loop3A_608 = vector.broadcast %parallel_loop3A_607 : f32 to vector<16xf32>
        %parallel_loop3A_609 = arith.select %parallel_loop3A_460, %parallel_loop3A_606, %parallel_loop3A_608 : vector<16xi1>, vector<16xf32>
        %parallel_loop3A_610 = arith.subf %parallel_loop3A_606, %parallel_loop3A_603 : vector<16xf32>
        %parallel_loop3A_611 = arith.constant 0.000000e+00 : f32
        %parallel_loop3A_612 = vector.broadcast %parallel_loop3A_611 : f32 to vector<16xf32>
        %parallel_loop3A_613 = arith.select %parallel_loop3A_458, %parallel_loop3A_610, %parallel_loop3A_612 : vector<16xi1>, vector<16xf32>
        %parallel_loop3A_614 = arith.subf %parallel_loop3A_609, %parallel_loop3A_613 : vector<16xf32>
        %parallel_loop3A_615 = arith.constant 5 : i32
        %parallel_loop3A_616 = vector.broadcast %parallel_loop3A_615 : i32 to vector<16xi32>
        %parallel_loop3A_617 = arith.addi %parallel_loop3A_529, %parallel_loop3A_616 : vector<16xi32>
        tpu.vector_store_idx %arg15[%parallel_loop3A_617], %parallel_loop3A_614 masked %parallel_loop3A_461 {add = true} : memref<12544xf32, #tpu.memory_space<vmem>>[vector<16xi32>], vector<16xf32>, vector<16xi1>
        %parallel_loop3A_618 = arith.mulf %parallel_loop3A_526, %parallel_loop3A_516 : vector<16xf32>
        %parallel_loop3A_619 = arith.constant true
        %parallel_loop3A_620 = vector.broadcast %parallel_loop3A_619 : i1 to vector<16xi1>
        %parallel_loop3A_621 = tpu.scan <sum>, %parallel_loop3A_618 masked %parallel_loop3A_620 : vector<16xf32>, vector<16xi1> -> vector<16xf32>
        %parallel_loop3A_622 = arith.constant 0.000000e+00 : f32
        %parallel_loop3A_623 = vector.broadcast %parallel_loop3A_622 : f32 to vector<16xf32>
        %parallel_loop3A_624 = arith.select %parallel_loop3A_460, %parallel_loop3A_621, %parallel_loop3A_623 : vector<16xi1>, vector<16xf32>
        %parallel_loop3A_625 = arith.subf %parallel_loop3A_621, %parallel_loop3A_618 : vector<16xf32>
        %parallel_loop3A_626 = arith.constant 0.000000e+00 : f32
        %parallel_loop3A_627 = vector.broadcast %parallel_loop3A_626 : f32 to vector<16xf32>
        %parallel_loop3A_628 = arith.select %parallel_loop3A_458, %parallel_loop3A_625, %parallel_loop3A_627 : vector<16xi1>, vector<16xf32>
        %parallel_loop3A_629 = arith.subf %parallel_loop3A_624, %parallel_loop3A_628 : vector<16xf32>
        %parallel_loop3A_630 = arith.constant 6 : i32
        %parallel_loop3A_631 = vector.broadcast %parallel_loop3A_630 : i32 to vector<16xi32>
        %parallel_loop3A_632 = arith.addi %parallel_loop3A_529, %parallel_loop3A_631 : vector<16xi32>
        tpu.vector_store_idx %arg15[%parallel_loop3A_632], %parallel_loop3A_629 masked %parallel_loop3A_461 {add = true} : memref<12544xf32, #tpu.memory_space<vmem>>[vector<16xi32>], vector<16xf32>, vector<16xi1>
        %parallel_loop3A_633 = arith.mulf %parallel_loop3A_526, %parallel_loop3A_520 : vector<16xf32>
        %parallel_loop3A_634 = arith.constant true
        %parallel_loop3A_635 = vector.broadcast %parallel_loop3A_634 : i1 to vector<16xi1>
        %parallel_loop3A_636 = tpu.scan <sum>, %parallel_loop3A_633 masked %parallel_loop3A_635 : vector<16xf32>, vector<16xi1> -> vector<16xf32>
        %parallel_loop3A_637 = arith.constant 0.000000e+00 : f32
        %parallel_loop3A_638 = vector.broadcast %parallel_loop3A_637 : f32 to vector<16xf32>
        %parallel_loop3A_639 = arith.select %parallel_loop3A_460, %parallel_loop3A_636, %parallel_loop3A_638 : vector<16xi1>, vector<16xf32>
        %parallel_loop3A_640 = arith.subf %parallel_loop3A_636, %parallel_loop3A_633 : vector<16xf32>
        %parallel_loop3A_641 = arith.constant 0.000000e+00 : f32
        %parallel_loop3A_642 = vector.broadcast %parallel_loop3A_641 : f32 to vector<16xf32>
        %parallel_loop3A_643 = arith.select %parallel_loop3A_458, %parallel_loop3A_640, %parallel_loop3A_642 : vector<16xi1>, vector<16xf32>
        %parallel_loop3A_644 = arith.subf %parallel_loop3A_639, %parallel_loop3A_643 : vector<16xf32>
        %parallel_loop3A_645 = arith.constant 7 : i32
        %parallel_loop3A_646 = vector.broadcast %parallel_loop3A_645 : i32 to vector<16xi32>
        %parallel_loop3A_647 = arith.addi %parallel_loop3A_529, %parallel_loop3A_646 : vector<16xi32>
        tpu.vector_store_idx %arg15[%parallel_loop3A_647], %parallel_loop3A_644 masked %parallel_loop3A_461 {add = true} : memref<12544xf32, #tpu.memory_space<vmem>>[vector<16xi32>], vector<16xf32>, vector<16xi1>
      } {sc.loop_unroll_factor = 2 : i64, sc.parallel_access}
      %while3A_432 = arith.constant 0 : i32
      scf.yield %while3A_432 : i32
    }
    %scan3A_368 = arith.constant 0 : i32
    %scan3A_369 = arith.constant 0 : i32
    %scan3A_370 = arith.constant 98 : i32
    %scan3A_371 = arith.addi %scan3A_369, %scan3A_370 : i32
    %scan3A_372 = arith.constant 1 : i32
    %scan3A_373 = scf.for %scan3A_388 = %scan3A_369 to %scan3A_371 step %scan3A_372 iter_args(%scan3A_389 = %scan3A_368) -> (i32)  : i32 {
      %mul3A_390 = arith.constant 16 : i32
      %mul3A_391 = arith.muli %scan3A_388, %mul3A_390 : i32
      %add3A_392 = vector.broadcast %mul3A_391 : i32 to vector<16xi32>
      %add3A_393 = arith.addi %add3A_392, %iota3A : vector<16xi32>
      %mul3A_394 = arith.constant 8 : i32
      %mul3A_395 = vector.broadcast %mul3A_394 : i32 to vector<16xi32>
      %mul3A_396 = arith.muli %add3A_393, %mul3A_395 : vector<16xi32>
      %gather3A = tpu.vector_load_idx %arg15[%mul3A_396] : memref<12544xf32, #tpu.memory_space<vmem>>[vector<16xi32>], vector<16xf32>,
      %add3A_397 = arith.constant 1 : i32
      %add3A_398 = vector.broadcast %add3A_397 : i32 to vector<16xi32>
      %add3A_399 = arith.addi %mul3A_396, %add3A_398 : vector<16xi32>
      %gather3A_400 = tpu.vector_load_idx %arg15[%add3A_399] : memref<12544xf32, #tpu.memory_space<vmem>>[vector<16xi32>], vector<16xf32>,
      %add3A_401 = arith.constant 2 : i32
      %add3A_402 = vector.broadcast %add3A_401 : i32 to vector<16xi32>
      %add3A_403 = arith.addi %mul3A_396, %add3A_402 : vector<16xi32>
      %gather3A_404 = tpu.vector_load_idx %arg15[%add3A_403] : memref<12544xf32, #tpu.memory_space<vmem>>[vector<16xi32>], vector<16xf32>,
      %add3A_405 = arith.constant 3 : i32
      %add3A_406 = vector.broadcast %add3A_405 : i32 to vector<16xi32>
      %add3A_407 = arith.addi %mul3A_396, %add3A_406 : vector<16xi32>
      %gather3A_408 = tpu.vector_load_idx %arg15[%add3A_407] : memref<12544xf32, #tpu.memory_space<vmem>>[vector<16xi32>], vector<16xf32>,
      %add3A_409 = arith.constant 4 : i32
      %add3A_410 = vector.broadcast %add3A_409 : i32 to vector<16xi32>
      %add3A_411 = arith.addi %mul3A_396, %add3A_410 : vector<16xi32>
      %gather3A_412 = tpu.vector_load_idx %arg15[%add3A_411] : memref<12544xf32, #tpu.memory_space<vmem>>[vector<16xi32>], vector<16xf32>,
      %add3A_413 = arith.constant 5 : i32
      %add3A_414 = vector.broadcast %add3A_413 : i32 to vector<16xi32>
      %add3A_415 = arith.addi %mul3A_396, %add3A_414 : vector<16xi32>
      %gather3A_416 = tpu.vector_load_idx %arg15[%add3A_415] : memref<12544xf32, #tpu.memory_space<vmem>>[vector<16xi32>], vector<16xf32>,
      %add3A_417 = arith.constant 6 : i32
      %add3A_418 = vector.broadcast %add3A_417 : i32 to vector<16xi32>
      %add3A_419 = arith.addi %mul3A_396, %add3A_418 : vector<16xi32>
      %gather3A_420 = tpu.vector_load_idx %arg15[%add3A_419] : memref<12544xf32, #tpu.memory_space<vmem>>[vector<16xi32>], vector<16xf32>,
      %add3A_421 = arith.constant 7 : i32
      %add3A_422 = vector.broadcast %add3A_421 : i32 to vector<16xi32>
      %add3A_423 = arith.addi %mul3A_396, %add3A_422 : vector<16xi32>
      %gather3A_424 = tpu.vector_load_idx %arg15[%add3A_423] : memref<12544xf32, #tpu.memory_space<vmem>>[vector<16xi32>], vector<16xf32>,
      %gt3A_425 = arith.constant 0.000000e+00 : f32
      %gt3A_426 = vector.broadcast %gt3A_425 : f32 to vector<16xf32>
      %gt3A_427 = arith.cmpf ogt, %gather3A, %gt3A_426 : vector<16xf32>
      %jit3A_428 = arith.constant 1.000000e+00 : f32
      %broadcast_in_dim3A_429 = vector.broadcast %jit3A_428 : f32 to vector<16xf32>
      %select_n3A_430 = arith.select %gt3A_427, %gather3A, %broadcast_in_dim3A_429 : vector<16xi1>, vector<16xf32>
      %div3A_431 = arith.divf %gather3A_412, %select_n3A_430 : vector<16xf32>
      %mul3A_432 = arith.constant 16 : i32
      %mul3A_433 = arith.muli %scan3A_388, %mul3A_432 : i32
      %mul3A_434 = arith.mulf %div3A_431, %gather3A_400 : vector<16xf32>
      %sub3A_435 = arith.subf %gather3A_416, %mul3A_434 : vector<16xf32>
      %swap3A = arith.index_cast %mul3A_433 : i32 to index
      %swap3A_436 = tpu.vector_load %arg16[%swap3A] {strides = array<i32>} : memref<1568xf32, #tpu.memory_space<vmem>>, vector<16xf32>,
      tpu.vector_store %arg16[%swap3A], %sub3A_435 {strides = array<i32>} : memref<1568xf32, #tpu.memory_space<vmem>>, vector<16xf32>,
      %mul3A_437 = arith.mulf %div3A_431, %gather3A_404 : vector<16xf32>
      %sub3A_438 = arith.subf %gather3A_420, %mul3A_437 : vector<16xf32>
      %swap3A_439 = arith.index_cast %mul3A_433 : i32 to index
      %swap3A_440 = tpu.vector_load %arg17[%swap3A_439] {strides = array<i32>} : memref<1568xf32, #tpu.memory_space<vmem>>, vector<16xf32>,
      tpu.vector_store %arg17[%swap3A_439], %sub3A_438 {strides = array<i32>} : memref<1568xf32, #tpu.memory_space<vmem>>, vector<16xf32>,
      %mul3A_441 = arith.mulf %div3A_431, %gather3A_408 : vector<16xf32>
      %sub3A_442 = arith.subf %gather3A_424, %mul3A_441 : vector<16xf32>
      %swap3A_443 = arith.index_cast %mul3A_433 : i32 to index
      %swap3A_444 = tpu.vector_load %arg18[%swap3A_443] {strides = array<i32>} : memref<1568xf32, #tpu.memory_space<vmem>>, vector<16xf32>,
      tpu.vector_store %arg18[%swap3A_443], %sub3A_442 {strides = array<i32>} : memref<1568xf32, #tpu.memory_space<vmem>>, vector<16xf32>,
      %scan3A_445 = arith.constant 0 : i32
      scf.yield %scan3A_445 : i32
    }
    %scan3A_374 = arith.constant 98 : i32
    %mul3A_375 = arith.constant 1568 : i32
    %mul3A_376 = arith.muli %add3A, %mul3A_375 : i32
    %multiple_of3A_377 = tpu.assume_multiple %mul3A_376, 8 : i32
    %lt3A_378 = arith.constant 31 : i32
    %lt3A_379 = arith.cmpi slt, %add3A, %lt3A_378 : i32
    %convert_element_type3A_380 = arith.extui %lt3A_379 : i1 to i32
    %cond3A_381 = arith.constant 0 : i32
    %cond3A_382 = arith.cmpi ne, %convert_element_type3A_380, %cond3A_381 : i32
    scf.if %cond3A_382 {
      "tpu.region"() ({
        %run_scoped3A = tpu.sem_alloc : memref<!tpu.dma_semaphore, #tpu.memory_space<semaphore_mem>>
        %dma_start3A = tpu.memref_slice %arg7[%multiple_of3A_377] : memref<50000xf32, #tpu.memory_space<hbm>> -> memref<1568xf32, #tpu.memory_space<hbm>>
        %dma_start3A_388 = tpu.memref_slice %arg7[%multiple_of3A_377] : memref<50000xf32, #tpu.memory_space<hbm>> -> memref<1568xf32, #tpu.memory_space<hbm>>
        tpu.enqueue_dma source(%arg16 : memref<1568xf32, #tpu.memory_space<vmem>>) target(%dma_start3A_388 : memref<1568xf32, #tpu.memory_space<hbm>>) target_semaphore(%run_scoped3A : memref<!tpu.dma_semaphore, #tpu.memory_space<semaphore_mem>>)
        %dma_wait3A = tpu.memref_slice %arg7[%multiple_of3A_377] : memref<50000xf32, #tpu.memory_space<hbm>> -> memref<1568xf32, #tpu.memory_space<hbm>>
        %dma_wait3A_389 = tpu.memref_slice %arg7[%multiple_of3A_377] : memref<50000xf32, #tpu.memory_space<hbm>> -> memref<1568xf32, #tpu.memory_space<hbm>>
        tpu.wait_dma2 semaphore(%run_scoped3A : memref<!tpu.dma_semaphore, #tpu.memory_space<semaphore_mem>>) src(%arg16 : memref<1568xf32, #tpu.memory_space<vmem>>) dst(%dma_wait3A_389 : memref<1568xf32, #tpu.memory_space<hbm>>)
        tpu.yield
      }) : () -> ()
      "tpu.region"() ({
        %run_scoped3A = tpu.sem_alloc : memref<!tpu.dma_semaphore, #tpu.memory_space<semaphore_mem>>
        %dma_start3A = tpu.memref_slice %arg8[%multiple_of3A_377] : memref<50000xf32, #tpu.memory_space<hbm>> -> memref<1568xf32, #tpu.memory_space<hbm>>
        %dma_start3A_388 = tpu.memref_slice %arg8[%multiple_of3A_377] : memref<50000xf32, #tpu.memory_space<hbm>> -> memref<1568xf32, #tpu.memory_space<hbm>>
        tpu.enqueue_dma source(%arg17 : memref<1568xf32, #tpu.memory_space<vmem>>) target(%dma_start3A_388 : memref<1568xf32, #tpu.memory_space<hbm>>) target_semaphore(%run_scoped3A : memref<!tpu.dma_semaphore, #tpu.memory_space<semaphore_mem>>)
        %dma_wait3A = tpu.memref_slice %arg8[%multiple_of3A_377] : memref<50000xf32, #tpu.memory_space<hbm>> -> memref<1568xf32, #tpu.memory_space<hbm>>
        %dma_wait3A_389 = tpu.memref_slice %arg8[%multiple_of3A_377] : memref<50000xf32, #tpu.memory_space<hbm>> -> memref<1568xf32, #tpu.memory_space<hbm>>
        tpu.wait_dma2 semaphore(%run_scoped3A : memref<!tpu.dma_semaphore, #tpu.memory_space<semaphore_mem>>) src(%arg17 : memref<1568xf32, #tpu.memory_space<vmem>>) dst(%dma_wait3A_389 : memref<1568xf32, #tpu.memory_space<hbm>>)
        tpu.yield
      }) : () -> ()
      "tpu.region"() ({
        %run_scoped3A = tpu.sem_alloc : memref<!tpu.dma_semaphore, #tpu.memory_space<semaphore_mem>>
        %dma_start3A = tpu.memref_slice %arg9[%multiple_of3A_377] : memref<50000xf32, #tpu.memory_space<hbm>> -> memref<1568xf32, #tpu.memory_space<hbm>>
        %dma_start3A_388 = tpu.memref_slice %arg9[%multiple_of3A_377] : memref<50000xf32, #tpu.memory_space<hbm>> -> memref<1568xf32, #tpu.memory_space<hbm>>
        tpu.enqueue_dma source(%arg18 : memref<1568xf32, #tpu.memory_space<vmem>>) target(%dma_start3A_388 : memref<1568xf32, #tpu.memory_space<hbm>>) target_semaphore(%run_scoped3A : memref<!tpu.dma_semaphore, #tpu.memory_space<semaphore_mem>>)
        %dma_wait3A = tpu.memref_slice %arg9[%multiple_of3A_377] : memref<50000xf32, #tpu.memory_space<hbm>> -> memref<1568xf32, #tpu.memory_space<hbm>>
        %dma_wait3A_389 = tpu.memref_slice %arg9[%multiple_of3A_377] : memref<50000xf32, #tpu.memory_space<hbm>> -> memref<1568xf32, #tpu.memory_space<hbm>>
        tpu.wait_dma2 semaphore(%run_scoped3A : memref<!tpu.dma_semaphore, #tpu.memory_space<semaphore_mem>>) src(%arg18 : memref<1568xf32, #tpu.memory_space<vmem>>) dst(%dma_wait3A_389 : memref<1568xf32, #tpu.memory_space<hbm>>)
        tpu.yield
      }) : () -> ()
    } else {
    }
    %eq3A_383 = arith.constant 31 : i32
    %eq3A_384 = arith.cmpi eq, %add3A, %eq3A_383 : i32
    %convert_element_type3A_385 = arith.extui %eq3A_384 : i1 to i32
    %cond3A_386 = arith.constant 0 : i32
    %cond3A_387 = arith.cmpi ne, %convert_element_type3A_385, %cond3A_386 : i32
    scf.if %cond3A_387 {
      "tpu.region"() ({
        %run_scoped3A = tpu.sem_alloc : memref<!tpu.dma_semaphore, #tpu.memory_space<semaphore_mem>>
        %dma_start3A = arith.constant 0 : i32
        %dma_start3A_388 = tpu.memref_slice %arg16[%dma_start3A] : memref<1568xf32, #tpu.memory_space<vmem>> -> memref<1392xf32, #tpu.memory_space<vmem>>
        %dma_start3A_389 = tpu.memref_slice %arg7[%multiple_of3A_377] : memref<50000xf32, #tpu.memory_space<hbm>> -> memref<1392xf32, #tpu.memory_space<hbm>>
        %dma_start3A_390 = tpu.memref_slice %arg7[%multiple_of3A_377] : memref<50000xf32, #tpu.memory_space<hbm>> -> memref<1392xf32, #tpu.memory_space<hbm>>
        %dma_start3A_391 = arith.constant 0 : i32
        %dma_start3A_392 = tpu.memref_slice %arg16[%dma_start3A_391] : memref<1568xf32, #tpu.memory_space<vmem>> -> memref<1392xf32, #tpu.memory_space<vmem>>
        tpu.enqueue_dma source(%dma_start3A_392 : memref<1392xf32, #tpu.memory_space<vmem>>) target(%dma_start3A_390 : memref<1392xf32, #tpu.memory_space<hbm>>) target_semaphore(%run_scoped3A : memref<!tpu.dma_semaphore, #tpu.memory_space<semaphore_mem>>)
        %dma_wait3A = arith.constant 0 : i32
        %dma_wait3A_393 = tpu.memref_slice %arg16[%dma_wait3A] : memref<1568xf32, #tpu.memory_space<vmem>> -> memref<1392xf32, #tpu.memory_space<vmem>>
        %dma_wait3A_394 = tpu.memref_slice %arg7[%multiple_of3A_377] : memref<50000xf32, #tpu.memory_space<hbm>> -> memref<1392xf32, #tpu.memory_space<hbm>>
        %dma_wait3A_395 = tpu.memref_slice %arg7[%multiple_of3A_377] : memref<50000xf32, #tpu.memory_space<hbm>> -> memref<1392xf32, #tpu.memory_space<hbm>>
        %dma_wait3A_396 = arith.constant 0 : i32
        %dma_wait3A_397 = tpu.memref_slice %arg16[%dma_wait3A_396] : memref<1568xf32, #tpu.memory_space<vmem>> -> memref<1392xf32, #tpu.memory_space<vmem>>
        tpu.wait_dma2 semaphore(%run_scoped3A : memref<!tpu.dma_semaphore, #tpu.memory_space<semaphore_mem>>) src(%dma_wait3A_397 : memref<1392xf32, #tpu.memory_space<vmem>>) dst(%dma_wait3A_395 : memref<1392xf32, #tpu.memory_space<hbm>>)
        tpu.yield
      }) : () -> ()
      "tpu.region"() ({
        %run_scoped3A = tpu.sem_alloc : memref<!tpu.dma_semaphore, #tpu.memory_space<semaphore_mem>>
        %dma_start3A = arith.constant 0 : i32
        %dma_start3A_388 = tpu.memref_slice %arg17[%dma_start3A] : memref<1568xf32, #tpu.memory_space<vmem>> -> memref<1392xf32, #tpu.memory_space<vmem>>
        %dma_start3A_389 = tpu.memref_slice %arg8[%multiple_of3A_377] : memref<50000xf32, #tpu.memory_space<hbm>> -> memref<1392xf32, #tpu.memory_space<hbm>>
        %dma_start3A_390 = tpu.memref_slice %arg8[%multiple_of3A_377] : memref<50000xf32, #tpu.memory_space<hbm>> -> memref<1392xf32, #tpu.memory_space<hbm>>
        %dma_start3A_391 = arith.constant 0 : i32
        %dma_start3A_392 = tpu.memref_slice %arg17[%dma_start3A_391] : memref<1568xf32, #tpu.memory_space<vmem>> -> memref<1392xf32, #tpu.memory_space<vmem>>
        tpu.enqueue_dma source(%dma_start3A_392 : memref<1392xf32, #tpu.memory_space<vmem>>) target(%dma_start3A_390 : memref<1392xf32, #tpu.memory_space<hbm>>) target_semaphore(%run_scoped3A : memref<!tpu.dma_semaphore, #tpu.memory_space<semaphore_mem>>)
        %dma_wait3A = arith.constant 0 : i32
        %dma_wait3A_393 = tpu.memref_slice %arg17[%dma_wait3A] : memref<1568xf32, #tpu.memory_space<vmem>> -> memref<1392xf32, #tpu.memory_space<vmem>>
        %dma_wait3A_394 = tpu.memref_slice %arg8[%multiple_of3A_377] : memref<50000xf32, #tpu.memory_space<hbm>> -> memref<1392xf32, #tpu.memory_space<hbm>>
        %dma_wait3A_395 = tpu.memref_slice %arg8[%multiple_of3A_377] : memref<50000xf32, #tpu.memory_space<hbm>> -> memref<1392xf32, #tpu.memory_space<hbm>>
        %dma_wait3A_396 = arith.constant 0 : i32
        %dma_wait3A_397 = tpu.memref_slice %arg17[%dma_wait3A_396] : memref<1568xf32, #tpu.memory_space<vmem>> -> memref<1392xf32, #tpu.memory_space<vmem>>
        tpu.wait_dma2 semaphore(%run_scoped3A : memref<!tpu.dma_semaphore, #tpu.memory_space<semaphore_mem>>) src(%dma_wait3A_397 : memref<1392xf32, #tpu.memory_space<vmem>>) dst(%dma_wait3A_395 : memref<1392xf32, #tpu.memory_space<hbm>>)
        tpu.yield
      }) : () -> ()
      "tpu.region"() ({
        %run_scoped3A = tpu.sem_alloc : memref<!tpu.dma_semaphore, #tpu.memory_space<semaphore_mem>>
        %dma_start3A = arith.constant 0 : i32
        %dma_start3A_388 = tpu.memref_slice %arg18[%dma_start3A] : memref<1568xf32, #tpu.memory_space<vmem>> -> memref<1392xf32, #tpu.memory_space<vmem>>
        %dma_start3A_389 = tpu.memref_slice %arg9[%multiple_of3A_377] : memref<50000xf32, #tpu.memory_space<hbm>> -> memref<1392xf32, #tpu.memory_space<hbm>>
        %dma_start3A_390 = tpu.memref_slice %arg9[%multiple_of3A_377] : memref<50000xf32, #tpu.memory_space<hbm>> -> memref<1392xf32, #tpu.memory_space<hbm>>
        %dma_start3A_391 = arith.constant 0 : i32
        %dma_start3A_392 = tpu.memref_slice %arg18[%dma_start3A_391] : memref<1568xf32, #tpu.memory_space<vmem>> -> memref<1392xf32, #tpu.memory_space<vmem>>
        tpu.enqueue_dma source(%dma_start3A_392 : memref<1392xf32, #tpu.memory_space<vmem>>) target(%dma_start3A_390 : memref<1392xf32, #tpu.memory_space<hbm>>) target_semaphore(%run_scoped3A : memref<!tpu.dma_semaphore, #tpu.memory_space<semaphore_mem>>)
        %dma_wait3A = arith.constant 0 : i32
        %dma_wait3A_393 = tpu.memref_slice %arg18[%dma_wait3A] : memref<1568xf32, #tpu.memory_space<vmem>> -> memref<1392xf32, #tpu.memory_space<vmem>>
        %dma_wait3A_394 = tpu.memref_slice %arg9[%multiple_of3A_377] : memref<50000xf32, #tpu.memory_space<hbm>> -> memref<1392xf32, #tpu.memory_space<hbm>>
        %dma_wait3A_395 = tpu.memref_slice %arg9[%multiple_of3A_377] : memref<50000xf32, #tpu.memory_space<hbm>> -> memref<1392xf32, #tpu.memory_space<hbm>>
        %dma_wait3A_396 = arith.constant 0 : i32
        %dma_wait3A_397 = tpu.memref_slice %arg18[%dma_wait3A_396] : memref<1568xf32, #tpu.memory_space<vmem>> -> memref<1392xf32, #tpu.memory_space<vmem>>
        tpu.wait_dma2 semaphore(%run_scoped3A : memref<!tpu.dma_semaphore, #tpu.memory_space<semaphore_mem>>) src(%dma_wait3A_397 : memref<1392xf32, #tpu.memory_space<vmem>>) dst(%dma_wait3A_395 : memref<1392xf32, #tpu.memory_space<hbm>>)
        tpu.yield
      }) : () -> ()
    } else {
    }
    return
  }
}

</mosaic_0001>

<sc_bundles>
// kernel: kernel.3.cloned.1.call-start
scs
__scs_entry_jumppad:
0x0: {  	(pc) =	sbr.rel $0x88, $3  }
0x1: {  	(tag) =	ssettag $0x0;
	lr =	simm.s32 $0x1  }
0x2: {  	[smem:$0x3F9C] =	sst lr;
	_ =	strace $0xD0000000  }
0x3: {  	_ = 	snop  }
0x4: {  	_ = 	snop  }
0x5: {  	_ = 	snop  }
0x6: {  	_ = 	snop  }
0x7: {  	_ = 	snop  }
__scs_overlays_trampoline_lowered:
0x8: {  	[smem:$0x3FAB] =	sst s0  }
0x9: {  	[smem:$0x3FAC] =	sst s1  }
0xa: {  	[smem:$0x3FAD] =	sst s2  }
0xb: {  	[smem:$0x3FAE] =	sst s3  }
0xc: {  	[smem:$0x3FAF] =	sst s4  }
0xd: {  	[smem:$0x3FB0] =	sst s5  }
0xe: {  	[smem:$0x3FB1] =	sst s6  }
0xf: {  	[smem:$0x3FB2] =	sst s7  }
0x10: {  	[smem:$0x3FB3] =	sst s8  }
0x11: {  	[smem:$0x3FB4] =	sst s9;
	s0 =	simm.s32 @!p0 $0x0  }
0x12: {  	s1 =	sld [smem:$0x3F9A];
	s0 =	simm.s32 @p0 $0x1  }
0x13: {  	[smem:$0x3FB5] =	sst s0;
	s0 =	simm.s32 @!p1 $0x0  }
0x14: {  	s2 =	sld [smem:$0x3F99];
	s0 =	simm.s32 @p1 $0x1  }
0x15: {  	[smem:$0x3FB6] =	sst s0;
	s0 =	simm.s32 @!p2 $0x0  }
0x16: {  	s3 =	sld [smem:$0x3FDB];
	s0 =	simm.s32 @p2 $0x1  }
0x17: {  	s4 =	simm.s32 $0x1BF5;
	[smem:$0x3FB8] =	sst s0  }
0x18: {  	s0 =	sld [smem:$0x3F9B];
	_ =	swait.ge [sflag:s4], $0x0  }
0x19: {  	s7 =	sld [smem:$0x3F9C]  }
0x1a: {  	s8 =	sadd.s32 $0xFFFFE003, lr  }
0x1b: {  	s9 =	sadd.s32 $0xFFFFFEF7, lr;
	s5 =	simm.s32 $0xFFFFFFFF;
	p2 =	slt.u32 s8, $0xFFFFF086  }
0x1c: {  	p1 =	slt.u32 s9, $0xF7A;
	s5 =	simm.s32 @!p2 $0x0  }
0x1d: {  	s5 =	simm.s32 @p1 $0x1;
	p0 =	seq.s32 s7, s2  }
0x1e: {  	s7 =	smul.u32 @!p0 $0xF7A, s2;
	p2 =	seq.s32 @!p0 s5, $0x0  }
0x1f: {  	s9 =	smul.u32 $0xF7A, s1;
	s8 =	simm.s32 @!p0 $0x1BF5;
	p2 =	por !p2, p0  }
0x20: {  	[sflag:s8] =	ssyncset.s32 @!p0 $0xFFFFF086;
	s6 =	sadd.s32 @!p0 s3, s7;
	s7 =	simm.s32 @!p0 $0x108  }
0x21: {  	s3 =	sadd.s32 s3, s9;
	s6 =	sadd.s32 @!p0 $0x88, s6;
	s7 =	simm.s32 @p2 $0x1082  }
0x22: {  	[simem:s7], [sflag:s8] =	dma.local @!p0 [hbm:s6], $0xF7A  }
0x23: {  	s9 =	sor.u32 $0xD0000000, s2;
	s6 =	simm.s32 $0x108;
	_ =	swait.ge @!p0 [sflag:s8], $0x0  }
0x24: {  	s3 =	sadd.s32 $0x88, s3;
	s6 =	simm.s32 @!p1 $0x1082;
	[sflag:s4] =	ssyncset.s32 $0xFFFFF086  }
0x25: {  	[simem:s6], [sflag:s4] =	dma.local [hbm:s3], $0xF7A  }
0x26: {  	[smem:$0x3F9C] =	sst s1;
	(tag) =	ssettag s2;
	_ =	strace s9  }
0x27: {  	s1 =	sld [smem:$0x3FAC]  }
0x28: {  	s2 =	sld [smem:$0x3FAD]  }
0x29: {  	s4 =	sld [smem:$0x3FAF]  }
0x2a: {  	p0 =	seq.s32 s5, $0x0;
	s5 =	sld [smem:$0x3FB0]  }
0x2b: {  	s6 =	sld [smem:$0x3FB1]  }
0x2c: {  	s7 =	sld [smem:$0x3FB2]  }
0x2d: {  	s3 =	simm.s32 $0x108;
	s8 =	sld [smem:$0x3FB3]  }
0x2e: {  	s3 =	simm.s32 @!p0 $0x1082;
	s9 =	sld [smem:$0x3FB4]  }
0x2f: {  	lr =	sadd.s32 s0, s3;
	s0 =	sld [smem:$0x3FAB]  }
0x30: {  	s3 =	sld [smem:$0x3FAE]  }
0x31: {  	[smem:$0x3FB7] =	sst s10  }
0x32: {  	s10 =	sld [smem:$0x3FB5];
	_ =	sdelay $0x3  }
0x33: {  	p0 =	seq.s32 s10, $0x1;
	s10 =	sld [smem:$0x3FB7];
	_ =	sdelay $0x3  }
0x34: {  	[smem:$0x3FB7] =	sst s10  }
0x35: {  	s10 =	sld [smem:$0x3FB6];
	_ =	sdelay $0x3  }
0x36: {  	p1 =	seq.s32 s10, $0x1;
	s10 =	sld [smem:$0x3FB7];
	_ =	sdelay $0x3  }
0x37: {  	[smem:$0x3FB7] =	sst s10  }
0x38: {  	s10 =	sld [smem:$0x3FB8]  }
0x39: {  	_ = 	snop;
	(pc) =	sbr.ind lr, $3  }
0x3a: {  	_ = 	snop  }
0x3b: {  	_ = 	snop  }
0x3c: {  	p2 =	seq.s32 s10, $0x1;
	s10 =	sld [smem:$0x3FB7]  }
0x3d: {  	_ =	shalt  }
0x3e: {  	_ =	shalt  }
0x3f: {  	_ =	shalt  }
0x40: {  	_ =	shalt  }
0x41: {  	_ =	shalt  }
0x42: {  	_ =	shalt  }
0x43: {  	_ =	shalt  }
0x44: {  	_ =	shalt  }
0x45: {  	_ =	shalt  }
0x46: {  	_ =	shalt  }
0x47: {  	_ =	shalt  }
0x48: {  	_ =	shalt  }
0x49: {  	_ =	shalt  }
0x4a: {  	_ =	shalt  }
0x4b: {  	_ =	shalt  }
0x4c: {  	_ =	shalt  }
0x4d: {  	_ =	shalt  }
0x4e: {  	_ =	shalt  }
0x4f: {  	_ =	shalt  }
0x50: {  	_ =	shalt  }
0x51: {  	_ =	shalt  }
0x52: {  	_ =	shalt  }
0x53: {  	_ =	shalt  }
0x54: {  	_ =	shalt  }
0x55: {  	_ =	shalt  }
0x56: {  	_ =	shalt  }
0x57: {  	_ =	shalt  }
0x58: {  	_ =	shalt  }
0x59: {  	_ =	shalt  }
0x5a: {  	_ =	shalt  }
0x5b: {  	_ =	shalt  }
0x5c: {  	_ =	shalt  }
0x5d: {  	_ =	shalt  }
0x5e: {  	_ =	shalt  }
0x5f: {  	_ =	shalt  }
0x60: {  	_ =	shalt  }
0x61: {  	_ =	shalt  }
0x62: {  	_ =	shalt  }
0x63: {  	_ =	shalt  }
0x64: {  	_ =	shalt  }
0x65: {  	_ =	shalt  }
0x66: {  	_ =	shalt  }
0x67: {  	_ =	shalt  }
0x68: {  	_ =	shalt  }
0x69: {  	_ =	shalt  }
0x6a: {  	_ =	shalt  }
0x6b: {  	_ =	shalt  }
0x6c: {  	_ =	shalt  }
0x6d: {  	_ =	shalt  }
0x6e: {  	_ =	shalt  }
0x6f: {  	_ =	shalt  }
0x70: {  	_ =	shalt  }
0x71: {  	_ =	shalt  }
0x72: {  	_ =	shalt  }
0x73: {  	_ =	shalt  }
0x74: {  	_ =	shalt  }
0x75: {  	_ =	shalt  }
0x76: {  	_ =	shalt  }
0x77: {  	_ =	shalt  }
0x78: {  	_ =	shalt  }
0x79: {  	_ =	shalt  }
0x7a: {  	_ =	shalt  }
0x7b: {  	_ =	shalt  }
0x7c: {  	_ =	shalt  }
0x7d: {  	_ =	shalt  }
0x7e: {  	_ =	shalt  }
0x7f: {  	_ =	shalt  }
0x80: {  	_ =	shalt  }
0x81: {  	_ =	shalt  }
0x82: {  	_ =	shalt  }
0x83: {  	_ =	shalt  }
0x84: {  	_ =	shalt  }
0x85: {  	_ =	shalt  }
0x86: {  	_ =	shalt  }
0x87: {  	_ =	shalt  }
.Lfunc_end0:
.L_simem_size_0:
called_computation_lowered:
.L_overlay_start_0:
0x88: {  	s2 =	sld [smem:$0x3FD9]  }
0x89: {  	s3 =	sld [smem:$0x3FFE];
	_ =	sdelay $0x1  }
0x8a: {  	s1 =	srdreg.scid  }
0x8b: {  	s0 =	sand.u32 $0x1, s1  }
0x8c: {  	s17 =	sshll.u32 s0, $0xA;
	s2 =	sadd.s32 s3, s2  }
0x8d: {  	s2 =	sadd.s32 s2, s17  }
0x8e: {  	[smem:$0x3FC3] =	sst s2  }
0x8f: {  	_ = 	snop  }
0x90: {  	s2 =	sld [smem:$0x3FC9]  }
0x91: {  	s18 =	sld [smem:$0x3FC7]  }
0x92: {  	s4 =	sld [smem:$0x3FC6]  }
0x93: {  	s5 =	sld [smem:$0x3FD0];
	(tm) =	ssettm $0x1  }
0x94: {  	s6 =	sld [smem:$0x3FFB];
	_ =	sdelay $0x3  }
0x95: {  	_ =	strace s6  }
0x96: {  	s6 =	sld [smem:$0x3FFC];
	_ =	sdelay $0x3  }
0x97: {  	_ =	strace s6  }
0x98: {  	s6 =	sld [smem:$0x3FFD];
	_ =	sdelay $0x3  }
0x99: {  	_ =	strace s6  }
0x9a: {  	_ =	strace $0x8FFFFFFF  }
0x9b: {  	s19 =	sld [smem:$0x3FDB];
	_ =	sdelay $0x1  }
0x9c: {  	s7 =	simm.s32 $_scs_section_size  }
0x9d: {  	s8 =	simm.s32 $_size__tile_overlayer_lowered;
	s9 =	simm.s32 $_tile_overlayer_lowered  }
0x9e: {  	s22 =	simm.s32 $0x1BFF;
	s21 =	sshll.u32 s9, $0x1;
	s6 =	sadd.s32 s7, s19  }
0x9f: {  	s10 =	simm.s32 $0x0;
	s20 =	sshll.u32 s8, $0x1;
	s8 =	sadd.s32 s21, s6  }
0xa0: {  	[timem:s10], [sflag:s22] =	dma.local [hbm:s8], s20  }
0xa1: {  	_ =	swait.ge [sflag:s22], s20  }
0xa2: {  	s7 =	ssub.s32 $0x0, s20;
	[sflag:s22] =	ssyncset.done $0x0  }
0xa3: {  	[sflag:s22] =	ssyncadd.s32 s7;
	_ =	sdelay $0x1  }
0xa4: {  	s23 =	simm.s32 $0x1B8B  }
0xa5: {  	_ =	swait.ge [sflag:s23], $0x1  }
0xa6: {  	[sflag:s23] =	ssyncset.done $0x0  }
0xa7: {  	s25 =	simm.s32 $0x1B8E;
	s24 =	sld [smem:$0x3FFE];
	[sflag:s23] =	ssyncadd.s32 $0xFFFFFFFF  }
0xa8: {  	s26 =	simm.s32 $execute0_lowered;
	[smem:$0x3FD2] =	sst s25  }
0xa9: {  	s8 =	sshll.u32 s26, $0x1;
	_ =	strace $0x80000046;
	[dreg:$0x1] =	wrdreg $0xFFFFFFFF  }
0xaa: {  	s28 =	simm.s32 $_size_execute0_lowered;
	s6 =	sadd.s32 s6, s8;
	[dreg:$0x0] =	wrdreg $0x0  }
0xab: {  	s8 =	sshll.u32 s28, $0x1;
	[dreg:$0x2] =	wrdreg s6  }
0xac: {  	[dreg:$0x3] =	wrdreg s8  }
0xad: {  	[dreg:$0x4] =	wrdreg $0xC0  }
0xae: {  	_ =	task [dreg:s10], $0x5FFFF  }
0xaf: {  	[dreg:$0x1] =	wrdreg $0xFFFFFFFF  }
0xb0: {  	[dreg:$0x0] =	wrdreg $0x60  }
0xb1: {  	[dreg:$0x2] =	wrdreg s2  }
0xb2: {  	[dreg:$0x3] =	wrdreg s24  }
0xb3: {  	[dreg:$0x4] =	wrdreg s18  }
0xb4: {  	[dreg:$0x5] =	wrdreg s4  }
0xb5: {  	[dreg:$0x6] =	wrdreg s5  }
0xb6: {  	[dreg:$0x7] =	wrdreg $0x9  }
0xb7: {  	_ =	task.clear_ibuf [dreg:s10], $0x8FFFF;
	_ =	strace $0x90000046  }
0xb8: {  	s29 =	simm.s32 $0x9;
	_ =	strace $0x80000048  }
0xb9: {  	_ =	swait.ge [sflag:s29], $0x1  }
0xba: {  	[sflag:s29] =	ssyncadd.s32 $0xFFFFFFFF  }
0xbb: {  	_ =	strace $0x90000048  }
0xbc: {  	_ =	sfence  }
0xbd: {  	s30 =	sld [smem:$0x0];
	_ =	sdelay $0x2  }
0xbe: {  	s31 =	sshll.u32 s1, $0xD;
	s1 =	sshrl.u32 s1, $0x2  }
0xbf: {  	s3 =	sand.u32 $0x4000, s31;
	s1 =	sadd.s32 s1, s30  }
0xc0: {  	s0 =	sor.u32 s3, s0;
	s1 =	sshll.u32 s1, $0x11  }
0xc1: {  	s0 =	sor.u32 s1, s0  }
0xc2: {  	s0 =	sadd.s32 $0x8F2B, s0  }
0xc3: {  	[sflag:s0] =	ssyncadd.remote.s32 $0x1  }
0xc4: {  	_ =	sfence.sel $0xFFFF  }
0xc5: {  	[dreg:$0x0] =	wrdreg $0xFFFFFFFF;
	(pc) =	sbr.abs _section_cstart, $3  }
0xc6: {  	[dreg:$0x1] =	wrdreg $0xFFFFFFFF  }
0xc7: {  	_ =	task.clear_ibuf [dreg:s10], $0x2FFFF;
	_ =	strace $0x9FFFFFFF  }
0xc8: {  	(tm) =	ssettm $0x7FFFFFFF  }
0xc9: {  	_ =	shalt  }
tec
execute0_lowered:
.L_overlay_start_1:
0x0: {  	(tag) =	ssettag $0x1  }
0x1: {  	s1 =	rddreg [dreg:$0x1]  }
0x2: {  	s4 =	rddreg [dreg:$0x3];
	s3 =	srdreg.scid  }
0x3: {  	s0 =	stileid.u32;
	s8 =	rddreg [dreg:$0x4]  }
0x4: {  	s5 =	simm.s32 $0x0;
	s2 =	simm.s32 $0x3;
	s18 =	simm.s32 $0x1  }
0x5: {  	s19 =	simm.s32 $0x10420;
	s20 =	simm.s32 $0x10430;
	s21 =	simm.s32 $0x2  }
0x6: {  	s3 =	sand.u32 $0x1, s3;
	s6 =	sshll.u32 s0, $0x1;
	[smem:$0x7FF] =	sst s5  }
0x7: {  	s7 =	sadd.s32 $0xA00, s1;
	s23 =	sadd.s32 $0x93200, s1;
	s28 =	sadd.s32 $0x17BC, s8  }
0x8: {  	s29 =	sadd.s32 $0x94BBC, s1;
	_ =	strace $0x80000047;
	[dreg:$0x6] =	wrdreg s23  }
0x9: {  	s10 =	sor.u32 s3, s6;
	s3 =	ssub.s32 $0x2, s3;
	[dreg:$0xa] =	wrdreg s28  }
0xa: {  	s30 =	sadd.s32 $0x965BC, s1;
	[dreg:$0xb] =	wrdreg s29;
	s9 =	sshrl.u32 s3, $0x1  }
0xb: {  	s6 =	smul.u32 $0x620, s10;
	p0 =	seq.s32 s10, $0x1F;
	s3 =	ssub.s32 s3, s9  }
0xc: {  	[dreg:$0xc] =	wrdreg s30;
	s0 =	simm.s32 @!p0 $0x0;
	s31 =	smax.u32 s3, $0x1  }
0xd: {  	s11 =	sshrl.u32 s6, $0x3;
	s0 =	simm.s32 @p0 $0x1;
	[dreg:$0xd] =	wrdreg s31  }
0xe: {  	s12 =	sadd.s32 s11, s1;
	s24 =	sadd.s32 s8, s11;
	[smem:$0x7FD] =	sst s0  }
0xf: {  	s13 =	smin.u32 s6, $0xBD30;
	[dreg:$0x7] =	wrdreg s24;
	s25 =	sadd.s32 $0x93400, s12  }
0x10: {  	v1 =	vimm.f32 $0.0e+00;
	v2 =	vlaneseq.u32;
	s3 =	simm.s32 $0x0;
	s26 =	sadd.s32 $0x94E00, s12;
	[dreg:$0x8] =	wrdreg s25  }
0x11: {  	vm0 =	vmmov $0x1;
	vm1 =	vcmask $0x3F3C;
	v0 =	vmov s6;
	s9 =	sadd.s32 $0x620, s13;
	[dreg:$0x9] =	wrdreg s26;
	s26 =	simm.s32 $0xC0C0  }
.LBB2_1:
0x12: {  	s0 =	rddreg [dreg:$0x6];
	s1 =	simm.s32 $0x186A0  }
0x13: {  	[tilespmem:s5], [sflag:$0x3] =	stream.linear.gather [hbm4b:s0+s5], $0x80, $0x38;
	[tilespmem:$0x10440] =	vst v63  }
0x14: {  	s1 =	sand.u32 $0x1, s1  }
0x15: {  	p1 =	por $0x0, $0x0;
	p2 =	seq.s32 s1, $0x1  }
0x16: {  	p1 =	por !p1, !p2  }
0x17: {  	s1 =	simm.s32 $0x1;
	p1 =	por !p1, !p1  }
0x18: {  	s1 =	simm.s32 @!p1 $0x0  }
0x19: {  	[dreg:$0xe] =	wrdreg s3;
	s10 =	ssub.s32 $0xC350, s1  }
0x1a: {  	_ =	swait.ge [sflag:s2], $0x80;
	s1 =	sshll.u32 s10, $0x1  }
0x1b: {  	[sflag:s2] =	ssyncset.done $0x0;
	s1 =	sand.u32 $0x1FFFFFFE, s1  }
0x1c: {  	[sflag:s2] =	ssyncadd.s32 $0xFFFFFF80;
	s1 =	sadd.s32 s4, s1  }
0x1d: {  	[tilespmem:s19], [sflag:$0x1] =	stream.linear.gather [hbm4b:s1+s5], $0x10, $0x38;
	[tilespmem:$0x10440] =	vst v63  }
0x1e: {  	_ = 	snop  }
0x1f: {  	[tilespmem:s20], [sflag:$0x2] =	stream.linear.gather [hbm4b:s1+s5], $0x10, $0x38;
	[tilespmem:$0x10440] =	vst v63  }
0x20: {  	_ =	swait.ge [sflag:s18], $0x10  }
0x21: {  	[sflag:s18] =	ssyncset.done $0x0  }
0x22: {  	[sflag:s18] =	ssyncadd.s32 $0xFFFFFFF0  }
0x23: {  	_ =	swait.ge [sflag:s21], $0x10  }
0x24: {  	[sflag:s21] =	ssyncset.done $0x0  }
0x25: {  	[sflag:s21] =	ssyncadd.s32 $0xFFFFFFF0  }
0x26: {  	v3 =	vld [tilespmem:$0x10420]  }
0x27: {  	v4 =	vld [tilespmem:$0x10430];
	_ =	sdelay $0x3  }
0x28: {  	s11 =	simm.s32 $0x186A0;
	s8 =	simm.s32 $0x10;
	s3 =	simm.s32 $0x0;
	(v2sf) =	vpush v3, $0x0  }
0x29: {  	s13 =	simm.s32 $0x186A0;
	s12 =	smov.u32 s10;
	s1 =	simm.s32 $0x0;
	(v2sf) =	vpush v4, $0x0  }
.LBB2_2:
0x2a: {  	_ =	sdelay $0xa  }
0x2b: {  	s14 =	smov.u32 s13;
	s13 =	smov.u32 s11  }
0x2c: {  	p1 =	sne.s32 s8, $0x1;
	s8 =	sadd.s32 $0xFFFFFFFF, s8  }
0x2d: {  	s22 =	spop (v2sf)  }
0x2e: {  	s11 =	sadd.s32 $0x1, s10;
	p2 =	slt.s32 s22, s6  }
0x2f: {  	s23 =	spop (v2sf);
	s3 =	smov.u32 @p2 s11;
	s11 =	smov.u32 s10  }
0x30: {  	s22 =	sadd.s32 $0x1, s12;
	p3 =	slt.s32 s23, s9;
	s11 =	smov.u32 @p2 s13  }
0x31: {  	s1 =	smov.u32 @p3 s22;
	s13 =	smov.u32 s12;
	s10 =	sadd.s32 s3, s11  }
0x32: {  	s13 =	smov.u32 @p3 s14;
	p2 =	slt.s32 s10, $0x1;
	s12 =	sand.u32 $0x1, s10  }
0x33: {  	s14 =	sadd.s32 s1, s13;
	s22 =	sshrl.u32 s10, $0x1F;
	p3 =	seq.s32 s12, $0x1  }
0x34: {  	p4 =	slt.s32 s14, $0x1;
	s12 =	sshrl.u32 s14, $0x1F;
	s23 =	sand.u32 $0x1, s14  }
0x35: {  	s10 =	sadd.s32 s22, s10;
	s22 =	simm.s32 $0x1;
	p2 =	por !p2, !p3  }
0x36: {  	p3 =	seq.s32 s23, $0x1;
	s10 =	sshra.s32 s10, $0x1;
	p2 =	por !p2, !p2  }
0x37: {  	s12 =	sadd.s32 s12, s14;
	s22 =	simm.s32 @!p2 $0x0;
	p2 =	por !p4, !p3  }
0x38: {  	s14 =	simm.s32 $0x1;
	s10 =	ssub.s32 s10, s22;
	p2 =	por !p2, !p2  }
0x39: {  	s12 =	sshra.s32 s12, $0x1;
	s14 =	simm.s32 @!p2 $0x0;
	s22 =	sshll.u32 s10, $0x1  }
0x3a: {  	s12 =	ssub.s32 s12, s14;
	s14 =	sand.u32 $0x1FFFFFFE, s22  }
0x3b: {  	s14 =	sadd.s32 s4, s14;
	s22 =	sshll.u32 s12, $0x1  }
0x3c: {  	[tilespmem:s19], [sflag:$0x1] =	stream.linear.gather [hbm4b:s14+s5], $0x10, $0x38;
	[tilespmem:$0x10440] =	vst v63  }
0x3d: {  	s14 =	sand.u32 $0x1FFFFFFE, s22  }
0x3e: {  	s14 =	sadd.s32 s4, s14  }
0x3f: {  	[tilespmem:s20], [sflag:$0x2] =	stream.linear.gather [hbm4b:s14+s5], $0x10, $0x38;
	[tilespmem:$0x10440] =	vst v63  }
0x40: {  	_ =	swait.ge [sflag:s18], $0x10  }
0x41: {  	[sflag:s18] =	ssyncset.done $0x0  }
0x42: {  	[sflag:s18] =	ssyncadd.s32 $0xFFFFFFF0  }
0x43: {  	_ =	swait.ge [sflag:s21], $0x10  }
0x44: {  	[sflag:s21] =	ssyncset.done $0x0  }
0x45: {  	[sflag:s21] =	ssyncadd.s32 $0xFFFFFFF0  }
0x46: {  	v3 =	vld [tilespmem:$0x10420]  }
0x47: {  	v4 =	vld [tilespmem:$0x10430]  }
.Ltmp0:
0x48: {  	(pc) =	sbr.rel @p1 .LBB2_2-.Ltmp0, $3  }
0x49: {  	_ =	sdelay $0x1  }
0x4a: {  	(v2sf) =	vpush v3, $0x0  }
0x4b: {  	(v2sf) =	vpush v4, $0x0  }
0x4c: {  	_ =	sdelay $0xc  }
0x4d: {  	s8 =	spop (v2sf)  }
0x4e: {  	s10 =	sadd.s32 $0x1, s10;
	p1 =	slt.s32 s8, s6  }
0x4f: {  	s3 =	smov.u32 @p1 s10  }
0x50: {  	p1 =	sgt.s32 s3, $0x1;
	s8 =	smov.u32 s3  }
0x51: {  	s8 =	simm.s32 @!p1 $0x1  }
0x52: {  	s28 =	spop (v2sf);
	s8 =	sshll.u32 s8, $0x4  }
0x53: {  	p1 =	slt.s32 s28, s9;
	s11 =	sadd.s32 $0xFFFFFFF0, s8;
	s8 =	sadd.s32 $0x1, s12  }
0x54: {  	s31 =	simm.s32 $0x0;
	s29 =	sshrl.u32 s11, $0x3;
	s1 =	smov.u32 @p1 s8  }
0x55: {  	s30 =	sadd.s32 s4, s29;
	p1 =	sgt.s32 s1, $0x1;
	s8 =	smov.u32 s1  }
0x56: {  	[tilespmem:s19], [sflag:$0x3] =	stream.linear.gather [hbm4b:s30+s31], $0x10, $0x38;
	[tilespmem:$0x10440] =	vst v63  }
0x57: {  	s8 =	simm.s32 @!p1 $0x1  }
0x58: {  	s8 =	sshll.u32 s8, $0x4  }
0x59: {  	_ =	swait.ge [sflag:s2], $0x10;
	s0 =	sadd.s32 $0xFFFFFFF0, s8  }
0x5a: {  	[sflag:s2] =	ssyncset.done $0x0;
	s8 =	sshrl.u32 s0, $0x3  }
0x5b: {  	[sflag:s2] =	ssyncadd.s32 $0xFFFFFFF0;
	[dreg:$0xf] =	wrdreg s0;
	s8 =	sadd.s32 s4, s8  }
0x5c: {  	v4 =	vld [tilespmem:$0x10420];
	[tilespmem:s20], [sflag:$0x3] =	stream.linear.gather [hbm4b:s8+s31], $0x10, $0x38  }
0x5d: {  	_ =	swait.ge [sflag:s2], $0x10  }
0x5e: {  	[sflag:s2] =	ssyncset.done $0x0  }
0x5f: {  	[sflag:s2] =	ssyncadd.s32 $0xFFFFFFF0  }
0x60: {  	s12 =	simm.s32 $0x40;
	s8 =	simm.s32 $0x0;
	v3 =	vld [tilespmem:$0x10430]  }
.LBB2_4:
0x61: {  	p1 =	sne.s32 s12, $0xC3C0;
	[tilespmem:s8+$0xC0C0] =	vst v1;
	s8 =	smov.u32 s12;
	s12 =	sadd.s32 $0x40, s12  }
.Ltmp1:
0x62: {  	(pc) =	sbr.rel @p1 .LBB2_4-.Ltmp1, $2  }
0x63: {  	_ =	sdelay $0x2  }
0x64: {  	s8 =	sshra.s32 s8, $0x2  }
0x65: {  	(v2sf) =	vpush v4, $0x0  }
0x66: {  	(v2sf) =	vpush v4, $0x1  }
0x67: {  	(v2sf) =	vpush v4, $0x2  }
0x68: {  	(v2sf) =	vpush v4, $0x3;
	_ =	sdelay $0x1  }
0x69: {  	(v2sf) =	vpush v4, $0x4;
	_ =	sdelay $0x1  }
0x6a: {  	(v2sf) =	vpush v4, $0x5;
	_ =	sdelay $0x1  }
0x6b: {  	(v2sf) =	vpush v4, $0x6  }
0x6c: {  	(v2sf) =	vpush v4, $0x7;
	_ =	sdelay $0x1  }
0x6d: {  	(v2sf) =	vpush v4, $0x8;
	_ =	sdelay $0x1  }
0x6e: {  	(v2sf) =	vpush v4, $0x9  }
0x6f: {  	(v2sf) =	vpush v4, $0xA;
	s12 =	spop (v2sf)  }
0x70: {  	s30 =	simm.s32 $0x1;
	s13 =	spop (v2sf)  }
0x71: {  	s16 =	simm.s32 $0x1;
	(v2sf) =	vpush v4, $0xB;
	p1 =	slt.s32 s12, s6;
	s14 =	spop (v2sf)  }
0x72: {  	s30 =	simm.s32 @!p1 $0x0;
	p1 =	slt.s32 s13, s6;
	s22 =	spop (v2sf)  }
0x73: {  	(v2sf) =	vpush v4, $0xC;
	s16 =	simm.s32 @!p1 $0x0;
	p1 =	slt.s32 s14, s6;
	s14 =	simm.s32 $0x1  }
0x74: {  	(v2sf) =	vpush v4, $0xD;
	s23 =	spop (v2sf);
	s14 =	simm.s32 @!p1 $0x0  }
0x75: {  	(v2sf) =	vpush v4, $0xE;
	p1 =	slt.s32 s22, s6;
	s22 =	simm.s32 $0x1;
	s11 =	sor.u32 s16, s11  }
0x76: {  	s24 =	spop (v2sf);
	p2 =	slt.s32 s23, s6;
	s23 =	simm.s32 $0x1  }
0x77: {  	(v2sf) =	vpush v4, $0xF;
	s22 =	simm.s32 @!p1 $0x0;
	s11 =	sadd.s32 s30, s11;
	s30 =	simm.s32 $0x1  }
0x78: {  	s25 =	spop (v2sf);
	s23 =	simm.s32 @!p2 $0x0;
	p1 =	slt.s32 s24, s6  }
0x79: {  	(v2sf) =	vpush v3, $0x0;
	s24 =	simm.s32 $0x1;
	s11 =	sadd.s32 s14, s11;
	s29 =	spop (v2sf)  }
0x7a: {  	(v2sf) =	vpush v3, $0x1;
	p2 =	slt.s32 s25, s6;
	s24 =	simm.s32 @!p1 $0x0;
	s25 =	simm.s32 $0x1  }
0x7b: {  	(v2sf) =	vpush v3, $0x2;
	s11 =	sadd.s32 s22, s11;
	s31 =	spop (v2sf);
	p1 =	slt.s32 s29, s6  }
0x7c: {  	(v2sf) =	vpush v3, $0x3;
	s25 =	simm.s32 @!p2 $0x0;
	s29 =	simm.s32 $0x1;
	s11 =	sadd.s32 s23, s11  }
0x7d: {  	(v2sf) =	vpush v3, $0x4;
	s23 =	simm.s32 $0x1;
	s15 =	spop (v2sf);
	p3 =	slt.s32 s31, s6  }
0x7e: {  	s29 =	simm.s32 @!p1 $0x0;
	s11 =	sadd.s32 s24, s11;
	s17 =	spop (v2sf)  }
0x7f: {  	(v2sf) =	vpush v3, $0x5;
	p2 =	slt.s32 s15, s6;
	s15 =	simm.s32 $0x1;
	s11 =	sadd.s32 s25, s11  }
0x80: {  	s28 =	spop (v2sf);
	s15 =	simm.s32 @!p3 $0x0;
	p3 =	slt.s32 s17, s6  }
0x81: {  	(v2sf) =	vpush v3, $0x6;
	s30 =	simm.s32 @!p2 $0x0;
	s11 =	sadd.s32 s29, s11;
	s29 =	simm.s32 $0x1  }
0x82: {  	s0 =	spop (v2sf);
	p1 =	slt.s32 s28, s6;
	s23 =	simm.s32 @!p3 $0x0  }
0x83: {  	(v2sf) =	vpush v3, $0x7;
	s11 =	sadd.s32 s15, s11;
	s2 =	spop (v2sf);
	p2 =	slt.s32 s0, s6  }
0x84: {  	(v2sf) =	vpush v3, $0x8;
	s29 =	simm.s32 @!p1 $0x0;
	s11 =	sadd.s32 s30, s11;
	s10 =	spop (v2sf)  }
0x85: {  	p3 =	slt.s32 s2, s6;
	s11 =	sadd.s32 s23, s11;
	s23 =	simm.s32 $0x1  }
0x86: {  	(v2sf) =	vpush v3, $0x9;
	s13 =	spop (v2sf);
	p1 =	slt.s32 s10, s6;
	s10 =	simm.s32 $0x1  }
0x87: {  	(v2sf) =	vpush v3, $0xA;
	s11 =	sadd.s32 s29, s11;
	s29 =	simm.s32 $0x1;
	s23 =	simm.s32 @!p3 $0x0  }
0x88: {  	s12 =	spop (v2sf);
	s10 =	simm.s32 @!p2 $0x0;
	s29 =	simm.s32 @!p1 $0x0  }
0x89: {  	p1 =	slt.s32 s13, s6;
	s17 =	spop (v2sf);
	s10 =	sadd.s32 s10, s11  }
0x8a: {  	s11 =	simm.s32 $0x1;
	s16 =	spop (v2sf);
	s10 =	sadd.s32 s23, s10  }
0x8b: {  	s11 =	simm.s32 @!p1 $0x0;
	p1 =	seq.s32 s3, $0x0;
	s28 =	spop (v2sf)  }
0x8c: {  	s3 =	simm.s32 $0x1;
	s10 =	sadd.s32 s29, s10;
	s14 =	spop (v2sf)  }
0x8d: {  	s29 =	sadd.s32 s11, s10;
	s10 =	simm.s32 $0x1;
	s11 =	simm.s32 $0x1  }
0x8e: {  	(v2sf) =	vpush v3, $0xB;
	s0 =	spop (v2sf);
	s29 =	simm.s32 @p1 $0x0;
	p1 =	slt.s32 s12, s9  }
0x8f: {  	(v2sf) =	vpush v3, $0xC;
	s12 =	simm.s32 $0x1;
	p2 =	slt.s32 s14, s9;
	s14 =	simm.s32 $0x1  }
0x90: {  	s22 =	spop (v2sf);
	s3 =	simm.s32 @!p1 $0x0;
	p1 =	slt.s32 s17, s9  }
0x91: {  	(v2sf) =	vpush v3, $0xD;
	s14 =	simm.s32 @!p2 $0x0;
	s17 =	simm.s32 $0x1;
	p6 =	slt.s32 s29, $0x1  }
0x92: {  	(v2sf) =	vpush v3, $0xE;
	s24 =	spop (v2sf);
	s10 =	simm.s32 @!p1 $0x0;
	p1 =	slt.s32 s16, s9  }
0x93: {  	p2 =	slt.s32 s22, s9;
	s22 =	simm.s32 $0x1;
	s2 =	spop (v2sf)  }
0x94: {  	s11 =	simm.s32 @!p1 $0x0;
	p1 =	slt.s32 s28, s9;
	s17 =	simm.s32 @!p2 $0x0  }
0x95: {  	s28 =	rddreg [dreg:$0xf];
	s25 =	spop (v2sf);
	s12 =	simm.s32 @!p1 $0x0  }
0x96: {  	p1 =	slt.s32 s0, s9;
	s0 =	simm.s32 $0x1;
	s15 =	spop (v2sf);
	(v2sf) =	vpush v3, $0xF  }
0x97: {  	s10 =	sor.u32 s10, s28;
	p2 =	slt.s32 s2, s9;
	s2 =	simm.s32 $0x1  }
0x98: {  	s0 =	simm.s32 @!p1 $0x0;
	p1 =	slt.s32 s24, s9;
	s3 =	sadd.s32 s3, s10  }
0x99: {  	s2 =	simm.s32 @!p2 $0x0;
	s10 =	simm.s32 $0x1;
	s3 =	sadd.s32 s11, s3  }
0x9a: {  	s22 =	simm.s32 @!p1 $0x0;
	p1 =	slt.s32 s25, s9;
	s3 =	sadd.s32 s12, s3  }
0x9b: {  	s11 =	simm.s32 $0x1;
	s10 =	simm.s32 @!p1 $0x0;
	s3 =	sadd.s32 s14, s3  }
0x9c: {  	s12 =	simm.s32 $0x1;
	s14 =	sshra.s32 s29, $0x1F;
	s0 =	sadd.s32 s0, s3  }
0x9d: {  	s3 =	simm.s32 $0x1;
	s30 =	spop (v2sf);
	p2 =	slt.s32 s15, s9  }
0x9e: {  	s0 =	sadd.s32 s17, s0;
	s15 =	sshrl.u32 s14, $0x19;
	s13 =	spop (v2sf)  }
0x9f: {  	s11 =	simm.s32 @!p2 $0x0;
	p1 =	slt.s32 s30, s9;
	s0 =	sadd.s32 s22, s0  }
0xa0: {  	s23 =	spop (v2sf);
	p2 =	slt.s32 s13, s9;
	s3 =	simm.s32 @!p1 $0x0  }
0xa1: {  	s0 =	sadd.s32 s2, s0;
	s2 =	simm.s32 $0x1;
	s16 =	spop (v2sf)  }
0xa2: {  	s12 =	simm.s32 @!p2 $0x0;
	p1 =	slt.s32 s23, s9;
	s0 =	sadd.s32 s10, s0  }
0xa3: {  	s10 =	simm.s32 $0x1;
	s2 =	simm.s32 @!p1 $0x0;
	s0 =	sadd.s32 s11, s0  }
0xa4: {  	p1 =	slt.s32 s16, s9;
	s16 =	sand.u32 $0x7F, s29;
	s0 =	sadd.s32 s3, s0  }
0xa5: {  	s3 =	simm.s32 $0x1;
	s0 =	sadd.s32 s12, s0;
	s13 =	spop (v2sf)  }
0xa6: {  	s10 =	simm.s32 @!p1 $0x0;
	s0 =	sadd.s32 s2, s0;
	p2 =	slt.s32 s13, s9  }
0xa7: {  	p1 =	seq.s32 s1, $0x0;
	s0 =	sadd.s32 s10, s0;
	s3 =	simm.s32 @!p2 $0x0  }
0xa8: {  	p0 =	sne.s32 s16, $0x0;
	s1 =	simm.s32 $0x1;
	s30 =	sadd.s32 s3, s0  }
0xa9: {  	p4 =	por !p6, !p0;
	s0 =	sadd.s32 s15, s29;
	s30 =	simm.s32 @p1 $0x0  }
0xaa: {  	s2 =	simm.s32 $0x1;
	s0 =	sshra.s32 s0, $0x7;
	s17 =	sadd.s32 $0x7F, s30  }
0xab: {  	p1 =	por !p4, !p4;
	s22 =	sshra.s32 s17, $0x1F;
	s23 =	sand.u32 $0x7F, s17  }
0xac: {  	p5 =	slt.s32 s17, $0x1;
	s3 =	sshrl.u32 s22, $0x19;
	p6 =	sne.s32 s23, $0x0  }
0xad: {  	s1 =	simm.s32 @!p1 $0x0;
	s24 =	sadd.s32 s3, s17;
	p1 =	por !p5, !p6  }
0xae: {  	s1 =	ssub.s32 s0, s1;
	s0 =	sshrl.u32 s24, $0x7;
	p1 =	por !p1, !p1  }
0xaf: {  	s0 =	ssub.s32 s0, s1;
	s2 =	simm.s32 @!p1 $0x0  }
0xb0: {  	s0 =	ssub.s32 s0, s2  }
0xb1: {  	s0 =	sshll.u32 s0, $0x7  }
0xb2: {  	s0 =	sadd.s32 $0xFFF, s0  }
0xb3: {  	s25 =	sshra.s32 s0, $0x1F  }
0xb4: {  	s28 =	sshrl.u32 s25, $0x14  }
0xb5: {  	s0 =	sadd.s32 s28, s0  }
0xb6: {  	s0 =	sshra.s32 s0, $0xC  }
0xb7: {  	s31 =	sadd.s32 s25, s0  }
0xb8: {  	p1 =	sgt.s32 s31, $0x0  }
.Ltmp2:
0xb9: {  	_ = 	snop;
	(pc) =	sbr.rel @!p1 .LBB2_6-.Ltmp2, $3  }
0xba: {  	_ =	sdelay $0x1  }
0xbb: {  	s16 =	rddreg [dreg:$0x2]  }
0xbc: {  	[tilespmem:s8+$0xC0C0] =	vst v1;
	s15 =	rddreg [dreg:$0x0]  }
0xbd: {  	s25 =	sshll.u32 s1, $0x7  }
0xbe: {  	p1 =	slt.s32 s25, $0x185A00;
	s0 =	smov.u32 s25  }
0xbf: {  	s0 =	simm.s32 @!p1 $0x185A00  }
0xc0: {  	s1 =	simm.s32 $0x0;
	s2 =	sshrl.u32 s0, $0x3  }
0xc1: {  	s8 =	simm.s32 $0x80;
	s0 =	smul.u32 $0x3, s0;
	s3 =	sadd.s32 s15, s2  }
0xc2: {  	[tilespmem:s8], [sflag:$0x1] =	stream.linear.gather [hbm4b:s3+s1], $0x1000, $0x38;
	[tilespmem:$0x10440] =	vst v63  }
0xc3: {  	s0 =	sshrl.u32 s0, $0x3  }
0xc4: {  	s17 =	simm.s32 $0x2080;
	s23 =	simm.s32 $0x8080;
	s0 =	sadd.s32 s7, s0  }
0xc5: {  	[tilespmem:s17], [sflag:$0x1] =	stream.linear.gather [hbm4b:s0+s1], $0x3000, $0x38;
	[tilespmem:$0x10440] =	vst v63  }
0xc6: {  	s28 =	simm.s32 $0xA090;
	p1 =	por $0x0, $0x0;
	s22 =	sadd.s32 s16, s2  }
0xc7: {  	[tilespmem:s23], [sflag:$0x1] =	stream.linear.gather [hbm4b:s22+s1], $0x1000, $0x38;
	[tilespmem:$0x10440] =	vst v63  }
0xc8: {  	s24 =	sadd.s32 s4, s2;
	s22 =	smov.u32 s25;
	s23 =	simm.s32 $0x0  }
0xc9: {  	[tilespmem:s28], [sflag:$0x1] =	stream.linear.gather [hbm4b:s24+s1], $0x1000, $0x38;
	[tilespmem:$0x10440] =	vst v63  }
.LBB2_12:
0xca: {  	s8 =	sand.u32 $0x1, s23  }
0xcb: {  	p3 =	seq.s32 s8, $0x1  }
0xcc: {  	s0 =	simm.s32 @!p3 $0x1  }
0xcd: {  	_ =	swait.ge @!p3 [sflag:s0], $0x1000  }
0xce: {  	[sflag:s0] =	ssyncset.done @!p3 $0x0  }
0xcf: {  	[sflag:s0] =	ssyncadd.s32 @!p3 $0xFFFFF000  }
0xd0: {  	_ =	swait.ge @!p3 [sflag:s0], $0x3000  }
0xd1: {  	[sflag:s0] =	ssyncset.done @!p3 $0x0  }
0xd2: {  	[sflag:s0] =	ssyncadd.s32 @!p3 $0xFFFFD000  }
0xd3: {  	_ =	swait.ge @!p3 [sflag:s0], $0x1000  }
0xd4: {  	[sflag:s0] =	ssyncset.done @!p3 $0x0  }
0xd5: {  	[sflag:s0] =	ssyncadd.s32 @!p3 $0xFFFFF000  }
0xd6: {  	_ =	swait.ge @!p3 [sflag:s0], $0x1000  }
0xd7: {  	p2 =	seq.s32 s8, $0x0;
	[sflag:s0] =	ssyncset.done @!p3 $0x0  }
0xd8: {  	[sflag:s0] =	ssyncadd.s32 @!p3 $0xFFFFF000;
	s0 =	simm.s32 @!p2 $0x2  }
0xd9: {  	s3 =	smov.u32 s23;
	s23 =	sadd.s32 $0x1, s23;
	_ =	swait.ge @!p2 [sflag:s0], $0x1000  }
0xda: {  	p4 =	sge.s32 s23, s31;
	[sflag:s0] =	ssyncset.done @!p2 $0x0  }
0xdb: {  	p6 =	sne.s32 @!p4 s8, $0x0;
	[sflag:s0] =	ssyncadd.s32 @!p2 $0xFFFFF000  }
0xdc: {  	p5 =	por p6, p4;
	_ =	swait.ge @!p2 [sflag:s0], $0x3000  }
0xdd: {  	s2 =	sshll.u32 @!p5 s23, $0xC;
	[sflag:s0] =	ssyncset.done @!p2 $0x0  }
0xde: {  	s2 =	sadd.s32 @!p5 s25, s2;
	[sflag:s0] =	ssyncadd.s32 @!p2 $0xFFFFD000  }
0xdf: {  	p0 =	slt.s32 @!p5 s2, $0x185A00;
	_ =	swait.ge @!p2 [sflag:s0], $0x1000  }
0xe0: {  	p0 =	por @!p4 !p0, p6;
	[sflag:s0] =	ssyncset.done @!p2 $0x0  }
0xe1: {  	p0 =	por !p0, p4;
	[sflag:s0] =	ssyncadd.s32 @!p2 $0xFFFFF000  }
0xe2: {  	s11 =	simm.s32 @!p5 $0x0;
	s2 =	simm.s32 @!p0 $0x185A00;
	_ =	swait.ge @!p2 [sflag:s0], $0x1000  }
0xe3: {  	s12 =	simm.s32 @!p5 $0x1080;
	s10 =	sshrl.u32 @!p5 s2, $0x3;
	[sflag:s0] =	ssyncset.done @!p2 $0x0  }
0xe4: {  	s2 =	smul.u32 @!p5 $0x3, s2;
	[sflag:s0] =	ssyncadd.s32 @!p2 $0xFFFFF000;
	s0 =	sadd.s32 @!p5 s15, s10  }
0xe5: {  	[tilespmem:s12], [sflag:$0x2] =	stream.linear.gather @!p5 [hbm4b:s0+s11], $0x1000, $0x38;
	[tilespmem:$0x10440] =	vst v63  }
0xe6: {  	s0 =	sshrl.u32 @!p5 s2, $0x3  }
0xe7: {  	s2 =	simm.s32 @!p5 $0x5080;
	s0 =	sadd.s32 @!p5 s7, s0  }
0xe8: {  	[tilespmem:s2], [sflag:$0x2] =	stream.linear.gather @!p5 [hbm4b:s0+s11], $0x3000, $0x38;
	[tilespmem:$0x10440] =	vst v63  }
0xe9: {  	p6 =	por !p3, !p3;
	s0 =	sadd.s32 @!p5 s16, s10;
	s2 =	simm.s32 @!p5 $0x9080  }
0xea: {  	[tilespmem:s2], [sflag:$0x2] =	stream.linear.gather @!p5 [hbm4b:s0+s11], $0x1000, $0x38;
	[tilespmem:$0x10440] =	vst v63  }
0xeb: {  	p3 =	por p4, p6;
	s0 =	sadd.s32 @!p5 s4, s10;
	s2 =	simm.s32 @!p5 $0xB0B0  }
0xec: {  	[tilespmem:s2], [sflag:$0x2] =	stream.linear.gather @!p5 [hbm4b:s0+s11], $0x1000, $0x38;
	[tilespmem:$0x10440] =	vst v63  }
0xed: {  	s0 =	sshll.u32 @!p3 s23, $0xC  }
0xee: {  	s0 =	sadd.s32 @!p3 s25, s0  }
0xef: {  	p0 =	slt.s32 @!p3 s0, $0x185A00  }
0xf0: {  	p0 =	por !p0, p3  }
0xf1: {  	s0 =	simm.s32 @p0 $0x185A00  }
0xf2: {  	s12 =	simm.s32 @!p3 $0x80;
	s2 =	sshrl.u32 @!p3 s0, $0x3  }
0xf3: {  	s11 =	simm.s32 @!p3 $0x0;
	s0 =	smul.u32 @!p3 $0x3, s0;
	s10 =	sadd.s32 @!p3 s15, s2  }
0xf4: {  	[tilespmem:s12], [sflag:$0x1] =	stream.linear.gather @!p3 [hbm4b:s10+s11], $0x1000, $0x38;
	[tilespmem:$0x10440] =	vst v63  }
0xf5: {  	s0 =	sshrl.u32 @!p3 s0, $0x3  }
0xf6: {  	s14 =	simm.s32 $0x0;
	s10 =	simm.s32 @!p3 $0x2080;
	s0 =	sadd.s32 @!p3 s7, s0  }
0xf7: {  	[tilespmem:s10], [sflag:$0x1] =	stream.linear.gather @!p3 [hbm4b:s0+s11], $0x3000, $0x38;
	[tilespmem:$0x10440] =	vst v63  }
0xf8: {  	s13 =	smul.u32 $0xC000, s8;
	s0 =	sadd.s32 @!p3 s16, s2;
	s10 =	simm.s32 @!p3 $0x8080  }
0xf9: {  	[tilespmem:s10], [sflag:$0x1] =	stream.linear.gather @!p3 [hbm4b:s0+s11], $0x1000, $0x38;
	[tilespmem:$0x10440] =	vst v63  }
0xfa: {  	s17 =	smul.u32 $0x600, s14;
	s0 =	simm.s32 $0x1  }
0xfb: {  	s2 =	sadd.s32 @!p3 s4, s2;
	s10 =	simm.s32 @!p3 $0xA090;
	s0 =	simm.s32 @!p1 $0x0  }
0xfc: {  	[tilespmem:s10], [sflag:$0x1] =	stream.linear.gather @!p3 [hbm4b:s2+s11], $0x1000, $0x38;
	[tilespmem:$0x10440] =	vst v63  }
0xfd: {  	s3 =	sshll.u32 s3, $0xC;
	s0 =	sshll.u32 s0, $0xC;
	s2 =	sshrl.u32 s13, $0x2  }
0xfe: {  	s10 =	sshra.s32 s17, $0x2;
	s28 =	sor.u32 $0x8090, s0;
	s24 =	sadd.s32 $0x2080, s2  }
0xff: {  	p0 =	slt.s32 s22, $0x185A00;
	s11 =	sand.u32 $0x60, s1;
	v5 =	vld [tilespmem:s28+$0xFFFFFFF0];
	s2 =	sadd.s32 s10, s24  }
0x100: {  	s12 =	sadd.s32 s25, s3;
	s3 =	smov.u32 s22;
	v8 =	vld [tilespmem:s28+$0x0];
	s10 =	sadd.s32 s11, s2  }
0x101: {  	s3 =	simm.s32 @!p0 $0x185A00;
	s11 =	sor.u32 $0x90, s0;
	s0 =	sadd.s32 $0x1000, s12;
	v6 =	vld [tilespmem:s10+$0x80]  }
0x102: {  	s14 =	sadd.s32 $0x0, s3;
	p3 =	sgt.s32 s29, s12;
	p0 =	slt.s32 s30, s0;
	v9 =	vld [tilespmem:s11+$0xFFFFFFF0]  }
0x103: {  	s13 =	simm.s32 $0x10;
	s12 =	smov.u32 @p3 s29;
	v7 =	vld [tilespmem:s10+$0x0];
	s0 =	smov.u32 @p0 s30  }
0x104: {  	v11 =	vor.u32 s14, v2;
	v10 =	vld [tilespmem:s11+$0x0];
	v3 =	vmov s12;
	s12 =	sand.u32 $0x70, s13;
	v4 =	vmov s0  }
0x105: {  	vm2 =	vge.s32 v11, v3;
	s0 =	sadd.s32 s12, s2;
	vm3 =	vlt.s32 v11, v4;
	v11 =	vld [tilespmem:s10+$0x100]  }
0x106: {  	s13 =	sadd.s32 $0x10, s14;
	v12 =	vld [tilespmem:s0+$0x80];
	vm2 =	vmand vm2, vm3  }
0x107: {  	v14 =	vor.u32 s13, v2;
	v13 =	vld [tilespmem:s0+$0x0];
	v9 =	vnsel vm2, $0x0, v9  }
0x108: {  	vm4 =	vlt.s32 v14, v4;
	s10 =	simm.s32 $0xA09F;
	vm3 =	vge.s32 v14, v3;
	v5 =	vld.idx.msk [tilespmem:v5+s5+$0x0], $0xffff;
	v14 =	vmul.f32 v6, v9  }
0x109: {  	v15 =	vld [tilespmem:s0+$0x100];
	s10 =	simm.s32 @!p2 $0xB0BF;
	(xrf2) =	vadd.scan.msk.f32 $0xffff, v9  }
0x10a: {  	v20 =	vld [tilespmem:s10+$0xFFFFFFF1];
	(xrf2) =	vadd.scan.msk.f32 $0xffff, v14  }
0x10b: {  	v24 =	vld [tilespmem:s10+$0xFFFFFFF0]  }
0x10c: {  	v25 =	vld [tilespmem:s10+$0xFFFFFFF2]  }
0x10d: {  	vm3 =	vmand vm3, vm4;
	v19 =	vnsel vm2, $0x0, v5;
	v5 =	vld.idx.msk [tilespmem:v8+s5+$0x0], $0xffff  }
0x10e: {  	v18 =	vmul.f32 v7, v9;
	v16 =	vnsel vm3, $0x0, v10  }
0x10f: {  	v10 =	vmul.f32 v13, v16;
	v17 =	vmul.f32 v11, v19  }
0x110: {  	v22 =	vmul.f32 v15, v16;
	(xrf2) =	vadd.scan.msk.f32 $0xffff, v18;
	v8 =	vmul.f32 v12, v16  }
0x111: {  	v26 =	vld [tilespmem:s10+$0x0];
	v27 =	vmul.f32 v11, v9;
	vm5 =	vne.s32 v20, v25;
	vm2 =	vne.s32 v20, v24;
	(xrf2) =	vadd.scan.msk.f32 $0xffff, v17  }
0x112: {  	vm5 =	vmor vm5, vm1;
	v7 =	vmul.f32 v7, v19;
	(xrf2) =	vadd.scan.msk.f32 $0xffff, v8;
	v28 =	vnsel vm3, $0x0, v5;
	v5 =	vld [tilespmem:s10+$0x1]  }
0x113: {  	v24 =	vld [tilespmem:s10+$0x2];
	v11 =	vsub.s32 v20, v0;
	v33 =	vmul.f32 v6, v19;
	(xrf2) =	vadd.scan.msk.f32 $0xffff, v10;
	v23 =	vmul.f32 v13, v28;
	v13, _, _ =	vpop (xrf2)  }
0x114: {  	vm2 =	vmor vm2, vm0;
	vm3 =	vgt.s32 v11, $0x0;
	(xrf2) =	vadd.scan.msk.f32 $0xffff, v22;
	v9 =	vsub.f32 v13, v9;
	v29, _, _ =	vpop (xrf2)  }
0x115: {  	v12 =	vmul.f32 v12, v28;
	v6 =	vnsel vm3, $0x0, v11;
	v11 =	vsub.f32 v29, v14  }
0x116: {  	(xrf2) =	vadd.scan.msk.f32 $0xffff, v7;
	v6 =	vmin.u32 v6, $0x61F;
	v13 =	vnsel vm5, $0x0, v13;
	v9 =	vnsel vm2, $0x0, v9  }
0x117: {  	(xrf2) =	vadd.scan.msk.f32 $0xffff, v12;
	v14 =	vsub.s32 v5, v0;
	v11 =	vnsel vm2, $0x0, v11;
	vm6 =	vne.s32 v5, v26  }
0x118: {  	vm4 =	vne.s32 v5, v24;
	v26 =	vshll.u32 v6, $0x3;
	v6 =	vnsel vm5, $0x0, v29  }
0x119: {  	vm3 =	vgt.s32 v14, $0x0;
	vm6 =	vmor vm6, vm0;
	v34 =	vor.u32 $0x1, v26  }
0x11a: {  	v40, _, _ =	vpop (xrf2);
	v6 =	vsub.f32 v6, v11;
	v35 =	vor.u32 $0x2, v26;
	v47 =	vor.u32 $0x3, v26  }
0x11b: {  	(xrf2) =	vadd.scan.msk.f32 $0xffff, v19;
	vm7 =	vmor vm4, vm1;
	v14 =	vnsel vm3, $0x0, v14;
	vm3 =	vmmov vm2;
	v37, _, _ =	vpop (xrf2)  }
0x11c: {  	(xrf2) =	vadd.scan.msk.f32 $0xffff, v33;
	vm4 =	vmor vm6, vm7;
	v14 =	vmin.u32 v14, $0x61F;
	vm2 =	vmor vm3, vm5;
	v31, _, _ =	vpop (xrf2)  }
0x11d: {  	vm2 =	vmmov vm2;
	v11 =	vsub.f32 v37, v17;
	v36 =	vshll.u32 v14, $0x3;
	v38, _, _ =	vpop (xrf2)  }
0x11e: {  	s14 =	simm.s32 $0x0;
	s12 =	sadd.s32 $0x20, s28;
	v14 =	vnsel vm5, $0x0, v37;
	v32 =	vsub.f32 v31, v8;
	v42 =	vor.u32 $0x3, v36;
	v30, _, _ =	vpop (xrf2)  }
0x11f: {  	s0 =	smul.u32 $0x600, s14;
	v41 =	vld [tilespmem:s12+$0xFFFFFFF0];
	v17 =	vor.u32 $0x6, v36;
	v5 =	vsub.f32 v30, v22;
	v22 =	vmul.f32 v15, v28  }
0x120: {  	(xrf2) =	vadd.scan.msk.f32 $0xffff, v28;
	v21 =	vor.u32 $0x5, v36;
	v46 =	vor.u32 $0x2, v36;
	v48 =	vor.u32 $0x1, v36;
	v8, _, _ =	vpop (xrf2)  }
0x121: {  	s8 =	simm.s32 $0x20;
	s0 =	sshra.s32 s0, $0x2;
	v29 =	vld [tilespmem:s12+$0x0];
	v55 =	vor.u32 $0x4, v36;
	v25 =	vsub.f32 v38, v10;
	v11 =	vnsel vm3, $0x0, v11;
	v24, _, _ =	vpop (xrf2);
	(xrf2) =	vadd.scan.msk.f32 $0xffff, v22  }
0x122: {  	s17 =	sand.u32 $0x60, s8;
	s0 =	sadd.s32 s0, s24;
	v15 =	vnsel vm5, $0x0, v8;
	v20 =	vsub.f32 v8, v7;
	v12 =	vsub.f32 v24, v12;
	(xrf2) =	vadd.scan.msk.f32 $0xffff, v16  }
0x123: {  	s2 =	sadd.s32 s17, s0;
	v38 =	vnsel vm7, $0x0, v38;
	v37 =	vsub.f32 v14, v11;
	v14 =	vor.u32 $0x4, v26  }
0x124: {  	v43 =	vld [tilespmem:s2+$0x80];
	v20 =	vnsel vm3, $0x0, v20;
	v11 =	vnsel vm6, $0x0, v12;
	v12 =	vsub.f32 v40, v18  }
0x125: {  	s28 =	simm.s32 $0x30;
	s17 =	sadd.s32 $0x20, s11;
	v44 =	vld [tilespmem:s2+$0x0];
	v32 =	vnsel vm6, $0x0, v32;
	v39 =	vsub.f32 v15, v20;
	v15, _, _ =	vpop (xrf2);
	v20 =	vsub.f32 v13, v9  }
0x126: {  	s13 =	sand.u32 $0x70, s28;
	s28 =	sadd.s32 $0x20, s3;
	v49 =	vld [tilespmem:s17+$0xFFFFFFF0];
	v9 =	vnsel vm5, $0x0, v40;
	v13, _, _ =	vpop (xrf2);
	v50 =	vnsel vm5, $0x0, v15;
	v51 =	vsub.f32 v15, v19;
	(xrf2) =	vadd.scan.msk.f32 $0xffff, v27  }
0x127: {  	s13 =	sadd.s32 s13, s0;
	s0 =	sadd.s32 $0x10, s28;
	v19 =	vld.idx.msk [tilespmem:v41+s5+$0x0], $0xffff;
	v12 =	vnsel vm3, $0x0, v12;
	v52 =	vnsel vm5, $0x0, v13;
	(xrf2) =	vadd.scan.msk.f32 $0xffff, v23;
	v54 =	vsub.f32 v13, v33  }
0x128: {  	v40 =	vld [tilespmem:s13+$0x0];
	v13 =	vor.u32 s0, v2;
	v18 =	vsub.f32 v9, v12;
	v12 =	vor.u32 s28, v2  }
0x129: {  	v15 =	vld.idx.msk [tilespmem:v29+s5+$0x0], $0xffff;
	v9 =	vnsel vm7, $0x0, v24;
	vm8 =	vge.s32 v12, v3;
	vm9 =	vlt.s32 v12, v4  }
0x12a: {  	vm10 =	vlt.s32 v13, v4;
	v53 =	vsub.f32 v9, v11;
	v9 =	vld [tilespmem:s17+$0x0];
	v11, _, _ =	vpop (xrf2);
	vm8 =	vmand vm8, vm9  }
0x12b: {  	v24 =	vsub.f32 v11, v28;
	vm9 =	vge.s32 v13, v3;
	v49 =	vnsel vm8, $0x0, v49;
	v41, _, _ =	vpop (xrf2)  }
0x12c: {  	v13 =	vnsel vm7, $0x0, v11;
	vm9 =	vmand vm9, vm10;
	v19 =	vnsel vm8, $0x0, v19;
	(xrf2) =	vadd.scan.msk.f32 $0xffff, v49;
	v28, _, _ =	vpop (xrf2)  }
0x12d: {  	v12 =	vmul.f32 v44, v49;
	v24 =	vnsel vm6, $0x0, v24;
	v59 =	vsub.f32 v28, v16  }
0x12e: {  	v29 =	vld [tilespmem:s2+$0x100];
	v56 =	vmul.f32 v43, v49;
	v15 =	vnsel vm9, $0x0, v15;
	v57 =	vsub.f32 v13, v24  }
0x12f: {  	v45 =	vld [tilespmem:s13+$0x80];
	s10 =	sadd.s32 $0x20, s10;
	v13 =	vmul.f32 v40, v15;
	v11 =	vnsel vm9, $0x0, v9;
	v58 =	vnsel vm7, $0x0, v28  }
0x130: {  	v60 =	vld [tilespmem:s10+$0xFFFFFFF1];
	v28 =	vmul.f32 v44, v19;
	v16 =	vmul.f32 v43, v19;
	v44 =	vsub.f32 v41, v22;
	v43, _, _ =	vpop (xrf2)  }
0x131: {  	v61 =	vld [tilespmem:s10+$0xFFFFFFF0];
	v33 =	vmul.f32 v40, v11;
	v40 =	vnsel vm7, $0x0, v41;
	v41 =	vnsel vm6, $0x0, v59;
	v59, _, _ =	vpop (xrf2)  }
0x132: {  	v62 =	vld [tilespmem:s10+$0xFFFFFFF2];
	v7 =	vor.u32 $0x5, v26;
	v8 =	vor.u32 $0x6, v26;
	(xrf2) =	vadd.scan.msk.f32 $0xffff, v56;
	v23 =	vsub.f32 v59, v23  }
0x133: {  	v10 =	vnsel vm6, $0x0, v5;
	v5 =	vor.u32 $0x7, v26;
	v9 =	vmul.f32 v29, v49;
	v22 =	vld [tilespmem:s13+$0x100];
	(xrf2) =	vadd.scan.msk.f32 $0xffff, v12  }
0x134: {  	v29 =	vmul.f32 v29, v19;
	v63 =	vmul.f32 v45, v11;
	[tilespmem:v36+s26+$0x0] =	vst.idx.add.f32.msk vm4, v57;
	v57 =	vnsel vm7, $0x0, v31  }
0x135: {  	v58 =	vsub.f32 v58, v41;
	v31 =	vnsel vm7, $0x0, v59;
	v59 =	vld [tilespmem:s10+$0x0];
	v1 =	vnsel vm6, $0x0, v23  }
0x136: {  	v41 =	vnsel vm7, $0x0, v30;
	(xrf2) =	vadd.scan.msk.f32 $0xffff, v29;
	vm7 =	vne.s32 v60, v61;
	v61 =	vld [tilespmem:s10+$0x1];
	v1 =	vsub.f32 v31, v1;
	v23, _, _ =	vpop (xrf2)  }
0x137: {  	vm8 =	vne.s32 v60, v62;
	v44 =	vnsel vm6, $0x0, v44;
	(xrf2) =	vadd.scan.msk.f32 $0xffff, v63;
	v31 =	vsub.f32 v23, v49;
	v49 =	vld [tilespmem:s10+$0x2]  }
0x138: {  	v51 =	vnsel vm3, $0x0, v51;
	v24 =	vmul.f32 v45, v15;
	v40 =	vsub.f32 v40, v44;
	[tilespmem:v48+s26+$0x0] =	vst.idx.add.f32.msk vm4, v1  }
0x139: {  	v45 =	vsub.s32 v60, v0;
	vm10 =	vmor vm7, vm0;
	v1 =	vnsel vm6, $0x0, v25;
	[tilespmem:v46+s26+$0x0] =	vst.idx.add.f32.msk vm4, v53  }
0x13a: {  	vm7 =	vgt.s32 v45, $0x0;
	(xrf2) =	vadd.scan.msk.f32 $0xffff, v33;
	v1 =	vsub.f32 v38, v1;
	[tilespmem:v42+s26+$0x0] =	vst.idx.add.f32.msk vm4, v40  }
0x13b: {  	v44 =	vnsel vm7, $0x0, v45;
	v60 =	vsub.s32 v61, v0;
	v46 =	vmul.f32 v22, v11;
	[tilespmem:v55+s26+$0x0] =	vst.idx.add.f32.msk vm4, v58  }
0x13c: {  	v45 =	vmin.u32 v44, $0x61F;
	v30, _, _ =	vpop (xrf2);
	vm9 =	vne.s32 v61, v59;
	vm6 =	vgt.s32 v60, $0x0;
	[tilespmem:v21+s26+$0x0] =	vst.idx.add.f32.msk vm4, v1  }
0x13d: {  	v21 =	vsub.f32 v43, v27;
	v27, _, _ =	vpop (xrf2);
	(xrf2) =	vadd.scan.msk.f32 $0xffff, v46;
	vm7 =	vne.s32 v61, v49;
	v61 =	vsub.f32 v50, v51  }
0x13e: {  	v25 =	vnsel vm10, $0x0, v31;
	v31 =	vsub.f32 v30, v56;
	v1 =	vnsel vm3, $0x0, v54  }
0x13f: {  	v38 =	vnsel vm6, $0x0, v60;
	v40 =	vsub.f32 v57, v32;
	v1 =	vsub.f32 v52, v1;
	[tilespmem:v26+s26+$0x0] =	vst.idx.add.f32.msk vm2, v61  }
0x140: {  	v32 =	vor.u32 $0x7, v36;
	v44 =	vmin.u32 v38, $0x61F;
	v31 =	vnsel vm10, $0x0, v31;
	v42, _, _ =	vpop (xrf2);
	[tilespmem:v34+s26+$0x0] =	vst.idx.add.f32.msk vm2, v39  }
0x141: {  	(xrf2) =	vadd.scan.msk.f32 $0xffff, v28;
	v62 =	vnsel vm3, $0x0, v21;
	v26, _, _ =	vpop (xrf2);
	[tilespmem:v35+s26+$0x0] =	vst.idx.add.f32.msk vm2, v1;
	v1 =	vnsel vm5, $0x0, v43  }
0x142: {  	s11 =	simm.s32 $0x2;
	s12 =	sadd.s32 $0x20, s12;
	s13 =	sadd.s32 $0x20, s17;
	vm3 =	vmmov vm10;
	v21 =	vsub.f32 v26, v63;
	[tilespmem:v47+s26+$0x0] =	vst.idx.add.f32.msk vm2, v37;
	v35 =	vsub.f32 v1, v62  }
.LBB2_13:
0x143: {  	s11 =	sadd.s32 $0x2, s11;
	s8 =	sadd.s32 $0x20, s8;
	s10 =	sadd.s32 $0x20, s10;
	[tilespmem:v17+s26+$0x0] =	vst.idx.add.f32.msk vm4, v40  }
0x144: {  	s0 =	sshrl.u32 s11, $0x3;
	p2 =	slt.u32 s11, $0xFE;
	(xrf2) =	vadd.scan.msk.f32 $0xffff, v24;
	v40, _, _ =	vpop (xrf2)  }
0x145: {  	v1 =	vsub.f32 v41, v10;
	s0 =	smul.u32 $0x600, s0;
	v34 =	vsub.f32 v40, v33;
	[tilespmem:v14+s26+$0x0] =	vst.idx.add.f32.msk vm2, v20;
	_ =	sdelay $0x1  }
0x146: {  	s2 =	sadd.s32 $0x10, s8;
	s0 =	sshra.s32 s0, $0x2;
	(xrf2) =	vadd.scan.msk.f32 $0xffff, v19;
	v41, _, _ =	vpop (xrf2);
	[tilespmem:v32+s26+$0x0] =	vst.idx.add.f32.msk vm4, v1  }
0x147: {  	vm5 =	vmor vm8, vm1;
	vm6 =	vmor vm9, vm0;
	s14 =	sand.u32 $0x60, s8;
	s2 =	sand.u32 $0x70, s2;
	s0 =	sadd.s32 s0, s24;
	v14 =	vsub.f32 v41, v46;
	[tilespmem:v7+s26+$0x0] =	vst.idx.add.f32.msk vm2, v18  }
0x148: {  	vm4 =	vmor vm3, vm5;
	s14 =	sadd.s32 s14, s0;
	s0 =	sadd.s32 s2, s0;
	[tilespmem:v8+s26+$0x0] =	vst.idx.add.f32.msk vm2, v6  }
0x149: {  	v32 =	vshll.u32 v45, $0x3;
	v6 =	vnsel vm5, $0x0, v30;
	(xrf2) =	vadd.scan.msk.f32 $0xffff, v16;
	[tilespmem:v5+s26+$0x0] =	vst.idx.add.f32.msk vm2, v35  }
0x14a: {  	v33 =	vmul.f32 v22, v15;
	v10 =	vnsel vm6, $0x0, v14;
	vm2 =	vmmov vm4;
	v30 =	vld [tilespmem:s14+$0x80];
	v1, _, _ =	vpop (xrf2)  }
0x14b: {  	v35 =	vor.u32 $0x1, v32;
	v45 =	vld [tilespmem:s14+$0x0];
	v18 =	vnsel vm5, $0x0, v1;
	v1 =	vsub.f32 v1, v28  }
0x14c: {  	v7 =	vor.u32 $0x5, v32;
	v6 =	vsub.f32 v6, v31;
	v22 =	vld [tilespmem:s0+$0x100];
	(xrf2) =	vadd.scan.msk.f32 $0xffff, v15  }
0x14d: {  	v5 =	vor.u32 $0x7, v32;
	v46 =	vld [tilespmem:s0+$0x80];
	v28, _, _ =	vpop (xrf2)  }
0x14e: {  	v37 =	vor.u32 $0x2, v32;
	v14 =	vsub.f32 v42, v29  }
0x14f: {  	vm7 =	vmor vm7, vm1;
	v36 =	vor.u32 $0x3, v32;
	v8 =	vor.u32 $0x6, v32;
	v29 =	vld [tilespmem:s0+$0x0];
	(xrf2) =	vadd.scan.msk.f32 $0xffff, v33  }
0x150: {  	v38 =	vshll.u32 v44, $0x3;
	v14 =	vnsel vm3, $0x0, v14;
	v17 =	vsub.f32 v28, v24;
	v48 =	vld [tilespmem:s12+$0x0];
	v24, _, _ =	vpop (xrf2)  }
0x151: {  	v20 =	vnsel vm5, $0x0, v42;
	v31 =	vor.u32 $0x3, v38;
	v1 =	vnsel vm3, $0x0, v1  }
0x152: {  	v39 =	vsub.f32 v20, v14;
	v50 =	vnsel vm6, $0x0, v17;
	v17 =	vor.u32 $0x6, v38;
	v49 =	vld [tilespmem:s12+$0xFFFFFFF0];
	(xrf2) =	vadd.scan.msk.f32 $0xffff, v11  }
0x153: {  	v12 =	vsub.f32 v27, v12;
	v42 =	vor.u32 $0x5, v38;
	v14 =	vor.u32 $0x4, v32;
	v51, _, _ =	vpop (xrf2)  }
0x154: {  	vm4 =	vmor vm6, vm7;
	v43 =	vsub.f32 v18, v1;
	v1 =	vor.u32 $0x2, v38  }
0x155: {  	v52 =	vor.u32 $0x1, v38;
	v12 =	vnsel vm3, $0x0, v12;
	v18 =	vnsel vm5, $0x0, v23;
	(xrf2) =	vadd.scan.msk.f32 $0xffff, v9  }
0x156: {  	v20 =	vsub.f32 v18, v25;
	v18 =	vnsel vm5, $0x0, v27;
	v44 =	vnsel vm5, $0x0, v24;
	v23 =	vld [tilespmem:s13+$0xFFFFFFF0];
	v25, _, _ =	vpop (xrf2)  }
0x157: {  	s0 =	sadd.s32 s8, s3;
	v18 =	vsub.f32 v18, v12;
	v12 =	vnsel vm7, $0x0, v28;
	v27 =	vsub.f32 v24, v19  }
0x158: {  	v19 =	vor.u32 s0, v2;
	s0 =	sadd.s32 $0x10, s0;
	v50 =	vsub.f32 v12, v50;
	v24 =	vld.idx.msk [tilespmem:v48+s5+$0x0], $0xffff;
	v48 =	vnsel vm5, $0x0, v51;
	(xrf2) =	vadd.scan.msk.f32 $0xffff, v13  }
0x159: {  	vm8 =	vge.s32 v19, v3;
	vm9 =	vlt.s32 v19, v4;
	v51 =	vsub.f32 v51, v16;
	v19 =	vld [tilespmem:s13+$0x0];
	v53, _, _ =	vpop (xrf2)  }
0x15a: {  	v28 =	vor.u32 s0, v2;
	vm8 =	vmand vm8, vm9;
	v15 =	vsub.f32 v25, v15;
	v16 =	vld.idx.msk [tilespmem:v49+s5+$0x0], $0xffff  }
0x15b: {  	v55 =	vor.u32 $0x4, v38;
	vm9 =	vge.s32 v28, v3;
	v49 =	vld [tilespmem:s14+$0x100];
	v54 =	vnsel vm8, $0x0, v23  }
0x15c: {  	vm10 =	vlt.s32 v28, v4;
	v23 =	vnsel vm7, $0x0, v25;
	v12 =	vmul.f32 v45, v54;
	(xrf2) =	vadd.scan.msk.f32 $0xffff, v54;
	v25, _, _ =	vpop (xrf2)  }
0x15d: {  	vm9 =	vmand vm9, vm10;
	v28 =	vnsel vm6, $0x0, v15;
	v56 =	vmul.f32 v30, v54  }
0x15e: {  	v23 =	vsub.f32 v23, v28;
	v15 =	vnsel vm9, $0x0, v24;
	v57 =	vnsel vm9, $0x0, v19  }
0x15f: {  	v60 =	vnsel vm7, $0x0, v25;
	v59 =	vmul.f32 v29, v15;
	v24 =	vmul.f32 v46, v15;
	v58 =	vld [tilespmem:s10+$0xFFFFFFF2];
	(xrf2) =	vadd.scan.msk.f32 $0xffff, v56;
	v61, _, _ =	vpop (xrf2)  }
0x160: {  	v25 =	vsub.f32 v25, v11;
	v19 =	vnsel vm8, $0x0, v16;
	v11 =	vmovc v57;
	v62 =	vmul.f32 v49, v54  }
0x161: {  	v28 =	vmul.f32 v45, v19;
	v16 =	vmul.f32 v30, v19;
	v30 =	vsub.f32 v53, v33;
	v57 =	vld [tilespmem:s10+$0xFFFFFFF1]  }
0x162: {  	v25 =	vnsel vm6, $0x0, v25;
	v33 =	vmul.f32 v29, v11;
	v53 =	vnsel vm7, $0x0, v53;
	v45 =	vld [tilespmem:s10+$0xFFFFFFF0];
	(xrf2) =	vadd.scan.msk.f32 $0xffff, v12;
	v63, _, _ =	vpop (xrf2)  }
0x163: {  	v29 =	vmul.f32 v49, v19;
	v49 =	vnsel vm3, $0x0, v27;
	[tilespmem:v38+s26+$0x0] =	vst.idx.add.f32.msk vm4, v23;
	v27 =	vsub.f32 v63, v13  }
0x164: {  	v26 =	vnsel vm7, $0x0, v26;
	v47 =	vmul.f32 v46, v11;
	v60 =	vsub.f32 v60, v25;
	v13 =	vmovc v59  }
0x165: {  	v40 =	vnsel vm7, $0x0, v40;
	v30 =	vnsel vm6, $0x0, v30;
	v25 =	vnsel vm7, $0x0, v63;
	(xrf2) =	vadd.scan.msk.f32 $0xffff, v29  }
0x166: {  	v41 =	vnsel vm7, $0x0, v41;
	v27 =	vnsel vm6, $0x0, v27;
	v46 =	vsub.s32 v57, v0;
	v59 =	vld [tilespmem:s10+$0x0];
	v23, _, _ =	vpop (xrf2)  }
0x167: {  	v27 =	vsub.f32 v25, v27;
	vm7 =	vne.s32 v57, v45;
	v45 =	vsub.f32 v23, v54;
	v54 =	vld [tilespmem:s10+$0x1]  }
0x168: {  	v53 =	vsub.f32 v53, v30;
	vm10 =	vmor vm7, vm0;
	vm7 =	vgt.s32 v46, $0x0;
	v63 =	vld [tilespmem:s10+$0x2];
	(xrf2) =	vadd.scan.msk.f32 $0xffff, v47  }
0x169: {  	v46 =	vnsel vm7, $0x0, v46;
	v25 =	vnsel vm10, $0x0, v45;
	v30, _, _ =	vpop (xrf2);
	[tilespmem:v52+s26+$0x0] =	vst.idx.add.f32.msk vm4, v27;
	v27 =	vnsel vm6, $0x0, v34  }
0x16a: {  	v45 =	vmin.u32 v46, $0x61F;
	v34 =	vsub.f32 v30, v56;
	[tilespmem:v1+s26+$0x0] =	vst.idx.add.f32.msk vm4, v50;
	v1 =	vsub.f32 v40, v27  }
0x16b: {  	vm8 =	vne.s32 v57, v58;
	v46 =	vmul.f32 v22, v11;
	(xrf2) =	vadd.scan.msk.f32 $0xffff, v33;
	[tilespmem:v31+s26+$0x0] =	vst.idx.add.f32.msk vm4, v53  }
0x16c: {  	v21 =	vnsel vm6, $0x0, v21;
	v31 =	vnsel vm10, $0x0, v34;
	vm9 =	vne.s32 v54, v59;
	v27, _, _ =	vpop (xrf2);
	[tilespmem:v55+s26+$0x0] =	vst.idx.add.f32.msk vm4, v60  }
0x16d: {  	v34 =	vsub.s32 v54, v0;
	vm7 =	vne.s32 v54, v63;
	[tilespmem:v42+s26+$0x0] =	vst.idx.add.f32.msk vm4, v1  }
0x16e: {  	v40 =	vsub.f32 v26, v21;
	vm6 =	vgt.s32 v34, $0x0;
	v1 =	vsub.f32 v44, v49;
	(xrf2) =	vadd.scan.msk.f32 $0xffff, v46  }
.Ltmp3:
0x16f: {  	v26 =	vnsel vm3, $0x0, v51;
	v21 =	vnsel vm6, $0x0, v34;
	v34 =	vsub.f32 v61, v9;
	v42, _, _ =	vpop (xrf2);
	(pc) =	sbr.rel @p2 .LBB2_13-.Ltmp3, $4  }
0x170: {  	v9 =	vmov v62;
	v44 =	vmin.u32 v21, $0x61F;
	[tilespmem:v32+s26+$0x0] =	vst.idx.add.f32.msk vm2, v1;
	v1 =	vsub.f32 v48, v26  }
0x171: {  	v32 =	vnsel vm3, $0x0, v34;
	vm3 =	vmmov vm10;
	[tilespmem:v35+s26+$0x0] =	vst.idx.add.f32.msk vm2, v43  }
0x172: {  	(xrf2) =	vadd.scan.msk.f32 $0xffff, v28;
	v26, _, _ =	vpop (xrf2);
	[tilespmem:v37+s26+$0x0] =	vst.idx.add.f32.msk vm2, v1;
	v1 =	vnsel vm5, $0x0, v61  }
0x173: {  	s12 =	sadd.s32 $0x20, s12;
	s13 =	sadd.s32 $0x20, s13;
	v21 =	vsub.f32 v26, v47;
	[tilespmem:v36+s26+$0x0] =	vst.idx.add.f32.msk vm2, v39;
	v35 =	vsub.f32 v1, v32;
	v32 =	vor.u32 $0x7, v38  }
0x174: {  	(xrf2) =	vadd.scan.msk.f32 $0xffff, v24  }
0x175: {  	(xrf2) =	vadd.scan.msk.f32 $0xffff, v19  }
0x176: {  	v1 =	vmul.f32 v22, v15;
	(xrf2) =	vadd.scan.msk.f32 $0xffff, v16  }
0x177: {  	(xrf2) =	vadd.scan.msk.f32 $0xffff, v15  }
0x178: {  	(xrf2) =	vadd.scan.msk.f32 $0xffff, v1  }
0x179: {  	(xrf2) =	vadd.scan.msk.f32 $0xffff, v11  }
0x17a: {  	v10 =	vsub.f32 v41, v10;
	v3, _, _ =	vpop (xrf2);
	(xrf2) =	vadd.scan.msk.f32 $0xffff, v9  }
0x17b: {  	vm5 =	vmor vm8, vm1;
	vm14 =	vmor vm9, vm0;
	v36 =	vshll.u32 v45, $0x3;
	v22, _, _ =	vpop (xrf2);
	(xrf2) =	vadd.scan.msk.f32 $0xffff, v13  }
0x17c: {  	v29 =	vsub.f32 v42, v29;
	vm15 =	vmor vm7, vm1;
	v44 =	vshll.u32 v44, $0x3  }
0x17d: {  	vm6 =	vmor vm3, vm5;
	v41 =	vor.u32 $0x5, v36;
	v48 =	vor.u32 $0x3, v36;
	v34, _, _ =	vpop (xrf2)  }
0x17e: {  	v42 =	vnsel vm5, $0x0, v42;
	v50 =	vor.u32 $0x3, v44;
	vm7 =	vmor vm14, vm15;
	v37, _, _ =	vpop (xrf2)  }
0x17f: {  	[tilespmem:v17+s26+$0x0] =	vst.idx.add.f32.msk vm4, v40;
	v52 =	vor.u32 $0x1, v44;
	v57 =	vor.u32 $0x2, v44;
	v4 =	vsub.f32 v3, v33;
	v39, _, _ =	vpop (xrf2)  }
0x180: {  	vm6 =	vmmov vm6;
	v29 =	vnsel vm3, $0x0, v29;
	[tilespmem:v32+s26+$0x0] =	vst.idx.add.f32.msk vm4, v10;
	v10 =	vor.u32 $0x5, v44;
	v43, _, _ =	vpop (xrf2)  }
0x181: {  	v3 =	vnsel vm15, $0x0, v3;
	v4 =	vnsel vm14, $0x0, v4;
	v61 =	vsub.f32 v22, v46;
	v47, _, _ =	vpop (xrf2)  }
0x182: {  	v46 =	vor.u32 $0x2, v36;
	v3 =	vsub.f32 v3, v4;
	v62 =	vsub.f32 v37, v24;
	v49, _, _ =	vpop (xrf2)  }
0x183: {  	[tilespmem:v14+s26+$0x0] =	vst.idx.add.f32.msk vm2, v20;
	v33 =	vnsel vm14, $0x0, v61;
	v38 =	vnsel vm5, $0x0, v34;
	v28 =	vsub.f32 v34, v28;
	v51, _, _ =	vpop (xrf2)  }
0x184: {  	[tilespmem:v7+s26+$0x0] =	vst.idx.add.f32.msk vm2, v18;
	v63 =	vnsel vm15, $0x0, v37;
	v58 =	vsub.f32 v39, v19;
	v24 =	vnsel vm14, $0x0, v62;
	v37, _, _ =	vpop (xrf2)  }
0x185: {  	[tilespmem:v8+s26+$0x0] =	vst.idx.add.f32.msk vm2, v6;
	v18 =	vnsel vm5, $0x0, v39;
	v40 =	vsub.f32 v47, v15;
	v17 =	vsub.f32 v63, v24;
	v53, _, _ =	vpop (xrf2)  }
0x186: {  	[tilespmem:v5+s26+$0x0] =	vst.idx.add.f32.msk vm2, v35;
	v54 =	vnsel vm15, $0x0, v47;
	v35 =	vnsel vm3, $0x0, v58;
	v55 =	vsub.f32 v53, v13  }
0x187: {  	v1 =	vsub.f32 v49, v1;
	v15 =	vnsel vm14, $0x0, v40;
	v40 =	vsub.f32 v18, v35  }
0x188: {  	v56 =	vsub.f32 v54, v15;
	v59 =	vnsel vm15, $0x0, v53;
	v60 =	vnsel vm14, $0x0, v55  }
0x189: {  	v62 =	vor.u32 $0x4, v44;
	v63 =	vsub.f32 v51, v11;
	[tilespmem:v36+s26+$0x0] =	vst.idx.add.f32.msk vm6, v40;
	v61 =	vsub.f32 v59, v60  }
0x18a: {  	v34 =	vor.u32 $0x1, v36;
	v19 =	vnsel vm15, $0x0, v49;
	v1 =	vnsel vm14, $0x0, v1;
	[tilespmem:v44+s26+$0x0] =	vst.idx.add.f32.msk vm7, v56  }
0x18b: {  	v20 =	vnsel vm15, $0x0, v51;
	v8 =	vnsel vm14, $0x0, v63;
	v1 =	vsub.f32 v19, v1;
	[tilespmem:v52+s26+$0x0] =	vst.idx.add.f32.msk vm7, v61  }
0x18c: {  	v28 =	vnsel vm3, $0x0, v28;
	v39 =	vor.u32 $0x6, v44;
	v24 =	vsub.f32 v20, v8;
	[tilespmem:v57+s26+$0x0] =	vst.idx.add.f32.msk vm7, v17  }
0x18d: {  	v32 =	vsub.f32 v43, v16;
	v47 =	vnsel vm5, $0x0, v43;
	v51 =	vnsel vm15, $0x0, v26;
	[tilespmem:v50+s26+$0x0] =	vst.idx.add.f32.msk vm7, v1  }
0x18e: {  	v52 =	vnsel vm14, $0x0, v21;
	v1 =	vsub.f32 v42, v29;
	v42 =	vsub.f32 v38, v28;
	[tilespmem:v62+s26+$0x0] =	vst.idx.add.f32.msk vm7, v24  }
0x18f: {  	v53 =	vor.u32 $0x7, v44;
	v5 =	vsub.f32 v51, v52;
	[tilespmem:v10+s26+$0x0] =	vst.idx.add.f32.msk vm7, v3;
	v3 =	vnsel vm3, $0x0, v32  }
0x190: {  	v45 =	vor.u32 $0x7, v36;
	v49 =	vor.u32 $0x4, v36;
	[tilespmem:v34+s26+$0x0] =	vst.idx.add.f32.msk vm6, v42;
	v3 =	vsub.f32 v47, v3  }
0x191: {  	v54 =	vor.u32 $0x6, v36;
	v57 =	vnsel vm15, $0x0, v22;
	v50 =	vsub.f32 v27, v12;
	[tilespmem:v39+s26+$0x0] =	vst.idx.add.f32.msk vm7, v5  }
0x192: {  	v58 =	vsub.f32 v37, v9;
	v55 =	vnsel vm5, $0x0, v23;
	v59 =	vsub.f32 v57, v33;
	[tilespmem:v46+s26+$0x0] =	vst.idx.add.f32.msk vm6, v3  }
0x193: {  	v56 =	vsub.f32 v55, v25;
	v3 =	vnsel vm3, $0x0, v50;
	[tilespmem:v48+s26+$0x0] =	vst.idx.add.f32.msk vm6, v1;
	v1 =	vnsel vm5, $0x0, v27  }
0x194: {  	v60 =	vnsel vm5, $0x0, v30;
	[tilespmem:v53+s26+$0x0] =	vst.idx.add.f32.msk vm7, v59;
	v1 =	vsub.f32 v1, v3  }
0x195: {  	v61 =	vnsel vm3, $0x0, v58;
	v62 =	vnsel vm5, $0x0, v37;
	[tilespmem:v49+s26+$0x0] =	vst.idx.add.f32.msk vm6, v56;
	v3 =	vsub.f32 v60, v31  }
0x196: {  	v63 =	vsub.f32 v62, v61;
	[tilespmem:v41+s26+$0x0] =	vst.idx.add.f32.msk vm6, v1  }
0x197: {  	[tilespmem:v54+s26+$0x0] =	vst.idx.add.f32.msk vm6, v3  }
0x198: {  	[tilespmem:v45+s26+$0x0] =	vst.idx.add.f32.msk vm6, v63  }
0x199: {  	p2 =	seq.s32 s23, s31  }
.Ltmp4:
0x19a: {  	_ = 	snop;
	(pc) =	sbr.rel @!p2 .LBB2_12-.Ltmp4, $2  }
0x19b: {  	_ =	sdelay $0x2  }
0x19c: {  	s22 =	sadd.s32 $0x1000, s22;
	p1 =	por !p1, !p1  }
.LBB2_6:
0x19d: {  	s10 =	simm.s32 $0x0  }
0x19e: {  	v3 =	vmul.u32 $0x8, v2;
	v1 =	vmov s10  }
0x19f: {  	v1 =	vshll.u32 v1, $0x3  }
0x1a0: {  	v1 =	vor.u32 v3, v1;
	_ =	sdelay $0x4  }
0x1a1: {  	v4 =	vld.idx.msk [tilespmem:v1+s26+$0x0], $0xffff;
	_ =	sdelay $0x4  }
0x1a2: {  	vm2 =	vgt.f32 v4, $0.0e+00  }
0x1a3: {  	v4 =	vnsel vm2, $0x3F800000, v4  }
0x1a4: {  	v5 =	vor.u32 $0x4, v1;
	(erf) = vrcp.f32 v4  }
0x1a5: {  	v6 =	vor.u32 $0x1, v1  }
0x1a6: {  	v7 =	vor.u32 $0x2, v1  }
0x1a7: {  	v8 =	vor.u32 $0x5, v1  }
0x1a8: {  	v4 =	vor.u32 $0x3, v1  }
0x1a9: {  	v9 =	vor.u32 $0x6, v1;
	v5 =	vld.idx.msk [tilespmem:v5+s26+$0x0], $0xffff  }
0x1aa: {  	v6 =	vld.idx.msk [tilespmem:v6+s26+$0x0], $0xffff;
	v1 =	vor.u32 $0x7, v1  }
0x1ab: {  	v7 =	vld.idx.msk [tilespmem:v7+s26+$0x0], $0xffff  }
0x1ac: {  	v8 =	vld.idx.msk [tilespmem:v8+s26+$0x0], $0xffff  }
0x1ad: {  	v4 =	vld.idx.msk [tilespmem:v4+s26+$0x0], $0xffff;
	v10 =	vpop (erf)  }
0x1ae: {  	v9 =	vld.idx.msk [tilespmem:v9+s26+$0x0], $0xffff;
	v5 =	vmul.f32 v5, v10  }
0x1af: {  	s0 =	simm.s32 $0x10;
	v1 =	vld.idx.msk [tilespmem:v1+s26+$0x0], $0xffff  }
0x1b0: {  	v10 =	vmov s0;
	v6 =	vmul.f32 v5, v6  }
0x1b1: {  	v10 =	vshll.u32 v10, $0x3;
	v12 =	vmul.f32 v5, v7  }
0x1b2: {  	v13 =	vmul.f32 v5, v4;
	v11 =	vor.u32 v3, v10;
	v6 =	vsub.f32 v8, v6  }
0x1b3: {  	s3 =	simm.s32 $0xF1C0;
	v4 =	vor.u32 $0x1, v11;
	v7 =	vor.u32 $0x4, v11;
	v14 =	vsub.f32 v9, v12  }
0x1b4: {  	s1 =	simm.s32 $0xF7E0;
	v5 =	vor.u32 $0x2, v11;
	v10 =	vor.u32 $0x3, v11;
	v12 =	vsub.f32 v1, v13;
	[tilespmem:s3+$0x0] =	vst v6  }
0x1b5: {  	s8 =	simm.s32 $0xFE00;
	s11 =	simm.s32 $0x20;
	s10 =	simm.s32 $0xFE10;
	v9 =	vor.u32 $0x5, v11;
	v8 =	vor.u32 $0x6, v11;
	v6 =	vor.u32 $0x7, v11;
	[tilespmem:s1+$0x0] =	vst v14  }
.LBB2_7:
0x1b6: {  	s3 =	sadd.s32 $0x10, s3;
	s1 =	sadd.s32 $0x10, s1  }
0x1b7: {  	[tilespmem:s8+$0x0] =	vst v12;
	s0 =	smov.u32 s11;
	s2 =	sadd.s32 $0x10, s11;
	s8 =	smov.u32 s10  }
0x1b8: {  	p1 =	sne.s32 s11, $0x610;
	v1 =	vld.idx.msk [tilespmem:v11+s26+$0x0], $0xffff;
	_ =	sdelay $0x5  }
0x1b9: {  	vm2 =	vgt.f32 v1, $0.0e+00  }
0x1ba: {  	v1 =	vnsel vm2, $0x3F800000, v1  }
0x1bb: {  	(erf) = vrcp.f32 v1;
	_ =	sdelay $0x3  }
0x1bc: {  	v1 =	vld.idx.msk [tilespmem:v7+s26+$0x0], $0xffff  }
0x1bd: {  	v7 =	vld.idx.msk [tilespmem:v10+s26+$0x0], $0xffff  }
0x1be: {  	v4 =	vld.idx.msk [tilespmem:v4+s26+$0x0], $0xffff  }
0x1bf: {  	v5 =	vld.idx.msk [tilespmem:v5+s26+$0x0], $0xffff  }
0x1c0: {  	v9 =	vld.idx.msk [tilespmem:v9+s26+$0x0], $0xffff  }
0x1c1: {  	v8 =	vld.idx.msk [tilespmem:v8+s26+$0x0], $0xffff;
	v10 =	vpop (erf)  }
0x1c2: {  	v6 =	vld.idx.msk [tilespmem:v6+s26+$0x0], $0xffff;
	v1 =	vmul.f32 v1, v10;
	_ =	sdelay $0x1  }
0x1c3: {  	v10 =	vmov s0;
	v4 =	vmul.f32 v1, v4  }
.Ltmp5:
0x1c4: {  	v10 =	vshll.u32 v10, $0x3;
	v5 =	vmul.f32 v1, v5;
	v1 =	vmul.f32 v1, v7;
	(pc) =	sbr.rel @p1 .LBB2_7-.Ltmp5, $4  }
0x1c5: {  	v11 =	vor.u32 v3, v10;
	v9 =	vsub.f32 v9, v4  }
0x1c6: {  	v7 =	vor.u32 $0x4, v11;
	v4 =	vor.u32 $0x1, v11;
	v13 =	vsub.f32 v8, v5  }
0x1c7: {  	v10 =	vor.u32 $0x3, v11;
	v5 =	vor.u32 $0x2, v11;
	v12 =	vsub.f32 v6, v1;
	[tilespmem:s3+$0x0] =	vst v9  }
0x1c8: {  	s10 =	sadd.s32 $0x10, s10;
	s11 =	smov.u32 s2;
	v8 =	vor.u32 $0x6, v11;
	v6 =	vor.u32 $0x7, v11;
	v9 =	vor.u32 $0x5, v11;
	[tilespmem:s1+$0x0] =	vst v13  }
0x1c9: {  	_ =	sdelay $0x2  }
0x1ca: {  	[tilespmem:s8+$0x0] =	vst v12  }
0x1cb: {  	v1 =	vld.idx.msk [tilespmem:v11+s26+$0x0], $0xffff;
	_ =	sdelay $0x4  }
0x1cc: {  	vm2 =	vgt.f32 v1, $0.0e+00  }
0x1cd: {  	v1 =	vnsel vm2, $0x3F800000, v1  }
0x1ce: {  	(erf) = vrcp.f32 v1;
	_ =	sdelay $0x4  }
0x1cf: {  	v1 =	vld.idx.msk [tilespmem:v7+s26+$0x0], $0xffff  }
0x1d0: {  	v3 =	vld.idx.msk [tilespmem:v10+s26+$0x0], $0xffff  }
0x1d1: {  	v4 =	vld.idx.msk [tilespmem:v4+s26+$0x0], $0xffff  }
0x1d2: {  	v5 =	vld.idx.msk [tilespmem:v5+s26+$0x0], $0xffff  }
0x1d3: {  	v61 =	vld.idx.msk [tilespmem:v9+s26+$0x0], $0xffff;
	v62 =	vpop (erf)  }
0x1d4: {  	v8 =	vld.idx.msk [tilespmem:v8+s26+$0x0], $0xffff;
	v1 =	vmul.f32 v1, v62  }
0x1d5: {  	v6 =	vld.idx.msk [tilespmem:v6+s26+$0x0], $0xffff  }
0x1d6: {  	v4 =	vmul.f32 v1, v4  }
0x1d7: {  	v5 =	vmul.f32 v1, v5  }
0x1d8: {  	s29 =	sld [smem:$0x7FD];
	v1 =	vmul.f32 v1, v3;
	v3 =	vsub.f32 v61, v4  }
0x1d9: {  	s0 =	sadd.s32 $0x10, s3;
	v63 =	vsub.f32 v8, v5  }
0x1da: {  	s1 =	sadd.s32 $0x10, s1;
	v1 =	vsub.f32 v6, v1;
	[tilespmem:s0+$0x0] =	vst v3  }
0x1db: {  	p1 =	seq.s32 s29, $0x1;
	[tilespmem:s1+$0x0] =	vst v63  }
0x1dc: {  	s2 =	rddreg [dreg:$0xa];
	s0 =	simm.s32 @p1 $0x0;
	s1 =	simm.s32 @p1 $0xF1C0;
	[tilespmem:s10+$0x0] =	vst v1  }
0x1dd: {  	[hbm4b:s2+s0] =	stream.linear.scatter @p1 [tilespmem:s1], [sflag:$0x3], $0x570, $0x38;
	[tilespmem:$0x10440] =	vst v63  }
0x1de: {  	s1 =	simm.s32 @p1 $0x3  }
0x1df: {  	_ =	swait.ge @p1 [sflag:s1], $0x570  }
0x1e0: {  	[sflag:s1] =	ssyncset.done @p1 $0x0  }
0x1e1: {  	s2 =	simm.s32 @p1 $0xF7E0;
	s3 =	rddreg [dreg:$0xb];
	[sflag:s1] =	ssyncadd.s32 @p1 $0xFFFFFA90  }
0x1e2: {  	[hbm4b:s3+s0] =	stream.linear.scatter @p1 [tilespmem:s2], [sflag:$0x3], $0x570, $0x38;
	[tilespmem:$0x10440] =	vst v63  }
0x1e3: {  	_ =	swait.ge @p1 [sflag:s1], $0x570  }
0x1e4: {  	[sflag:s1] =	ssyncset.done @p1 $0x0  }
0x1e5: {  	s2 =	simm.s32 @p1 $0xFE00;
	s3 =	rddreg [dreg:$0xc];
	[sflag:s1] =	ssyncadd.s32 @p1 $0xFFFFFA90  }
0x1e6: {  	[hbm4b:s3+s0] =	stream.linear.scatter @p1 [tilespmem:s2], [sflag:$0x3], $0x570, $0x38;
	[tilespmem:$0x10440] =	vst v63  }
0x1e7: {  	_ =	swait.ge @p1 [sflag:s1], $0x570  }
0x1e8: {  	s0 =	simm.s32 @!p1 $0x0;
	[sflag:s1] =	ssyncset.done @p1 $0x0  }
0x1e9: {  	s2 =	rddreg [dreg:$0x7];
	[sflag:s1] =	ssyncadd.s32 @p1 $0xFFFFFA90;
	s1 =	simm.s32 @!p1 $0xF1C0  }
0x1ea: {  	[hbm4b:s2+s0] =	stream.linear.scatter @!p1 [tilespmem:s1], [sflag:$0x3], $0x620, $0x38;
	[tilespmem:$0x10440] =	vst v63  }
0x1eb: {  	s1 =	simm.s32 @!p1 $0x3  }
0x1ec: {  	_ =	swait.ge @!p1 [sflag:s1], $0x620  }
0x1ed: {  	[sflag:s1] =	ssyncset.done @!p1 $0x0  }
0x1ee: {  	s2 =	simm.s32 @!p1 $0xF7E0;
	s3 =	rddreg [dreg:$0x8];
	[sflag:s1] =	ssyncadd.s32 @!p1 $0xFFFFF9E0  }
0x1ef: {  	[hbm4b:s3+s0] =	stream.linear.scatter @!p1 [tilespmem:s2], [sflag:$0x3], $0x620, $0x38;
	[tilespmem:$0x10440] =	vst v63  }
0x1f0: {  	_ =	swait.ge @!p1 [sflag:s1], $0x620  }
0x1f1: {  	[sflag:s1] =	ssyncset.done @!p1 $0x0  }
0x1f2: {  	s2 =	simm.s32 @!p1 $0xFE00;
	s3 =	rddreg [dreg:$0x9];
	[sflag:s1] =	ssyncadd.s32 @!p1 $0xFFFFF9E0  }
0x1f3: {  	[hbm4b:s3+s0] =	stream.linear.scatter @!p1 [tilespmem:s2], [sflag:$0x3], $0x620, $0x38;
	[tilespmem:$0x10440] =	vst v63  }
0x1f4: {  	_ =	swait.ge @!p1 [sflag:s1], $0x620  }
0x1f5: {  	s30 =	rddreg [dreg:$0xe]  }
0x1f6: {  	s31 =	rddreg [dreg:$0xd];
	s3 =	sadd.s32 $0x1, s30  }
0x1f7: {  	p0 =	sne.s32 s3, s31  }
.Ltmp6:
0x1f8: {  	_ = 	snop;
	(pc) =	sbr.rel @p0 .LBB2_1-.Ltmp6, $3  }
0x1f9: {  	_ =	sdelay $0x1  }
0x1fa: {  	[sflag:s1] =	ssyncset.done @!p1 $0x0  }
0x1fb: {  	v1 =	vimm.f32 $0.0e+00;
	s2 =	simm.s32 $0x3;
	[sflag:s1] =	ssyncadd.s32 @!p1 $0xFFFFF9E0  }
0x1fc: {  	_ =	sfence.sel $0x180000  }
0x1fd: {  	[bflag:$0x0] =	sbarrier.arrive $0xFFFF  }
0x1fe: {  	_ =	strace $0x90000047  }
0x1ff: {  	s0 =	stileid.u32;
	[bflag:$0x2] =	sbarrier.arrive $0xFFFF  }
0x200: {  	p0 =	sne.s32 s0, $0x0;
	s0 =	rddreg [dreg:$0x5]  }
0x201: {  	s0 =	sadd.s32 @!p0 $0x100000, s0  }
0x202: {  	[sflag:s0] =	ssyncadd.tile.s32 @!p0 $0x1;
	_ =	shalt  }
.Lfunc_end2:
_tile_overlayer_lowered:
.L_overlay_start_2:
0x203: {  	(tag) =	ssettag $0x2  }
0x204: {  	s0 =	rddreg [dreg:$0x0];
	s2 =	stileid.u32  }
0x205: {  	s1 =	rddreg [dreg:$0x1];
	p0 =	sne.s32 s2, $0x0  }
0x206: {  	s3 =	rddreg [dreg:$0x2];
	[bflag:$0x3] =	sbarrier.arrive $0xFFFF;
	s2 =	simm.s32 @!p0 $0x1C03  }
0x207: {  	[timem:s3], [sflag:s2] =	dma.local @!p0 [hbm:s0], s1  }
0x208: {  	s0 =	simm.s32 @!p0 $0x3  }
0x209: {  	_ =	swait.ge @!p0 [sflag:s0], s1  }
0x20a: {  	s1 =	ssub.s32 @!p0 $0x0, s1;
	[sflag:s0] =	ssyncset.done @!p0 $0x0  }
0x20b: {  	[sflag:s0] =	ssyncadd.s32 @!p0 s1  }
0x20c: {  	[bflag:$0x3] =	sbarrier.arrive $0xFFFF  }
0x20d: {  	_ =	shalt  }

</sc_bundles>
